<compile_context>
chip_gen: v7x
topology: tpu7x:2x2x1
jax: 0.10.2.dev20260603
libtpu: 0.0.44.dev20260713+nightly
codegen_flags: <defaults>
</compile_context>

<pallas_src>
import functools

import jax
import jax.numpy as jnp
from jax import lax
from jax.experimental import pallas as pl
from jax.experimental.pallas import tpu as pltpu
from jax.experimental.pallas import tpu_sc as plsc

N = 10000
B = 8
NB = N // B
K = 16
NBP = 1280
RB = 128
RBK = 256
N2 = B * NBP
C = 32
RBU = 1024

_NC, _NS = 2, 16
_NW = _NC * _NS
_IDX_ROWS = (N2 * K) // 128
_ROWS_PER_W = _IDX_ROWS // _NW


def _knn_body(q_ref, ct_ref, idx_ref, d2_ref):
    b = pl.program_id(0)
    q = q_ref[0]
    ct = ct_ref[0]
    dist = jnp.zeros((RBK, NBP), jnp.float32)
    for a in range(3):
        df = q[:, a:a + 1] - ct[a:a + 1, :]
        dist = dist + df * df
    col = lax.broadcasted_iota(jnp.int32, (RBK, NBP), 1)
    dist = jnp.where(col >= NB, 1e30, dist)
    ids, dvs = [], []
    for _ in range(K):
        m = jnp.min(dist, axis=1, keepdims=True)
        j = jnp.min(jnp.where(dist <= m, col, jnp.int32(1 << 30)),
                    axis=1, keepdims=True)
        ids.append(j)
        dvs.append(m)
        dist = jnp.where(col == j, 1e30, dist)
    idx_ref[0] = jnp.concatenate(ids, axis=1) + b * NB
    d2_ref[0] = jnp.maximum(jnp.concatenate(dvs, axis=1), 0.0)


_knn_call = pl.pallas_call(
    _knn_body,
    grid=(B, NBP // RBK),
    in_specs=[
        pl.BlockSpec((1, RBK, 4), lambda b, r: (b, r, 0)),
        pl.BlockSpec((1, 4, NBP), lambda b, r: (b, 0, 0)),
    ],
    out_specs=[
        pl.BlockSpec((1, RBK, K), lambda b, r: (b, r, 0)),
        pl.BlockSpec((1, RBK, K), lambda b, r: (b, r, 0)),
    ],
    out_shape=[
        jax.ShapeDtypeStruct((B, NBP, K), jnp.int32),
        jax.ShapeDtypeStruct((B, NBP, K), jnp.float32),
    ],
)


def _uv_body(x_ref, w1_ref, w2_ref, b_ref, u_ref, v_ref):
    x = x_ref[...]
    u_ref[...] = (jnp.dot(x, w1_ref[...], preferred_element_type=jnp.float32)
                  + b_ref[0:1, :])
    v_ref[...] = jnp.dot(x, w2_ref[...], preferred_element_type=jnp.float32)


def _uv_call(x, w1, w2, bb):
    f = x.shape[1]
    return pl.pallas_call(
        _uv_body,
        grid=(N2 // RBU,),
        in_specs=[
            pl.BlockSpec((RBU, f), lambda i: (i, 0)),
            pl.BlockSpec((f, C), lambda i: (0, 0)),
            pl.BlockSpec((f, C), lambda i: (0, 0)),
            pl.BlockSpec((8, C), lambda i: (0, 0)),
        ],
        out_specs=[
            pl.BlockSpec((RBU, C), lambda i: (i, 0)),
            pl.BlockSpec((RBU, C), lambda i: (i, 0)),
        ],
        out_shape=[
            jax.ShapeDtypeStruct((N2, C), jnp.float32),
            jax.ShapeDtypeStruct((N2, C), jnp.float32),
        ],
    )(x, w1, w2, bb)


def _sc_gather(idx2d, table):
    mesh = plsc.VectorSubcoreMesh(core_axis_name="c", subcore_axis_name="s")

    @functools.partial(
        pl.kernel,
        mesh=mesh,
        compiler_params=pltpu.CompilerParams(use_tc_tiling_on_sc=False),
        out_type=jax.ShapeDtypeStruct((N2 * K, C), jnp.float32),
        scratch_types=[
            pltpu.VMEM((_ROWS_PER_W, 128), jnp.int32),
            pltpu.VMEM((4, 128, C), jnp.float32),
            [pltpu.SemaphoreType.DMA] * 4,
            [pltpu.SemaphoreType.DMA] * 4,
        ],
    )
    def gather_kernel(idx_hbm, table_hbm, out_hbm, idx_v, rows, gsem, ssem):
        w = lax.axis_index("s") * _NC + lax.axis_index("c")
        base = w * _ROWS_PER_W
        pltpu.sync_copy(idx_hbm.at[pl.ds(base, _ROWS_PER_W)], idx_v)
        pltpu.async_copy(table_hbm.at[idx_v.at[0]], rows.at[0], gsem[0])
        pltpu.async_copy(table_hbm.at[idx_v.at[1]], rows.at[1], gsem[1])

        def body(gi, carry):
            c0 = 4 * gi
            for p in range(4):
                c = c0 + p
                q = (p + 2) % 4

                @pl.when(c >= 2)
                def _drain_old_store():
                    pltpu.make_async_copy(
                        rows.at[q],
                        out_hbm.at[pl.ds((base + c - 2) * 128, 128)],
                        ssem[q]).wait()

                @pl.when(c + 2 < _ROWS_PER_W)
                def _fire_gather():
                    pltpu.async_copy(table_hbm.at[idx_v.at[c + 2]],
                                     rows.at[q], gsem[q])

                pltpu.make_async_copy(table_hbm.at[idx_v.at[c]], rows.at[p],
                                      gsem[p]).wait()
                pltpu.async_copy(rows.at[p],
                                 out_hbm.at[pl.ds((base + c) * 128, 128)],
                                 ssem[p])
            return carry

        lax.fori_loop(0, _ROWS_PER_W // 4, body, 0)
        for c in (_ROWS_PER_W - 2, _ROWS_PER_W - 1):
            pltpu.make_async_copy(rows.at[c % 4],
                                  out_hbm.at[pl.ds((base + c) * 128, 128)],
                                  ssem[c % 4]).wait()

    return gather_kernel(idx2d, table)


KC = K * C


def _stats_body(g_ref, u_ref, s1_ref, s2_ref):
    i = pl.program_id(0)

    @pl.when(i == 0)
    def _init():
        s1_ref[...] = jnp.zeros_like(s1_ref)
        s2_ref[...] = jnp.zeros_like(s2_ref)

    gf = g_ref[...]
    h = jnp.maximum(jnp.tile(u_ref[...], (1, K)) + gf, 0.0)
    node = i * RB + lax.broadcasted_iota(jnp.int32, (RB, KC), 0)
    h = jnp.where(node < N, h, 0.0)
    hr = h.reshape(8, RB // 8, KC)
    s1_ref[...] += jnp.sum(hr, axis=1)
    s2_ref[...] += jnp.sum(hr * hr, axis=1)


_stats_call = pl.pallas_call(
    _stats_body,
    grid=(N2 // RB,),
    in_specs=[
        pl.BlockSpec((RB, KC), lambda i: (i, 0)),
        pl.BlockSpec((RB, C), lambda i: (i, 0)),
    ],
    out_specs=[
        pl.BlockSpec((8, KC), lambda i: (0, 0)),
        pl.BlockSpec((8, KC), lambda i: (0, 0)),
    ],
    out_shape=[
        jax.ShapeDtypeStruct((8, KC), jnp.float32),
        jax.ShapeDtypeStruct((8, KC), jnp.float32),
    ],
)


def _conv_body(g_ref, u_ref, d2_ref, s1_ref, s2_ref, gb_ref, wkb_ref,
               wqb_ref, eb_ref, sb_ref, o_ref):
    inv_cnt = jnp.float32(1.0 / (N * K))
    m8 = jnp.dot(s1_ref[...], sb_ref[...],
                 preferred_element_type=jnp.float32)
    e8 = jnp.dot(s2_ref[...], sb_ref[...],
                 preferred_element_type=jnp.float32)
    m_c = jnp.sum(m8, axis=0, keepdims=True) * inv_cnt
    e2_c = jnp.sum(e8, axis=0, keepdims=True) * inv_cnt
    rg_c = gb_ref[0:1, :] / jnp.sqrt(e2_c - m_c * m_c + 1e-5)
    mean_t = jnp.tile(m_c, (1, K))
    rg_t = jnp.tile(rg_c, (1, K))
    bet_t = jnp.tile(gb_ref[1:2, :], (1, K))
    gf = g_ref[...]
    h = jnp.maximum(jnp.tile(u_ref[...], (1, K)) + gf, 0.0)
    hn = (h - mean_t) * rg_t + bet_t
    km = jnp.dot(hn, wkb_ref[...],
                 preferred_element_type=jnp.float32)
    qm = jnp.dot(hn, wqb_ref[...],
                 preferred_element_type=jnp.float32)
    rt = qm[:, :, None] * km[:, None, :]
    rmax = jnp.max(rt, axis=2, keepdims=True)
    ex = jnp.exp(rt - rmax)
    scale = 2.0 * jax.nn.sigmoid(-jnp.sqrt(d2_ref[...]))
    fac = (scale[:, :, None] / jnp.sum(ex, axis=2, keepdims=True))
    atts = ex * fac
    out = jnp.full((RB, C), -1e30, jnp.float32)
    for l2 in range(K):
        ae = jnp.dot(atts[:, l2, :], eb_ref[...],
                     preferred_element_type=jnp.float32)
        hl = jnp.dot(hn * ae, sb_ref[...],
                     preferred_element_type=jnp.float32)
        out = jnp.maximum(out, hl)
    o_ref[...] = out


_conv_call = pl.pallas_call(
    _conv_body,
    grid=(N2 // RB,),
    in_specs=[
        pl.BlockSpec((RB, KC), lambda i: (i, 0)),
        pl.BlockSpec((RB, C), lambda i: (i, 0)),
        pl.BlockSpec((RB, K), lambda i: (i, 0)),
        pl.BlockSpec((8, KC), lambda i: (0, 0)),
        pl.BlockSpec((8, KC), lambda i: (0, 0)),
        pl.BlockSpec((8, C), lambda i: (0, 0)),
        pl.BlockSpec((KC, K), lambda i: (0, 0)),
        pl.BlockSpec((KC, K), lambda i: (0, 0)),
        pl.BlockSpec((K, KC), lambda i: (0, 0)),
        pl.BlockSpec((KC, C), lambda i: (0, 0)),
    ],
    out_specs=pl.BlockSpec((RB, C), lambda i: (i, 0)),
    out_shape=jax.ShapeDtypeStruct((N2, C), jnp.float32),
)


def kernel(pillar_features, voxel_coords, W0, b0, g0, beta0, Wk0, Wq0,
           W1, b1, g1, beta1, Wk1, Wq1):
    coords = voxel_coords.astype(jnp.float32)
    pos = coords[:, 1:4].reshape(B, NB, 3)
    posp = jnp.pad(pos, ((0, 0), (0, NBP - NB), (0, 1)))
    post = jnp.transpose(posp, (0, 2, 1))
    idxg, d2g = _knn_call(posp, post)
    idx = idxg[:, :NB, :].reshape(N * K)
    d2p = jnp.pad(d2g[:, :NB, :].reshape(N, K), ((0, N2 - N), (0, 0)))
    idx2d = jnp.pad(idx, (0, (N2 - N) * K)).reshape(_IDX_ROWS, 128)

    feats = jnp.pad(pillar_features.astype(jnp.float32),
                    ((0, N2 - N), (0, 4)))
    ar = jnp.arange(KC)
    eb = jnp.zeros((K, KC), jnp.float32).at[ar // C, ar].set(1.0)
    sb = jnp.zeros((KC, C), jnp.float32).at[ar, ar % C].set(1.0)
    for (W, bias, gamma, beta, Wk, Wq) in (
            (W0, b0, g0, beta0, Wk0, Wq0), (W1, b1, g1, beta1, Wk1, Wq1)):
        fin = W.shape[1] // 2
        f = feats.shape[1]
        wa, wb = W[:, :fin], W[:, fin:]
        w1 = jnp.zeros((f, C), jnp.float32).at[:fin].set((wa - wb).T)
        w2 = jnp.zeros((f, C), jnp.float32).at[:fin].set(wb.T)
        bb = jnp.broadcast_to(bias[None, :], (8, C))
        u, v = _uv_call(feats, w1, w2, bb)
        g = _sc_gather(idx2d, v).reshape(N2, KC)
        s1, s2 = _stats_call(g, u)
        gb = jnp.concatenate([gamma[None], beta[None],
                              jnp.zeros((6, C), jnp.float32)], axis=0)
        wkb = jnp.zeros((KC, K), jnp.float32).at[ar, ar // C].set(
            jnp.tile(Wk[0], K))
        wqb = jnp.zeros((KC, K), jnp.float32).at[ar, ar // C].set(
            jnp.tile(Wq[0], K))
        feats = _conv_call(g, u, d2p, s1, s2, gb, wkb, wqb, eb, sb)
    return feats[:N], voxel_coords

# --- scband reference (transcript-rebuilt; emitter-appended) ---
"""Pipeline reference for scband-plain-gcn-47991964565664 (READ-ONLY COPY).

The authoritative reference and input builder live on the scoring server;
editing this copy changes nothing except your own understanding.
"""

import jax, jax.numpy as jnp
import numpy as np

N = 10000
B = 8
K_NN = 16
CHANNELS = [4, 32, 32]


def _index_select(x, idx):
    # x: [N, F, 1], idx: [M, K] -> [M, F, K]
    sel = x[idx, :, 0]  # [M, K, F]
    return jnp.transpose(sel, (0, 2, 1))


def _knn(pos, batch_idx, k):
    # pos: [N, 3, 1]; batch_idx sorted, equal-size batches (as built in setup_inputs)
    n = pos.shape[0]
    b = B
    nb = n // b
    p = pos[:, :, 0].reshape(b, nb, 3)
    diff = p[:, :, None, :] - p[:, None, :, :]  # [b, nb, nb, 3]
    dis = jnp.sum(diff * diff, axis=-1)  # [b, nb, nb]
    _, idx = jax.lax.top_k(-dis, k)  # [b, nb, k]
    base = (batch_idx.reshape(b, nb)[:, 0] * nb)[:, None, None]
    return (idx + base).reshape(n, k)


def _edge_conv(x, index, pos, W, bias, gamma, beta, Wk, Wq):
    n, k = index.shape
    x_i = jnp.tile(x, (1, 1, k))  # [N, F, k]
    x_j = _index_select(x, index)  # [N, F, k]
    feat = jnp.concatenate([x_i, x_j - x_i], axis=1)  # [N, 2F, k]
    h = jnp.einsum('oc,ncl->nol', W, feat) + bias[None, :, None]
    h = jax.nn.relu(h)
    # BatchNorm1d, training mode (fresh torch module default): biased batch stats over (N, L)
    mean = h.mean(axis=(0, 2))
    var = h.var(axis=(0, 2))
    h = (h - mean[None, :, None]) / jnp.sqrt(var[None, :, None] + 1e-5)
    h = h * gamma[None, :, None] + beta[None, :, None]
    # attention (merge=True -> 1 head)
    Km = jnp.einsum('oc,ncl->nol', Wk, h)  # [N, 1, k]
    Qm = jnp.einsum('oc,ncl->nol', Wq, h)  # [N, 1, k]
    r = jnp.matmul(jnp.transpose(Km, (0, 2, 1)), Qm)  # [N, k, k]
    att = jax.nn.softmax(r, axis=1)
    h = jnp.matmul(h, att)  # [N, out, k]
    # distance scaling (diss=True)
    pos_i = jnp.tile(pos, (1, 1, k))
    pos_j = _index_select(pos, index)
    vec = pos_j - pos_i
    dis = jnp.sqrt(jnp.sum(vec * vec, axis=1, keepdims=True))  # [N, 1, k]
    scale = 2.0 * jax.nn.sigmoid(-dis)
    return jnp.max(scale * h, axis=-1, keepdims=True)  # [N, out, 1]


def setup_inputs() -> dict:
    key = jax.random.PRNGKey(0)
    ks = jax.random.split(key, 20)
    pillar_features = jax.random.normal(ks[0], (N, CHANNELS[0]), dtype=jnp.float32)
    batch_col = (jnp.arange(N) // (N // B)).astype(jnp.float32)[:, None]
    pos = jax.random.uniform(ks[1], (N, 3), dtype=jnp.float32) * 50.0
    voxel_coords = jnp.concatenate([batch_col, pos], axis=1)
    params = {}
    ki = 2
    for i in range(len(CHANNELS) - 1):
        cin, cout = CHANNELS[i], CHANNELS[i + 1]
        params['W%d' % i] = jax.random.normal(ks[ki], (cout, 2 * cin), dtype=jnp.float32) * (1.0 / np.sqrt(2 * cin)); ki += 1
        params['b%d' % i] = jnp.zeros((cout,), dtype=jnp.float32)
        params['g%d' % i] = jnp.ones((cout,), dtype=jnp.float32)
        params['beta%d' % i] = jnp.zeros((cout,), dtype=jnp.float32)
        params['Wk%d' % i] = jax.random.normal(ks[ki], (1, cout), dtype=jnp.float32) * (1.0 / np.sqrt(cout)); ki += 1
        params['Wq%d' % i] = jax.random.normal(ks[ki], (1, cout), dtype=jnp.float32) * (1.0 / np.sqrt(cout)); ki += 1
    out = {'pillar_features': pillar_features, 'voxel_coords': voxel_coords}
    out.update(params)
    return out


def reference(pillar_features, voxel_coords, W0, b0, g0, beta0, Wk0, Wq0, W1, b1, g1, beta1, Wk1, Wq1):
    coords = voxel_coords.astype(jnp.float32)
    features = pillar_features[:, :, None]  # [N, F, 1]
    pos = coords[:, 1:4][:, :, None]  # [N, 3, 1]
    batch_idx = coords[:, 0].astype(jnp.int32)
    index = _knn(pos, batch_idx, K_NN)  # [N, K]
    layer_params = [(W0, b0, g0, beta0, Wk0, Wq0), (W1, b1, g1, beta1, Wk1, Wq1)]
    for (W, bias, gamma, beta, Wk, Wq) in layer_params:
        features = _edge_conv(features, index, pos, W, bias, gamma, beta, Wk, Wq)
    features = features[:, :, 0]  # squeeze -> [N, out]
    return (features, voxel_coords)

if __name__ == "__main__":
    import jax
    _d = setup_inputs()
    print(jax.jit(kernel)(*tuple(_d.values())))

</pallas_src>

<mosaic_0001>
#map = affine_map<(d0, d1) -> (0, 0)>
module attributes {stable_mosaic.version = 14 : i64} {
  func.func @gather_kernel(%arg0: i32, %arg1: i32, %arg2: memref<1280x128xi32, #tpu.memory_space<hbm>>, %arg3: memref<10240x32xf32, #tpu.memory_space<hbm>>, %arg4: memref<163840x32xf32, #tpu.memory_space<hbm>>, %arg5: memref<40x128xi32, #tpu.memory_space<vmem>>, %arg6: memref<4x128x32xf32, #tpu.memory_space<vmem>>, %arg7: memref<!tpu.dma_semaphore, #tpu.memory_space<semaphore_mem>>, %arg8: memref<!tpu.dma_semaphore, #tpu.memory_space<semaphore_mem>>, %arg9: memref<!tpu.dma_semaphore, #tpu.memory_space<semaphore_mem>>, %arg10: memref<!tpu.dma_semaphore, #tpu.memory_space<semaphore_mem>>, %arg11: memref<!tpu.dma_semaphore, #tpu.memory_space<semaphore_mem>>, %arg12: memref<!tpu.dma_semaphore, #tpu.memory_space<semaphore_mem>>, %arg13: memref<!tpu.dma_semaphore, #tpu.memory_space<semaphore_mem>>, %arg14: memref<!tpu.dma_semaphore, #tpu.memory_space<semaphore_mem>>) attributes {dimension_semantics = [#tpu.dimension_semantics<core_parallel>, #tpu.dimension_semantics<subcore_parallel>], iteration_bounds = array<i64: 2, 16>, scalar_prefetch = 0 : i64, scratch_operands = 10 : i64, tpu.core_type = #tpu.core_type<sc_vector_subcore>, window_params = [{transform_indices = #map}, {transform_indices = #map}, {transform_indices = #map}]} {
    %mul3A = arith.constant 2 : i32
    %mul3A_0 = arith.muli %arg1, %mul3A : i32
    %add3A = arith.addi %mul3A_0, %arg0 : i32
    %mul3A_1 = arith.constant 40 : i32
    %mul3A_2 = arith.muli %add3A, %mul3A_1 : i32
    "tpu.region"() ({
      %run_scoped3A = tpu.sem_alloc : memref<!tpu.dma_semaphore, #tpu.memory_space<semaphore_mem>>
      %dma_start3A_64 = arith.constant 0 : i32
      %dma_start3A_65 = tpu.memref_slice %arg2[%mul3A_2, %dma_start3A_64] : memref<1280x128xi32, #tpu.memory_space<hbm>> -> memref<40x128xi32, #tpu.memory_space<hbm>>
      %dma_start3A_66 = arith.constant 0 : i32
      %dma_start3A_67 = tpu.memref_slice %arg2[%mul3A_2, %dma_start3A_66] : memref<1280x128xi32, #tpu.memory_space<hbm>> -> memref<40x128xi32, #tpu.memory_space<hbm>>
      tpu.enqueue_dma source(%dma_start3A_67 : memref<40x128xi32, #tpu.memory_space<hbm>>) target(%arg5 : memref<40x128xi32, #tpu.memory_space<vmem>>) target_semaphore(%run_scoped3A : memref<!tpu.dma_semaphore, #tpu.memory_space<semaphore_mem>>)
      %dma_wait3A_68 = arith.constant 0 : i32
      %dma_wait3A_69 = tpu.memref_slice %arg2[%mul3A_2, %dma_wait3A_68] : memref<1280x128xi32, #tpu.memory_space<hbm>> -> memref<40x128xi32, #tpu.memory_space<hbm>>
      %dma_wait3A_70 = arith.constant 0 : i32
      %dma_wait3A_71 = tpu.memref_slice %arg2[%mul3A_2, %dma_wait3A_70] : memref<1280x128xi32, #tpu.memory_space<hbm>> -> memref<40x128xi32, #tpu.memory_space<hbm>>
      tpu.wait_dma2 semaphore(%run_scoped3A : memref<!tpu.dma_semaphore, #tpu.memory_space<semaphore_mem>>) src(%dma_wait3A_71 : memref<40x128xi32, #tpu.memory_space<hbm>>) dst(%arg5 : memref<40x128xi32, #tpu.memory_space<vmem>>)
      tpu.yield
    }) : () -> ()
    %dma_start3A = arith.constant 0 : i32
    %dma_start3A_3 = arith.constant 0 : i32
    %dma_start3A_4 = arith.constant 0 : i32
    %dma_start3A_5 = arith.constant 0 : i32
    %dma_start3A_6 = tpu.memref_slice %arg6[%dma_start3A_3, %dma_start3A_4, %dma_start3A_5] : memref<4x128x32xf32, #tpu.memory_space<vmem>> -> memref<1x128x32xf32, #tpu.memory_space<vmem>>
    %dma_start3A_7 = tpu.memref_squeeze %dma_start3A_6 : memref<1x128x32xf32, #tpu.memory_space<vmem>> -> memref<128x32xf32, #tpu.memory_space<vmem>>
    %dma_start3A_8 = arith.constant 0 : i32
    %dma_start3A_9 = tpu.memref_slice %arg5[%dma_start3A, %dma_start3A_8] : memref<40x128xi32, #tpu.memory_space<vmem>> -> memref<1x128xi32, #tpu.memory_space<vmem>>
    %dma_start3A_10 = tpu.memref_squeeze %dma_start3A_9 : memref<1x128xi32, #tpu.memory_space<vmem>> -> memref<128xi32, #tpu.memory_space<vmem>>
    %dma_start3A_11 = arith.constant 0 : i32
    %dma_start3A_12 = arith.constant 0 : i32
    %dma_start3A_13 = tpu.memref_slice %arg3[%dma_start3A_11, %dma_start3A_12] : memref<10240x32xf32, #tpu.memory_space<hbm>> -> memref<10240x32xf32, #tpu.memory_space<hbm>>
    tpu.enqueue_indirect_dma source(%dma_start3A_13 : memref<10240x32xf32, #tpu.memory_space<hbm>>) target(%dma_start3A_7 : memref<128x32xf32, #tpu.memory_space<vmem>>) offsets(%dma_start3A_10 : memref<128xi32, #tpu.memory_space<vmem>>) semaphore(%arg7 : memref<!tpu.dma_semaphore, #tpu.memory_space<semaphore_mem>>)
    %dma_start3A_14 = arith.constant 1 : i32
    %dma_start3A_15 = arith.constant 1 : i32
    %dma_start3A_16 = arith.constant 0 : i32
    %dma_start3A_17 = arith.constant 0 : i32
    %dma_start3A_18 = tpu.memref_slice %arg6[%dma_start3A_15, %dma_start3A_16, %dma_start3A_17] : memref<4x128x32xf32, #tpu.memory_space<vmem>> -> memref<1x128x32xf32, #tpu.memory_space<vmem>>
    %dma_start3A_19 = tpu.memref_squeeze %dma_start3A_18 : memref<1x128x32xf32, #tpu.memory_space<vmem>> -> memref<128x32xf32, #tpu.memory_space<vmem>>
    %dma_start3A_20 = arith.constant 0 : i32
    %dma_start3A_21 = tpu.memref_slice %arg5[%dma_start3A_14, %dma_start3A_20] : memref<40x128xi32, #tpu.memory_space<vmem>> -> memref<1x128xi32, #tpu.memory_space<vmem>>
    %dma_start3A_22 = tpu.memref_squeeze %dma_start3A_21 : memref<1x128xi32, #tpu.memory_space<vmem>> -> memref<128xi32, #tpu.memory_space<vmem>>
    %dma_start3A_23 = arith.constant 0 : i32
    %dma_start3A_24 = arith.constant 0 : i32
    %dma_start3A_25 = tpu.memref_slice %arg3[%dma_start3A_23, %dma_start3A_24] : memref<10240x32xf32, #tpu.memory_space<hbm>> -> memref<10240x32xf32, #tpu.memory_space<hbm>>
    tpu.enqueue_indirect_dma source(%dma_start3A_25 : memref<10240x32xf32, #tpu.memory_space<hbm>>) target(%dma_start3A_19 : memref<128x32xf32, #tpu.memory_space<vmem>>) offsets(%dma_start3A_22 : memref<128xi32, #tpu.memory_space<vmem>>) semaphore(%arg8 : memref<!tpu.dma_semaphore, #tpu.memory_space<semaphore_mem>>)
    %scan3A = arith.constant 0 : i32
    %scan3A_26 = arith.constant 0 : i32
    %scan3A_27 = arith.constant 10 : i32
    %scan3A_28 = arith.addi %scan3A_26, %scan3A_27 : i32
    %scan3A_29 = arith.constant 1 : i32
    scf.for %scan3A_64 = %scan3A_26 to %scan3A_28 step %scan3A_29  : i32 {
      %mul3A_65 = arith.constant 4 : i32
      %mul3A_66 = arith.muli %mul3A_65, %scan3A_64 : i32
      %add3A_67 = arith.constant 0 : i32
      %add3A_68 = arith.addi %mul3A_66, %add3A_67 : i32
      %ge3A = arith.constant 2 : i32
      %ge3A_69 = arith.cmpi sge, %add3A_68, %ge3A : i32
      %convert_element_type3A = arith.extui %ge3A_69 : i1 to i32
      %cond3A = arith.constant 0 : i32
      %cond3A_70 = arith.cmpi ne, %convert_element_type3A, %cond3A : i32
      scf.if %cond3A_70 {
        %add3A_227 = arith.addi %mul3A_2, %add3A_68 : i32
        %sub3A = arith.constant 2 : i32
        %sub3A_228 = arith.subi %add3A_227, %sub3A : i32
        %mul3A_229 = arith.constant 128 : i32
        %mul3A_230 = arith.muli %sub3A_228, %mul3A_229 : i32
        %dma_wait3A_231 = arith.constant 2 : i32
        %dma_wait3A_232 = arith.constant 0 : i32
        %dma_wait3A_233 = arith.constant 0 : i32
        %dma_wait3A_234 = tpu.memref_slice %arg6[%dma_wait3A_231, %dma_wait3A_232, %dma_wait3A_233] : memref<4x128x32xf32, #tpu.memory_space<vmem>> -> memref<1x128x32xf32, #tpu.memory_space<vmem>>
        %dma_wait3A_235 = tpu.memref_squeeze %dma_wait3A_234 : memref<1x128x32xf32, #tpu.memory_space<vmem>> -> memref<128x32xf32, #tpu.memory_space<vmem>>
        %dma_wait3A_236 = arith.constant 0 : i32
        %dma_wait3A_237 = tpu.memref_slice %arg4[%mul3A_230, %dma_wait3A_236] : memref<163840x32xf32, #tpu.memory_space<hbm>> -> memref<128x32xf32, #tpu.memory_space<hbm>>
        %dma_wait3A_238 = arith.constant 0 : i32
        %dma_wait3A_239 = tpu.memref_slice %arg4[%mul3A_230, %dma_wait3A_238] : memref<163840x32xf32, #tpu.memory_space<hbm>> -> memref<128x32xf32, #tpu.memory_space<hbm>>
        %dma_wait3A_240 = arith.constant 0 : i32
        %dma_wait3A_241 = arith.constant 0 : i32
        %dma_wait3A_242 = tpu.memref_slice %arg6[%dma_wait3A_231, %dma_wait3A_240, %dma_wait3A_241] : memref<4x128x32xf32, #tpu.memory_space<vmem>> -> memref<1x128x32xf32, #tpu.memory_space<vmem>>
        %dma_wait3A_243 = tpu.memref_squeeze %dma_wait3A_242 : memref<1x128x32xf32, #tpu.memory_space<vmem>> -> memref<128x32xf32, #tpu.memory_space<vmem>>
        tpu.wait_dma2 semaphore(%arg13 : memref<!tpu.dma_semaphore, #tpu.memory_space<semaphore_mem>>) src(%dma_wait3A_243 : memref<128x32xf32, #tpu.memory_space<vmem>>) dst(%dma_wait3A_239 : memref<128x32xf32, #tpu.memory_space<hbm>>)
      } else {
      }
      %add3A_71 = arith.constant 2 : i32
      %add3A_72 = arith.addi %add3A_68, %add3A_71 : i32
      %lt3A = arith.constant 40 : i32
      %lt3A_73 = arith.cmpi slt, %add3A_72, %lt3A : i32
      %convert_element_type3A_74 = arith.extui %lt3A_73 : i1 to i32
      %cond3A_75 = arith.constant 0 : i32
      %cond3A_76 = arith.cmpi ne, %convert_element_type3A_74, %cond3A_75 : i32
      scf.if %cond3A_76 {
        %add3A_227 = arith.constant 2 : i32
        %add3A_228 = arith.addi %add3A_68, %add3A_227 : i32
        %dma_start3A_229 = arith.constant 2 : i32
        %dma_start3A_230 = arith.constant 0 : i32
        %dma_start3A_231 = arith.constant 0 : i32
        %dma_start3A_232 = tpu.memref_slice %arg6[%dma_start3A_229, %dma_start3A_230, %dma_start3A_231] : memref<4x128x32xf32, #tpu.memory_space<vmem>> -> memref<1x128x32xf32, #tpu.memory_space<vmem>>
        %dma_start3A_233 = tpu.memref_squeeze %dma_start3A_232 : memref<1x128x32xf32, #tpu.memory_space<vmem>> -> memref<128x32xf32, #tpu.memory_space<vmem>>
        %dma_start3A_234 = arith.constant 0 : i32
        %dma_start3A_235 = tpu.memref_slice %arg5[%add3A_228, %dma_start3A_234] : memref<40x128xi32, #tpu.memory_space<vmem>> -> memref<1x128xi32, #tpu.memory_space<vmem>>
        %dma_start3A_236 = tpu.memref_squeeze %dma_start3A_235 : memref<1x128xi32, #tpu.memory_space<vmem>> -> memref<128xi32, #tpu.memory_space<vmem>>
        %dma_start3A_237 = arith.constant 0 : i32
        %dma_start3A_238 = arith.constant 0 : i32
        %dma_start3A_239 = tpu.memref_slice %arg3[%dma_start3A_237, %dma_start3A_238] : memref<10240x32xf32, #tpu.memory_space<hbm>> -> memref<10240x32xf32, #tpu.memory_space<hbm>>
        tpu.enqueue_indirect_dma source(%dma_start3A_239 : memref<10240x32xf32, #tpu.memory_space<hbm>>) target(%dma_start3A_233 : memref<128x32xf32, #tpu.memory_space<vmem>>) offsets(%dma_start3A_236 : memref<128xi32, #tpu.memory_space<vmem>>) semaphore(%arg9 : memref<!tpu.dma_semaphore, #tpu.memory_space<semaphore_mem>>)
      } else {
      }
      %dma_wait3A_77 = arith.constant 0 : i32
      %dma_wait3A_78 = arith.constant 0 : i32
      %dma_wait3A_79 = arith.constant 0 : i32
      %dma_wait3A_80 = tpu.memref_slice %arg6[%dma_wait3A_77, %dma_wait3A_78, %dma_wait3A_79] : memref<4x128x32xf32, #tpu.memory_space<vmem>> -> memref<1x128x32xf32, #tpu.memory_space<vmem>>
      %dma_wait3A_81 = tpu.memref_squeeze %dma_wait3A_80 : memref<1x128x32xf32, #tpu.memory_space<vmem>> -> memref<128x32xf32, #tpu.memory_space<vmem>>
      %dma_wait3A_82 = arith.constant 0 : i32
      %dma_wait3A_83 = tpu.memref_slice %arg5[%add3A_68, %dma_wait3A_82] : memref<40x128xi32, #tpu.memory_space<vmem>> -> memref<1x128xi32, #tpu.memory_space<vmem>>
      %dma_wait3A_84 = tpu.memref_squeeze %dma_wait3A_83 : memref<1x128xi32, #tpu.memory_space<vmem>> -> memref<128xi32, #tpu.memory_space<vmem>>
      %dma_wait3A_85 = arith.constant 0 : i32
      %dma_wait3A_86 = arith.constant 0 : i32
      %dma_wait3A_87 = tpu.memref_slice %arg3[%dma_wait3A_85, %dma_wait3A_86] : memref<10240x32xf32, #tpu.memory_space<hbm>> -> memref<10240x32xf32, #tpu.memory_space<hbm>>
      tpu.wait_indirect_dma semaphore(%arg7 : memref<!tpu.dma_semaphore, #tpu.memory_space<semaphore_mem>>) src(%dma_wait3A_87 : memref<10240x32xf32, #tpu.memory_space<hbm>>) dst(%dma_wait3A_81 : memref<128x32xf32, #tpu.memory_space<vmem>>)
      %add3A_88 = arith.addi %mul3A_2, %add3A_68 : i32
      %mul3A_89 = arith.constant 128 : i32
      %mul3A_90 = arith.muli %add3A_88, %mul3A_89 : i32
      %dma_start3A_91 = arith.constant 0 : i32
      %dma_start3A_92 = arith.constant 0 : i32
      %dma_start3A_93 = arith.constant 0 : i32
      %dma_start3A_94 = tpu.memref_slice %arg6[%dma_start3A_91, %dma_start3A_92, %dma_start3A_93] : memref<4x128x32xf32, #tpu.memory_space<vmem>> -> memref<1x128x32xf32, #tpu.memory_space<vmem>>
      %dma_start3A_95 = tpu.memref_squeeze %dma_start3A_94 : memref<1x128x32xf32, #tpu.memory_space<vmem>> -> memref<128x32xf32, #tpu.memory_space<vmem>>
      %dma_start3A_96 = arith.constant 0 : i32
      %dma_start3A_97 = tpu.memref_slice %arg4[%mul3A_90, %dma_start3A_96] : memref<163840x32xf32, #tpu.memory_space<hbm>> -> memref<128x32xf32, #tpu.memory_space<hbm>>
      %dma_start3A_98 = arith.constant 0 : i32
      %dma_start3A_99 = tpu.memref_slice %arg4[%mul3A_90, %dma_start3A_98] : memref<163840x32xf32, #tpu.memory_space<hbm>> -> memref<128x32xf32, #tpu.memory_space<hbm>>
      %dma_start3A_100 = arith.constant 0 : i32
      %dma_start3A_101 = arith.constant 0 : i32
      %dma_start3A_102 = tpu.memref_slice %arg6[%dma_start3A_91, %dma_start3A_100, %dma_start3A_101] : memref<4x128x32xf32, #tpu.memory_space<vmem>> -> memref<1x128x32xf32, #tpu.memory_space<vmem>>
      %dma_start3A_103 = tpu.memref_squeeze %dma_start3A_102 : memref<1x128x32xf32, #tpu.memory_space<vmem>> -> memref<128x32xf32, #tpu.memory_space<vmem>>
      tpu.enqueue_dma source(%dma_start3A_103 : memref<128x32xf32, #tpu.memory_space<vmem>>) target(%dma_start3A_99 : memref<128x32xf32, #tpu.memory_space<hbm>>) target_semaphore(%arg11 : memref<!tpu.dma_semaphore, #tpu.memory_space<semaphore_mem>>)
      %add3A_104 = arith.constant 1 : i32
      %add3A_105 = arith.addi %mul3A_66, %add3A_104 : i32
      %ge3A_106 = arith.constant 2 : i32
      %ge3A_107 = arith.cmpi sge, %add3A_105, %ge3A_106 : i32
      %convert_element_type3A_108 = arith.extui %ge3A_107 : i1 to i32
      %cond3A_109 = arith.constant 0 : i32
      %cond3A_110 = arith.cmpi ne, %convert_element_type3A_108, %cond3A_109 : i32
      scf.if %cond3A_110 {
        %add3A_227 = arith.addi %mul3A_2, %add3A_105 : i32
        %sub3A = arith.constant 2 : i32
        %sub3A_228 = arith.subi %add3A_227, %sub3A : i32
        %mul3A_229 = arith.constant 128 : i32
        %mul3A_230 = arith.muli %sub3A_228, %mul3A_229 : i32
        %dma_wait3A_231 = arith.constant 3 : i32
        %dma_wait3A_232 = arith.constant 0 : i32
        %dma_wait3A_233 = arith.constant 0 : i32
        %dma_wait3A_234 = tpu.memref_slice %arg6[%dma_wait3A_231, %dma_wait3A_232, %dma_wait3A_233] : memref<4x128x32xf32, #tpu.memory_space<vmem>> -> memref<1x128x32xf32, #tpu.memory_space<vmem>>
        %dma_wait3A_235 = tpu.memref_squeeze %dma_wait3A_234 : memref<1x128x32xf32, #tpu.memory_space<vmem>> -> memref<128x32xf32, #tpu.memory_space<vmem>>
        %dma_wait3A_236 = arith.constant 0 : i32
        %dma_wait3A_237 = tpu.memref_slice %arg4[%mul3A_230, %dma_wait3A_236] : memref<163840x32xf32, #tpu.memory_space<hbm>> -> memref<128x32xf32, #tpu.memory_space<hbm>>
        %dma_wait3A_238 = arith.constant 0 : i32
        %dma_wait3A_239 = tpu.memref_slice %arg4[%mul3A_230, %dma_wait3A_238] : memref<163840x32xf32, #tpu.memory_space<hbm>> -> memref<128x32xf32, #tpu.memory_space<hbm>>
        %dma_wait3A_240 = arith.constant 0 : i32
        %dma_wait3A_241 = arith.constant 0 : i32
        %dma_wait3A_242 = tpu.memref_slice %arg6[%dma_wait3A_231, %dma_wait3A_240, %dma_wait3A_241] : memref<4x128x32xf32, #tpu.memory_space<vmem>> -> memref<1x128x32xf32, #tpu.memory_space<vmem>>
        %dma_wait3A_243 = tpu.memref_squeeze %dma_wait3A_242 : memref<1x128x32xf32, #tpu.memory_space<vmem>> -> memref<128x32xf32, #tpu.memory_space<vmem>>
        tpu.wait_dma2 semaphore(%arg14 : memref<!tpu.dma_semaphore, #tpu.memory_space<semaphore_mem>>) src(%dma_wait3A_243 : memref<128x32xf32, #tpu.memory_space<vmem>>) dst(%dma_wait3A_239 : memref<128x32xf32, #tpu.memory_space<hbm>>)
      } else {
      }
      %add3A_111 = arith.constant 2 : i32
      %add3A_112 = arith.addi %add3A_105, %add3A_111 : i32
      %lt3A_113 = arith.constant 40 : i32
      %lt3A_114 = arith.cmpi slt, %add3A_112, %lt3A_113 : i32
      %convert_element_type3A_115 = arith.extui %lt3A_114 : i1 to i32
      %cond3A_116 = arith.constant 0 : i32
      %cond3A_117 = arith.cmpi ne, %convert_element_type3A_115, %cond3A_116 : i32
      scf.if %cond3A_117 {
        %add3A_227 = arith.constant 2 : i32
        %add3A_228 = arith.addi %add3A_105, %add3A_227 : i32
        %dma_start3A_229 = arith.constant 3 : i32
        %dma_start3A_230 = arith.constant 0 : i32
        %dma_start3A_231 = arith.constant 0 : i32
        %dma_start3A_232 = tpu.memref_slice %arg6[%dma_start3A_229, %dma_start3A_230, %dma_start3A_231] : memref<4x128x32xf32, #tpu.memory_space<vmem>> -> memref<1x128x32xf32, #tpu.memory_space<vmem>>
        %dma_start3A_233 = tpu.memref_squeeze %dma_start3A_232 : memref<1x128x32xf32, #tpu.memory_space<vmem>> -> memref<128x32xf32, #tpu.memory_space<vmem>>
        %dma_start3A_234 = arith.constant 0 : i32
        %dma_start3A_235 = tpu.memref_slice %arg5[%add3A_228, %dma_start3A_234] : memref<40x128xi32, #tpu.memory_space<vmem>> -> memref<1x128xi32, #tpu.memory_space<vmem>>
        %dma_start3A_236 = tpu.memref_squeeze %dma_start3A_235 : memref<1x128xi32, #tpu.memory_space<vmem>> -> memref<128xi32, #tpu.memory_space<vmem>>
        %dma_start3A_237 = arith.constant 0 : i32
        %dma_start3A_238 = arith.constant 0 : i32
        %dma_start3A_239 = tpu.memref_slice %arg3[%dma_start3A_237, %dma_start3A_238] : memref<10240x32xf32, #tpu.memory_space<hbm>> -> memref<10240x32xf32, #tpu.memory_space<hbm>>
        tpu.enqueue_indirect_dma source(%dma_start3A_239 : memref<10240x32xf32, #tpu.memory_space<hbm>>) target(%dma_start3A_233 : memref<128x32xf32, #tpu.memory_space<vmem>>) offsets(%dma_start3A_236 : memref<128xi32, #tpu.memory_space<vmem>>) semaphore(%arg10 : memref<!tpu.dma_semaphore, #tpu.memory_space<semaphore_mem>>)
      } else {
      }
      %dma_wait3A_118 = arith.constant 1 : i32
      %dma_wait3A_119 = arith.constant 0 : i32
      %dma_wait3A_120 = arith.constant 0 : i32
      %dma_wait3A_121 = tpu.memref_slice %arg6[%dma_wait3A_118, %dma_wait3A_119, %dma_wait3A_120] : memref<4x128x32xf32, #tpu.memory_space<vmem>> -> memref<1x128x32xf32, #tpu.memory_space<vmem>>
      %dma_wait3A_122 = tpu.memref_squeeze %dma_wait3A_121 : memref<1x128x32xf32, #tpu.memory_space<vmem>> -> memref<128x32xf32, #tpu.memory_space<vmem>>
      %dma_wait3A_123 = arith.constant 0 : i32
      %dma_wait3A_124 = tpu.memref_slice %arg5[%add3A_105, %dma_wait3A_123] : memref<40x128xi32, #tpu.memory_space<vmem>> -> memref<1x128xi32, #tpu.memory_space<vmem>>
      %dma_wait3A_125 = tpu.memref_squeeze %dma_wait3A_124 : memref<1x128xi32, #tpu.memory_space<vmem>> -> memref<128xi32, #tpu.memory_space<vmem>>
      %dma_wait3A_126 = arith.constant 0 : i32
      %dma_wait3A_127 = arith.constant 0 : i32
      %dma_wait3A_128 = tpu.memref_slice %arg3[%dma_wait3A_126, %dma_wait3A_127] : memref<10240x32xf32, #tpu.memory_space<hbm>> -> memref<10240x32xf32, #tpu.memory_space<hbm>>
      tpu.wait_indirect_dma semaphore(%arg8 : memref<!tpu.dma_semaphore, #tpu.memory_space<semaphore_mem>>) src(%dma_wait3A_128 : memref<10240x32xf32, #tpu.memory_space<hbm>>) dst(%dma_wait3A_122 : memref<128x32xf32, #tpu.memory_space<vmem>>)
      %add3A_129 = arith.addi %mul3A_2, %add3A_105 : i32
      %mul3A_130 = arith.constant 128 : i32
      %mul3A_131 = arith.muli %add3A_129, %mul3A_130 : i32
      %dma_start3A_132 = arith.constant 1 : i32
      %dma_start3A_133 = arith.constant 0 : i32
      %dma_start3A_134 = arith.constant 0 : i32
      %dma_start3A_135 = tpu.memref_slice %arg6[%dma_start3A_132, %dma_start3A_133, %dma_start3A_134] : memref<4x128x32xf32, #tpu.memory_space<vmem>> -> memref<1x128x32xf32, #tpu.memory_space<vmem>>
      %dma_start3A_136 = tpu.memref_squeeze %dma_start3A_135 : memref<1x128x32xf32, #tpu.memory_space<vmem>> -> memref<128x32xf32, #tpu.memory_space<vmem>>
      %dma_start3A_137 = arith.constant 0 : i32
      %dma_start3A_138 = tpu.memref_slice %arg4[%mul3A_131, %dma_start3A_137] : memref<163840x32xf32, #tpu.memory_space<hbm>> -> memref<128x32xf32, #tpu.memory_space<hbm>>
      %dma_start3A_139 = arith.constant 0 : i32
      %dma_start3A_140 = tpu.memref_slice %arg4[%mul3A_131, %dma_start3A_139] : memref<163840x32xf32, #tpu.memory_space<hbm>> -> memref<128x32xf32, #tpu.memory_space<hbm>>
      %dma_start3A_141 = arith.constant 0 : i32
      %dma_start3A_142 = arith.constant 0 : i32
      %dma_start3A_143 = tpu.memref_slice %arg6[%dma_start3A_132, %dma_start3A_141, %dma_start3A_142] : memref<4x128x32xf32, #tpu.memory_space<vmem>> -> memref<1x128x32xf32, #tpu.memory_space<vmem>>
      %dma_start3A_144 = tpu.memref_squeeze %dma_start3A_143 : memref<1x128x32xf32, #tpu.memory_space<vmem>> -> memref<128x32xf32, #tpu.memory_space<vmem>>
      tpu.enqueue_dma source(%dma_start3A_144 : memref<128x32xf32, #tpu.memory_space<vmem>>) target(%dma_start3A_140 : memref<128x32xf32, #tpu.memory_space<hbm>>) target_semaphore(%arg12 : memref<!tpu.dma_semaphore, #tpu.memory_space<semaphore_mem>>)
      %add3A_145 = arith.constant 2 : i32
      %add3A_146 = arith.addi %mul3A_66, %add3A_145 : i32
      %ge3A_147 = arith.constant 2 : i32
      %ge3A_148 = arith.cmpi sge, %add3A_146, %ge3A_147 : i32
      %convert_element_type3A_149 = arith.extui %ge3A_148 : i1 to i32
      %cond3A_150 = arith.constant 0 : i32
      %cond3A_151 = arith.cmpi ne, %convert_element_type3A_149, %cond3A_150 : i32
      scf.if %cond3A_151 {
        %add3A_227 = arith.addi %mul3A_2, %add3A_146 : i32
        %sub3A = arith.constant 2 : i32
        %sub3A_228 = arith.subi %add3A_227, %sub3A : i32
        %mul3A_229 = arith.constant 128 : i32
        %mul3A_230 = arith.muli %sub3A_228, %mul3A_229 : i32
        %dma_wait3A_231 = arith.constant 0 : i32
        %dma_wait3A_232 = arith.constant 0 : i32
        %dma_wait3A_233 = arith.constant 0 : i32
        %dma_wait3A_234 = tpu.memref_slice %arg6[%dma_wait3A_231, %dma_wait3A_232, %dma_wait3A_233] : memref<4x128x32xf32, #tpu.memory_space<vmem>> -> memref<1x128x32xf32, #tpu.memory_space<vmem>>
        %dma_wait3A_235 = tpu.memref_squeeze %dma_wait3A_234 : memref<1x128x32xf32, #tpu.memory_space<vmem>> -> memref<128x32xf32, #tpu.memory_space<vmem>>
        %dma_wait3A_236 = arith.constant 0 : i32
        %dma_wait3A_237 = tpu.memref_slice %arg4[%mul3A_230, %dma_wait3A_236] : memref<163840x32xf32, #tpu.memory_space<hbm>> -> memref<128x32xf32, #tpu.memory_space<hbm>>
        %dma_wait3A_238 = arith.constant 0 : i32
        %dma_wait3A_239 = tpu.memref_slice %arg4[%mul3A_230, %dma_wait3A_238] : memref<163840x32xf32, #tpu.memory_space<hbm>> -> memref<128x32xf32, #tpu.memory_space<hbm>>
        %dma_wait3A_240 = arith.constant 0 : i32
        %dma_wait3A_241 = arith.constant 0 : i32
        %dma_wait3A_242 = tpu.memref_slice %arg6[%dma_wait3A_231, %dma_wait3A_240, %dma_wait3A_241] : memref<4x128x32xf32, #tpu.memory_space<vmem>> -> memref<1x128x32xf32, #tpu.memory_space<vmem>>
        %dma_wait3A_243 = tpu.memref_squeeze %dma_wait3A_242 : memref<1x128x32xf32, #tpu.memory_space<vmem>> -> memref<128x32xf32, #tpu.memory_space<vmem>>
        tpu.wait_dma2 semaphore(%arg11 : memref<!tpu.dma_semaphore, #tpu.memory_space<semaphore_mem>>) src(%dma_wait3A_243 : memref<128x32xf32, #tpu.memory_space<vmem>>) dst(%dma_wait3A_239 : memref<128x32xf32, #tpu.memory_space<hbm>>)
      } else {
      }
      %add3A_152 = arith.constant 2 : i32
      %add3A_153 = arith.addi %add3A_146, %add3A_152 : i32
      %lt3A_154 = arith.constant 40 : i32
      %lt3A_155 = arith.cmpi slt, %add3A_153, %lt3A_154 : i32
      %convert_element_type3A_156 = arith.extui %lt3A_155 : i1 to i32
      %cond3A_157 = arith.constant 0 : i32
      %cond3A_158 = arith.cmpi ne, %convert_element_type3A_156, %cond3A_157 : i32
      scf.if %cond3A_158 {
        %add3A_227 = arith.constant 2 : i32
        %add3A_228 = arith.addi %add3A_146, %add3A_227 : i32
        %dma_start3A_229 = arith.constant 0 : i32
        %dma_start3A_230 = arith.constant 0 : i32
        %dma_start3A_231 = arith.constant 0 : i32
        %dma_start3A_232 = tpu.memref_slice %arg6[%dma_start3A_229, %dma_start3A_230, %dma_start3A_231] : memref<4x128x32xf32, #tpu.memory_space<vmem>> -> memref<1x128x32xf32, #tpu.memory_space<vmem>>
        %dma_start3A_233 = tpu.memref_squeeze %dma_start3A_232 : memref<1x128x32xf32, #tpu.memory_space<vmem>> -> memref<128x32xf32, #tpu.memory_space<vmem>>
        %dma_start3A_234 = arith.constant 0 : i32
        %dma_start3A_235 = tpu.memref_slice %arg5[%add3A_228, %dma_start3A_234] : memref<40x128xi32, #tpu.memory_space<vmem>> -> memref<1x128xi32, #tpu.memory_space<vmem>>
        %dma_start3A_236 = tpu.memref_squeeze %dma_start3A_235 : memref<1x128xi32, #tpu.memory_space<vmem>> -> memref<128xi32, #tpu.memory_space<vmem>>
        %dma_start3A_237 = arith.constant 0 : i32
        %dma_start3A_238 = arith.constant 0 : i32
        %dma_start3A_239 = tpu.memref_slice %arg3[%dma_start3A_237, %dma_start3A_238] : memref<10240x32xf32, #tpu.memory_space<hbm>> -> memref<10240x32xf32, #tpu.memory_space<hbm>>
        tpu.enqueue_indirect_dma source(%dma_start3A_239 : memref<10240x32xf32, #tpu.memory_space<hbm>>) target(%dma_start3A_233 : memref<128x32xf32, #tpu.memory_space<vmem>>) offsets(%dma_start3A_236 : memref<128xi32, #tpu.memory_space<vmem>>) semaphore(%arg7 : memref<!tpu.dma_semaphore, #tpu.memory_space<semaphore_mem>>)
      } else {
      }
      %dma_wait3A_159 = arith.constant 2 : i32
      %dma_wait3A_160 = arith.constant 0 : i32
      %dma_wait3A_161 = arith.constant 0 : i32
      %dma_wait3A_162 = tpu.memref_slice %arg6[%dma_wait3A_159, %dma_wait3A_160, %dma_wait3A_161] : memref<4x128x32xf32, #tpu.memory_space<vmem>> -> memref<1x128x32xf32, #tpu.memory_space<vmem>>
      %dma_wait3A_163 = tpu.memref_squeeze %dma_wait3A_162 : memref<1x128x32xf32, #tpu.memory_space<vmem>> -> memref<128x32xf32, #tpu.memory_space<vmem>>
      %dma_wait3A_164 = arith.constant 0 : i32
      %dma_wait3A_165 = tpu.memref_slice %arg5[%add3A_146, %dma_wait3A_164] : memref<40x128xi32, #tpu.memory_space<vmem>> -> memref<1x128xi32, #tpu.memory_space<vmem>>
      %dma_wait3A_166 = tpu.memref_squeeze %dma_wait3A_165 : memref<1x128xi32, #tpu.memory_space<vmem>> -> memref<128xi32, #tpu.memory_space<vmem>>
      %dma_wait3A_167 = arith.constant 0 : i32
      %dma_wait3A_168 = arith.constant 0 : i32
      %dma_wait3A_169 = tpu.memref_slice %arg3[%dma_wait3A_167, %dma_wait3A_168] : memref<10240x32xf32, #tpu.memory_space<hbm>> -> memref<10240x32xf32, #tpu.memory_space<hbm>>
      tpu.wait_indirect_dma semaphore(%arg9 : memref<!tpu.dma_semaphore, #tpu.memory_space<semaphore_mem>>) src(%dma_wait3A_169 : memref<10240x32xf32, #tpu.memory_space<hbm>>) dst(%dma_wait3A_163 : memref<128x32xf32, #tpu.memory_space<vmem>>)
      %add3A_170 = arith.addi %mul3A_2, %add3A_146 : i32
      %mul3A_171 = arith.constant 128 : i32
      %mul3A_172 = arith.muli %add3A_170, %mul3A_171 : i32
      %dma_start3A_173 = arith.constant 2 : i32
      %dma_start3A_174 = arith.constant 0 : i32
      %dma_start3A_175 = arith.constant 0 : i32
      %dma_start3A_176 = tpu.memref_slice %arg6[%dma_start3A_173, %dma_start3A_174, %dma_start3A_175] : memref<4x128x32xf32, #tpu.memory_space<vmem>> -> memref<1x128x32xf32, #tpu.memory_space<vmem>>
      %dma_start3A_177 = tpu.memref_squeeze %dma_start3A_176 : memref<1x128x32xf32, #tpu.memory_space<vmem>> -> memref<128x32xf32, #tpu.memory_space<vmem>>
      %dma_start3A_178 = arith.constant 0 : i32
      %dma_start3A_179 = tpu.memref_slice %arg4[%mul3A_172, %dma_start3A_178] : memref<163840x32xf32, #tpu.memory_space<hbm>> -> memref<128x32xf32, #tpu.memory_space<hbm>>
      %dma_start3A_180 = arith.constant 0 : i32
      %dma_start3A_181 = tpu.memref_slice %arg4[%mul3A_172, %dma_start3A_180] : memref<163840x32xf32, #tpu.memory_space<hbm>> -> memref<128x32xf32, #tpu.memory_space<hbm>>
      %dma_start3A_182 = arith.constant 0 : i32
      %dma_start3A_183 = arith.constant 0 : i32
      %dma_start3A_184 = tpu.memref_slice %arg6[%dma_start3A_173, %dma_start3A_182, %dma_start3A_183] : memref<4x128x32xf32, #tpu.memory_space<vmem>> -> memref<1x128x32xf32, #tpu.memory_space<vmem>>
      %dma_start3A_185 = tpu.memref_squeeze %dma_start3A_184 : memref<1x128x32xf32, #tpu.memory_space<vmem>> -> memref<128x32xf32, #tpu.memory_space<vmem>>
      tpu.enqueue_dma source(%dma_start3A_185 : memref<128x32xf32, #tpu.memory_space<vmem>>) target(%dma_start3A_181 : memref<128x32xf32, #tpu.memory_space<hbm>>) target_semaphore(%arg13 : memref<!tpu.dma_semaphore, #tpu.memory_space<semaphore_mem>>)
      %add3A_186 = arith.constant 3 : i32
      %add3A_187 = arith.addi %mul3A_66, %add3A_186 : i32
      %ge3A_188 = arith.constant 2 : i32
      %ge3A_189 = arith.cmpi sge, %add3A_187, %ge3A_188 : i32
      %convert_element_type3A_190 = arith.extui %ge3A_189 : i1 to i32
      %cond3A_191 = arith.constant 0 : i32
      %cond3A_192 = arith.cmpi ne, %convert_element_type3A_190, %cond3A_191 : i32
      scf.if %cond3A_192 {
        %add3A_227 = arith.addi %mul3A_2, %add3A_187 : i32
        %sub3A = arith.constant 2 : i32
        %sub3A_228 = arith.subi %add3A_227, %sub3A : i32
        %mul3A_229 = arith.constant 128 : i32
        %mul3A_230 = arith.muli %sub3A_228, %mul3A_229 : i32
        %dma_wait3A_231 = arith.constant 1 : i32
        %dma_wait3A_232 = arith.constant 0 : i32
        %dma_wait3A_233 = arith.constant 0 : i32
        %dma_wait3A_234 = tpu.memref_slice %arg6[%dma_wait3A_231, %dma_wait3A_232, %dma_wait3A_233] : memref<4x128x32xf32, #tpu.memory_space<vmem>> -> memref<1x128x32xf32, #tpu.memory_space<vmem>>
        %dma_wait3A_235 = tpu.memref_squeeze %dma_wait3A_234 : memref<1x128x32xf32, #tpu.memory_space<vmem>> -> memref<128x32xf32, #tpu.memory_space<vmem>>
        %dma_wait3A_236 = arith.constant 0 : i32
        %dma_wait3A_237 = tpu.memref_slice %arg4[%mul3A_230, %dma_wait3A_236] : memref<163840x32xf32, #tpu.memory_space<hbm>> -> memref<128x32xf32, #tpu.memory_space<hbm>>
        %dma_wait3A_238 = arith.constant 0 : i32
        %dma_wait3A_239 = tpu.memref_slice %arg4[%mul3A_230, %dma_wait3A_238] : memref<163840x32xf32, #tpu.memory_space<hbm>> -> memref<128x32xf32, #tpu.memory_space<hbm>>
        %dma_wait3A_240 = arith.constant 0 : i32
        %dma_wait3A_241 = arith.constant 0 : i32
        %dma_wait3A_242 = tpu.memref_slice %arg6[%dma_wait3A_231, %dma_wait3A_240, %dma_wait3A_241] : memref<4x128x32xf32, #tpu.memory_space<vmem>> -> memref<1x128x32xf32, #tpu.memory_space<vmem>>
        %dma_wait3A_243 = tpu.memref_squeeze %dma_wait3A_242 : memref<1x128x32xf32, #tpu.memory_space<vmem>> -> memref<128x32xf32, #tpu.memory_space<vmem>>
        tpu.wait_dma2 semaphore(%arg12 : memref<!tpu.dma_semaphore, #tpu.memory_space<semaphore_mem>>) src(%dma_wait3A_243 : memref<128x32xf32, #tpu.memory_space<vmem>>) dst(%dma_wait3A_239 : memref<128x32xf32, #tpu.memory_space<hbm>>)
      } else {
      }
      %add3A_193 = arith.constant 2 : i32
      %add3A_194 = arith.addi %add3A_187, %add3A_193 : i32
      %lt3A_195 = arith.constant 40 : i32
      %lt3A_196 = arith.cmpi slt, %add3A_194, %lt3A_195 : i32
      %convert_element_type3A_197 = arith.extui %lt3A_196 : i1 to i32
      %cond3A_198 = arith.constant 0 : i32
      %cond3A_199 = arith.cmpi ne, %convert_element_type3A_197, %cond3A_198 : i32
      scf.if %cond3A_199 {
        %add3A_227 = arith.constant 2 : i32
        %add3A_228 = arith.addi %add3A_187, %add3A_227 : i32
        %dma_start3A_229 = arith.constant 1 : i32
        %dma_start3A_230 = arith.constant 0 : i32
        %dma_start3A_231 = arith.constant 0 : i32
        %dma_start3A_232 = tpu.memref_slice %arg6[%dma_start3A_229, %dma_start3A_230, %dma_start3A_231] : memref<4x128x32xf32, #tpu.memory_space<vmem>> -> memref<1x128x32xf32, #tpu.memory_space<vmem>>
        %dma_start3A_233 = tpu.memref_squeeze %dma_start3A_232 : memref<1x128x32xf32, #tpu.memory_space<vmem>> -> memref<128x32xf32, #tpu.memory_space<vmem>>
        %dma_start3A_234 = arith.constant 0 : i32
        %dma_start3A_235 = tpu.memref_slice %arg5[%add3A_228, %dma_start3A_234] : memref<40x128xi32, #tpu.memory_space<vmem>> -> memref<1x128xi32, #tpu.memory_space<vmem>>
        %dma_start3A_236 = tpu.memref_squeeze %dma_start3A_235 : memref<1x128xi32, #tpu.memory_space<vmem>> -> memref<128xi32, #tpu.memory_space<vmem>>
        %dma_start3A_237 = arith.constant 0 : i32
        %dma_start3A_238 = arith.constant 0 : i32
        %dma_start3A_239 = tpu.memref_slice %arg3[%dma_start3A_237, %dma_start3A_238] : memref<10240x32xf32, #tpu.memory_space<hbm>> -> memref<10240x32xf32, #tpu.memory_space<hbm>>
        tpu.enqueue_indirect_dma source(%dma_start3A_239 : memref<10240x32xf32, #tpu.memory_space<hbm>>) target(%dma_start3A_233 : memref<128x32xf32, #tpu.memory_space<vmem>>) offsets(%dma_start3A_236 : memref<128xi32, #tpu.memory_space<vmem>>) semaphore(%arg8 : memref<!tpu.dma_semaphore, #tpu.memory_space<semaphore_mem>>)
      } else {
      }
      %dma_wait3A_200 = arith.constant 3 : i32
      %dma_wait3A_201 = arith.constant 0 : i32
      %dma_wait3A_202 = arith.constant 0 : i32
      %dma_wait3A_203 = tpu.memref_slice %arg6[%dma_wait3A_200, %dma_wait3A_201, %dma_wait3A_202] : memref<4x128x32xf32, #tpu.memory_space<vmem>> -> memref<1x128x32xf32, #tpu.memory_space<vmem>>
      %dma_wait3A_204 = tpu.memref_squeeze %dma_wait3A_203 : memref<1x128x32xf32, #tpu.memory_space<vmem>> -> memref<128x32xf32, #tpu.memory_space<vmem>>
      %dma_wait3A_205 = arith.constant 0 : i32
      %dma_wait3A_206 = tpu.memref_slice %arg5[%add3A_187, %dma_wait3A_205] : memref<40x128xi32, #tpu.memory_space<vmem>> -> memref<1x128xi32, #tpu.memory_space<vmem>>
      %dma_wait3A_207 = tpu.memref_squeeze %dma_wait3A_206 : memref<1x128xi32, #tpu.memory_space<vmem>> -> memref<128xi32, #tpu.memory_space<vmem>>
      %dma_wait3A_208 = arith.constant 0 : i32
      %dma_wait3A_209 = arith.constant 0 : i32
      %dma_wait3A_210 = tpu.memref_slice %arg3[%dma_wait3A_208, %dma_wait3A_209] : memref<10240x32xf32, #tpu.memory_space<hbm>> -> memref<10240x32xf32, #tpu.memory_space<hbm>>
      tpu.wait_indirect_dma semaphore(%arg10 : memref<!tpu.dma_semaphore, #tpu.memory_space<semaphore_mem>>) src(%dma_wait3A_210 : memref<10240x32xf32, #tpu.memory_space<hbm>>) dst(%dma_wait3A_204 : memref<128x32xf32, #tpu.memory_space<vmem>>)
      %add3A_211 = arith.addi %mul3A_2, %add3A_187 : i32
      %mul3A_212 = arith.constant 128 : i32
      %mul3A_213 = arith.muli %add3A_211, %mul3A_212 : i32
      %dma_start3A_214 = arith.constant 3 : i32
      %dma_start3A_215 = arith.constant 0 : i32
      %dma_start3A_216 = arith.constant 0 : i32
      %dma_start3A_217 = tpu.memref_slice %arg6[%dma_start3A_214, %dma_start3A_215, %dma_start3A_216] : memref<4x128x32xf32, #tpu.memory_space<vmem>> -> memref<1x128x32xf32, #tpu.memory_space<vmem>>
      %dma_start3A_218 = tpu.memref_squeeze %dma_start3A_217 : memref<1x128x32xf32, #tpu.memory_space<vmem>> -> memref<128x32xf32, #tpu.memory_space<vmem>>
      %dma_start3A_219 = arith.constant 0 : i32
      %dma_start3A_220 = tpu.memref_slice %arg4[%mul3A_213, %dma_start3A_219] : memref<163840x32xf32, #tpu.memory_space<hbm>> -> memref<128x32xf32, #tpu.memory_space<hbm>>
      %dma_start3A_221 = arith.constant 0 : i32
      %dma_start3A_222 = tpu.memref_slice %arg4[%mul3A_213, %dma_start3A_221] : memref<163840x32xf32, #tpu.memory_space<hbm>> -> memref<128x32xf32, #tpu.memory_space<hbm>>
      %dma_start3A_223 = arith.constant 0 : i32
      %dma_start3A_224 = arith.constant 0 : i32
      %dma_start3A_225 = tpu.memref_slice %arg6[%dma_start3A_214, %dma_start3A_223, %dma_start3A_224] : memref<4x128x32xf32, #tpu.memory_space<vmem>> -> memref<1x128x32xf32, #tpu.memory_space<vmem>>
      %dma_start3A_226 = tpu.memref_squeeze %dma_start3A_225 : memref<1x128x32xf32, #tpu.memory_space<vmem>> -> memref<128x32xf32, #tpu.memory_space<vmem>>
      tpu.enqueue_dma source(%dma_start3A_226 : memref<128x32xf32, #tpu.memory_space<vmem>>) target(%dma_start3A_222 : memref<128x32xf32, #tpu.memory_space<hbm>>) target_semaphore(%arg14 : memref<!tpu.dma_semaphore, #tpu.memory_space<semaphore_mem>>)
    }
    %scan3A_30 = arith.constant 10 : i32
    %add3A_31 = arith.constant 38 : i32
    %add3A_32 = arith.addi %mul3A_2, %add3A_31 : i32
    %mul3A_33 = arith.constant 128 : i32
    %mul3A_34 = arith.muli %add3A_32, %mul3A_33 : i32
    %dma_wait3A = arith.constant 2 : i32
    %dma_wait3A_35 = arith.constant 0 : i32
    %dma_wait3A_36 = arith.constant 0 : i32
    %dma_wait3A_37 = tpu.memref_slice %arg6[%dma_wait3A, %dma_wait3A_35, %dma_wait3A_36] : memref<4x128x32xf32, #tpu.memory_space<vmem>> -> memref<1x128x32xf32, #tpu.memory_space<vmem>>
    %dma_wait3A_38 = tpu.memref_squeeze %dma_wait3A_37 : memref<1x128x32xf32, #tpu.memory_space<vmem>> -> memref<128x32xf32, #tpu.memory_space<vmem>>
    %dma_wait3A_39 = arith.constant 0 : i32
    %dma_wait3A_40 = tpu.memref_slice %arg4[%mul3A_34, %dma_wait3A_39] : memref<163840x32xf32, #tpu.memory_space<hbm>> -> memref<128x32xf32, #tpu.memory_space<hbm>>
    %dma_wait3A_41 = arith.constant 0 : i32
    %dma_wait3A_42 = tpu.memref_slice %arg4[%mul3A_34, %dma_wait3A_41] : memref<163840x32xf32, #tpu.memory_space<hbm>> -> memref<128x32xf32, #tpu.memory_space<hbm>>
    %dma_wait3A_43 = arith.constant 0 : i32
    %dma_wait3A_44 = arith.constant 0 : i32
    %dma_wait3A_45 = tpu.memref_slice %arg6[%dma_wait3A, %dma_wait3A_43, %dma_wait3A_44] : memref<4x128x32xf32, #tpu.memory_space<vmem>> -> memref<1x128x32xf32, #tpu.memory_space<vmem>>
    %dma_wait3A_46 = tpu.memref_squeeze %dma_wait3A_45 : memref<1x128x32xf32, #tpu.memory_space<vmem>> -> memref<128x32xf32, #tpu.memory_space<vmem>>
    tpu.wait_dma2 semaphore(%arg13 : memref<!tpu.dma_semaphore, #tpu.memory_space<semaphore_mem>>) src(%dma_wait3A_46 : memref<128x32xf32, #tpu.memory_space<vmem>>) dst(%dma_wait3A_42 : memref<128x32xf32, #tpu.memory_space<hbm>>)
    %add3A_47 = arith.constant 39 : i32
    %add3A_48 = arith.addi %mul3A_2, %add3A_47 : i32
    %mul3A_49 = arith.constant 128 : i32
    %mul3A_50 = arith.muli %add3A_48, %mul3A_49 : i32
    %dma_wait3A_51 = arith.constant 3 : i32
    %dma_wait3A_52 = arith.constant 0 : i32
    %dma_wait3A_53 = arith.constant 0 : i32
    %dma_wait3A_54 = tpu.memref_slice %arg6[%dma_wait3A_51, %dma_wait3A_52, %dma_wait3A_53] : memref<4x128x32xf32, #tpu.memory_space<vmem>> -> memref<1x128x32xf32, #tpu.memory_space<vmem>>
    %dma_wait3A_55 = tpu.memref_squeeze %dma_wait3A_54 : memref<1x128x32xf32, #tpu.memory_space<vmem>> -> memref<128x32xf32, #tpu.memory_space<vmem>>
    %dma_wait3A_56 = arith.constant 0 : i32
    %dma_wait3A_57 = tpu.memref_slice %arg4[%mul3A_50, %dma_wait3A_56] : memref<163840x32xf32, #tpu.memory_space<hbm>> -> memref<128x32xf32, #tpu.memory_space<hbm>>
    %dma_wait3A_58 = arith.constant 0 : i32
    %dma_wait3A_59 = tpu.memref_slice %arg4[%mul3A_50, %dma_wait3A_58] : memref<163840x32xf32, #tpu.memory_space<hbm>> -> memref<128x32xf32, #tpu.memory_space<hbm>>
    %dma_wait3A_60 = arith.constant 0 : i32
    %dma_wait3A_61 = arith.constant 0 : i32
    %dma_wait3A_62 = tpu.memref_slice %arg6[%dma_wait3A_51, %dma_wait3A_60, %dma_wait3A_61] : memref<4x128x32xf32, #tpu.memory_space<vmem>> -> memref<1x128x32xf32, #tpu.memory_space<vmem>>
    %dma_wait3A_63 = tpu.memref_squeeze %dma_wait3A_62 : memref<1x128x32xf32, #tpu.memory_space<vmem>> -> memref<128x32xf32, #tpu.memory_space<vmem>>
    tpu.wait_dma2 semaphore(%arg14 : memref<!tpu.dma_semaphore, #tpu.memory_space<semaphore_mem>>) src(%dma_wait3A_63 : memref<128x32xf32, #tpu.memory_space<vmem>>) dst(%dma_wait3A_59 : memref<128x32xf32, #tpu.memory_space<hbm>>)
    return
  }
}

#map = affine_map<(d0, d1) -> (0, 0)>
module attributes {stable_mosaic.version = 14 : i64} {
  func.func @gather_kernel(%arg0: i32, %arg1: i32, %arg2: memref<1280x128xi32, #tpu.memory_space<hbm>>, %arg3: memref<10240x32xf32, #tpu.memory_space<hbm>>, %arg4: memref<163840x32xf32, #tpu.memory_space<hbm>>, %arg5: memref<40x128xi32, #tpu.memory_space<vmem>>, %arg6: memref<4x128x32xf32, #tpu.memory_space<vmem>>, %arg7: memref<!tpu.dma_semaphore, #tpu.memory_space<semaphore_mem>>, %arg8: memref<!tpu.dma_semaphore, #tpu.memory_space<semaphore_mem>>, %arg9: memref<!tpu.dma_semaphore, #tpu.memory_space<semaphore_mem>>, %arg10: memref<!tpu.dma_semaphore, #tpu.memory_space<semaphore_mem>>, %arg11: memref<!tpu.dma_semaphore, #tpu.memory_space<semaphore_mem>>, %arg12: memref<!tpu.dma_semaphore, #tpu.memory_space<semaphore_mem>>, %arg13: memref<!tpu.dma_semaphore, #tpu.memory_space<semaphore_mem>>, %arg14: memref<!tpu.dma_semaphore, #tpu.memory_space<semaphore_mem>>) attributes {dimension_semantics = [#tpu.dimension_semantics<core_parallel>, #tpu.dimension_semantics<subcore_parallel>], iteration_bounds = array<i64: 2, 16>, scalar_prefetch = 0 : i64, scratch_operands = 10 : i64, tpu.core_type = #tpu.core_type<sc_vector_subcore>, window_params = [{transform_indices = #map}, {transform_indices = #map}, {transform_indices = #map}]} {
    %mul3A = arith.constant 2 : i32
    %mul3A_0 = arith.muli %arg1, %mul3A : i32
    %add3A = arith.addi %mul3A_0, %arg0 : i32
    %mul3A_1 = arith.constant 40 : i32
    %mul3A_2 = arith.muli %add3A, %mul3A_1 : i32
    "tpu.region"() ({
      %run_scoped3A = tpu.sem_alloc : memref<!tpu.dma_semaphore, #tpu.memory_space<semaphore_mem>>
      %dma_start3A_64 = arith.constant 0 : i32
      %dma_start3A_65 = tpu.memref_slice %arg2[%mul3A_2, %dma_start3A_64] : memref<1280x128xi32, #tpu.memory_space<hbm>> -> memref<40x128xi32, #tpu.memory_space<hbm>>
      %dma_start3A_66 = arith.constant 0 : i32
      %dma_start3A_67 = tpu.memref_slice %arg2[%mul3A_2, %dma_start3A_66] : memref<1280x128xi32, #tpu.memory_space<hbm>> -> memref<40x128xi32, #tpu.memory_space<hbm>>
      tpu.enqueue_dma source(%dma_start3A_67 : memref<40x128xi32, #tpu.memory_space<hbm>>) target(%arg5 : memref<40x128xi32, #tpu.memory_space<vmem>>) target_semaphore(%run_scoped3A : memref<!tpu.dma_semaphore, #tpu.memory_space<semaphore_mem>>)
      %dma_wait3A_68 = arith.constant 0 : i32
      %dma_wait3A_69 = tpu.memref_slice %arg2[%mul3A_2, %dma_wait3A_68] : memref<1280x128xi32, #tpu.memory_space<hbm>> -> memref<40x128xi32, #tpu.memory_space<hbm>>
      %dma_wait3A_70 = arith.constant 0 : i32
      %dma_wait3A_71 = tpu.memref_slice %arg2[%mul3A_2, %dma_wait3A_70] : memref<1280x128xi32, #tpu.memory_space<hbm>> -> memref<40x128xi32, #tpu.memory_space<hbm>>
      tpu.wait_dma2 semaphore(%run_scoped3A : memref<!tpu.dma_semaphore, #tpu.memory_space<semaphore_mem>>) src(%dma_wait3A_71 : memref<40x128xi32, #tpu.memory_space<hbm>>) dst(%arg5 : memref<40x128xi32, #tpu.memory_space<vmem>>)
      tpu.yield
    }) : () -> ()
    %dma_start3A = arith.constant 0 : i32
    %dma_start3A_3 = arith.constant 0 : i32
    %dma_start3A_4 = arith.constant 0 : i32
    %dma_start3A_5 = arith.constant 0 : i32
    %dma_start3A_6 = tpu.memref_slice %arg6[%dma_start3A_3, %dma_start3A_4, %dma_start3A_5] : memref<4x128x32xf32, #tpu.memory_space<vmem>> -> memref<1x128x32xf32, #tpu.memory_space<vmem>>
    %dma_start3A_7 = tpu.memref_squeeze %dma_start3A_6 : memref<1x128x32xf32, #tpu.memory_space<vmem>> -> memref<128x32xf32, #tpu.memory_space<vmem>>
    %dma_start3A_8 = arith.constant 0 : i32
    %dma_start3A_9 = tpu.memref_slice %arg5[%dma_start3A, %dma_start3A_8] : memref<40x128xi32, #tpu.memory_space<vmem>> -> memref<1x128xi32, #tpu.memory_space<vmem>>
    %dma_start3A_10 = tpu.memref_squeeze %dma_start3A_9 : memref<1x128xi32, #tpu.memory_space<vmem>> -> memref<128xi32, #tpu.memory_space<vmem>>
    %dma_start3A_11 = arith.constant 0 : i32
    %dma_start3A_12 = arith.constant 0 : i32
    %dma_start3A_13 = tpu.memref_slice %arg3[%dma_start3A_11, %dma_start3A_12] : memref<10240x32xf32, #tpu.memory_space<hbm>> -> memref<10240x32xf32, #tpu.memory_space<hbm>>
    tpu.enqueue_indirect_dma source(%dma_start3A_13 : memref<10240x32xf32, #tpu.memory_space<hbm>>) target(%dma_start3A_7 : memref<128x32xf32, #tpu.memory_space<vmem>>) offsets(%dma_start3A_10 : memref<128xi32, #tpu.memory_space<vmem>>) semaphore(%arg7 : memref<!tpu.dma_semaphore, #tpu.memory_space<semaphore_mem>>)
    %dma_start3A_14 = arith.constant 1 : i32
    %dma_start3A_15 = arith.constant 1 : i32
    %dma_start3A_16 = arith.constant 0 : i32
    %dma_start3A_17 = arith.constant 0 : i32
    %dma_start3A_18 = tpu.memref_slice %arg6[%dma_start3A_15, %dma_start3A_16, %dma_start3A_17] : memref<4x128x32xf32, #tpu.memory_space<vmem>> -> memref<1x128x32xf32, #tpu.memory_space<vmem>>
    %dma_start3A_19 = tpu.memref_squeeze %dma_start3A_18 : memref<1x128x32xf32, #tpu.memory_space<vmem>> -> memref<128x32xf32, #tpu.memory_space<vmem>>
    %dma_start3A_20 = arith.constant 0 : i32
    %dma_start3A_21 = tpu.memref_slice %arg5[%dma_start3A_14, %dma_start3A_20] : memref<40x128xi32, #tpu.memory_space<vmem>> -> memref<1x128xi32, #tpu.memory_space<vmem>>
    %dma_start3A_22 = tpu.memref_squeeze %dma_start3A_21 : memref<1x128xi32, #tpu.memory_space<vmem>> -> memref<128xi32, #tpu.memory_space<vmem>>
    %dma_start3A_23 = arith.constant 0 : i32
    %dma_start3A_24 = arith.constant 0 : i32
    %dma_start3A_25 = tpu.memref_slice %arg3[%dma_start3A_23, %dma_start3A_24] : memref<10240x32xf32, #tpu.memory_space<hbm>> -> memref<10240x32xf32, #tpu.memory_space<hbm>>
    tpu.enqueue_indirect_dma source(%dma_start3A_25 : memref<10240x32xf32, #tpu.memory_space<hbm>>) target(%dma_start3A_19 : memref<128x32xf32, #tpu.memory_space<vmem>>) offsets(%dma_start3A_22 : memref<128xi32, #tpu.memory_space<vmem>>) semaphore(%arg8 : memref<!tpu.dma_semaphore, #tpu.memory_space<semaphore_mem>>)
    %scan3A = arith.constant 0 : i32
    %scan3A_26 = arith.constant 0 : i32
    %scan3A_27 = arith.constant 10 : i32
    %scan3A_28 = arith.addi %scan3A_26, %scan3A_27 : i32
    %scan3A_29 = arith.constant 1 : i32
    scf.for %scan3A_64 = %scan3A_26 to %scan3A_28 step %scan3A_29  : i32 {
      %mul3A_65 = arith.constant 4 : i32
      %mul3A_66 = arith.muli %mul3A_65, %scan3A_64 : i32
      %add3A_67 = arith.constant 0 : i32
      %add3A_68 = arith.addi %mul3A_66, %add3A_67 : i32
      %ge3A = arith.constant 2 : i32
      %ge3A_69 = arith.cmpi sge, %add3A_68, %ge3A : i32
      %convert_element_type3A = arith.extui %ge3A_69 : i1 to i32
      %cond3A = arith.constant 0 : i32
      %cond3A_70 = arith.cmpi ne, %convert_element_type3A, %cond3A : i32
      scf.if %cond3A_70 {
        %add3A_227 = arith.addi %mul3A_2, %add3A_68 : i32
        %sub3A = arith.constant 2 : i32
        %sub3A_228 = arith.subi %add3A_227, %sub3A : i32
        %mul3A_229 = arith.constant 128 : i32
        %mul3A_230 = arith.muli %sub3A_228, %mul3A_229 : i32
        %dma_wait3A_231 = arith.constant 2 : i32
        %dma_wait3A_232 = arith.constant 0 : i32
        %dma_wait3A_233 = arith.constant 0 : i32
        %dma_wait3A_234 = tpu.memref_slice %arg6[%dma_wait3A_231, %dma_wait3A_232, %dma_wait3A_233] : memref<4x128x32xf32, #tpu.memory_space<vmem>> -> memref<1x128x32xf32, #tpu.memory_space<vmem>>
        %dma_wait3A_235 = tpu.memref_squeeze %dma_wait3A_234 : memref<1x128x32xf32, #tpu.memory_space<vmem>> -> memref<128x32xf32, #tpu.memory_space<vmem>>
        %dma_wait3A_236 = arith.constant 0 : i32
        %dma_wait3A_237 = tpu.memref_slice %arg4[%mul3A_230, %dma_wait3A_236] : memref<163840x32xf32, #tpu.memory_space<hbm>> -> memref<128x32xf32, #tpu.memory_space<hbm>>
        %dma_wait3A_238 = arith.constant 0 : i32
        %dma_wait3A_239 = tpu.memref_slice %arg4[%mul3A_230, %dma_wait3A_238] : memref<163840x32xf32, #tpu.memory_space<hbm>> -> memref<128x32xf32, #tpu.memory_space<hbm>>
        %dma_wait3A_240 = arith.constant 0 : i32
        %dma_wait3A_241 = arith.constant 0 : i32
        %dma_wait3A_242 = tpu.memref_slice %arg6[%dma_wait3A_231, %dma_wait3A_240, %dma_wait3A_241] : memref<4x128x32xf32, #tpu.memory_space<vmem>> -> memref<1x128x32xf32, #tpu.memory_space<vmem>>
        %dma_wait3A_243 = tpu.memref_squeeze %dma_wait3A_242 : memref<1x128x32xf32, #tpu.memory_space<vmem>> -> memref<128x32xf32, #tpu.memory_space<vmem>>
        tpu.wait_dma2 semaphore(%arg13 : memref<!tpu.dma_semaphore, #tpu.memory_space<semaphore_mem>>) src(%dma_wait3A_243 : memref<128x32xf32, #tpu.memory_space<vmem>>) dst(%dma_wait3A_239 : memref<128x32xf32, #tpu.memory_space<hbm>>)
      } else {
      }
      %add3A_71 = arith.constant 2 : i32
      %add3A_72 = arith.addi %add3A_68, %add3A_71 : i32
      %lt3A = arith.constant 40 : i32
      %lt3A_73 = arith.cmpi slt, %add3A_72, %lt3A : i32
      %convert_element_type3A_74 = arith.extui %lt3A_73 : i1 to i32
      %cond3A_75 = arith.constant 0 : i32
      %cond3A_76 = arith.cmpi ne, %convert_element_type3A_74, %cond3A_75 : i32
      scf.if %cond3A_76 {
        %add3A_227 = arith.constant 2 : i32
        %add3A_228 = arith.addi %add3A_68, %add3A_227 : i32
        %dma_start3A_229 = arith.constant 2 : i32
        %dma_start3A_230 = arith.constant 0 : i32
        %dma_start3A_231 = arith.constant 0 : i32
        %dma_start3A_232 = tpu.memref_slice %arg6[%dma_start3A_229, %dma_start3A_230, %dma_start3A_231] : memref<4x128x32xf32, #tpu.memory_space<vmem>> -> memref<1x128x32xf32, #tpu.memory_space<vmem>>
        %dma_start3A_233 = tpu.memref_squeeze %dma_start3A_232 : memref<1x128x32xf32, #tpu.memory_space<vmem>> -> memref<128x32xf32, #tpu.memory_space<vmem>>
        %dma_start3A_234 = arith.constant 0 : i32
        %dma_start3A_235 = tpu.memref_slice %arg5[%add3A_228, %dma_start3A_234] : memref<40x128xi32, #tpu.memory_space<vmem>> -> memref<1x128xi32, #tpu.memory_space<vmem>>
        %dma_start3A_236 = tpu.memref_squeeze %dma_start3A_235 : memref<1x128xi32, #tpu.memory_space<vmem>> -> memref<128xi32, #tpu.memory_space<vmem>>
        %dma_start3A_237 = arith.constant 0 : i32
        %dma_start3A_238 = arith.constant 0 : i32
        %dma_start3A_239 = tpu.memref_slice %arg3[%dma_start3A_237, %dma_start3A_238] : memref<10240x32xf32, #tpu.memory_space<hbm>> -> memref<10240x32xf32, #tpu.memory_space<hbm>>
        tpu.enqueue_indirect_dma source(%dma_start3A_239 : memref<10240x32xf32, #tpu.memory_space<hbm>>) target(%dma_start3A_233 : memref<128x32xf32, #tpu.memory_space<vmem>>) offsets(%dma_start3A_236 : memref<128xi32, #tpu.memory_space<vmem>>) semaphore(%arg9 : memref<!tpu.dma_semaphore, #tpu.memory_space<semaphore_mem>>)
      } else {
      }
      %dma_wait3A_77 = arith.constant 0 : i32
      %dma_wait3A_78 = arith.constant 0 : i32
      %dma_wait3A_79 = arith.constant 0 : i32
      %dma_wait3A_80 = tpu.memref_slice %arg6[%dma_wait3A_77, %dma_wait3A_78, %dma_wait3A_79] : memref<4x128x32xf32, #tpu.memory_space<vmem>> -> memref<1x128x32xf32, #tpu.memory_space<vmem>>
      %dma_wait3A_81 = tpu.memref_squeeze %dma_wait3A_80 : memref<1x128x32xf32, #tpu.memory_space<vmem>> -> memref<128x32xf32, #tpu.memory_space<vmem>>
      %dma_wait3A_82 = arith.constant 0 : i32
      %dma_wait3A_83 = tpu.memref_slice %arg5[%add3A_68, %dma_wait3A_82] : memref<40x128xi32, #tpu.memory_space<vmem>> -> memref<1x128xi32, #tpu.memory_space<vmem>>
      %dma_wait3A_84 = tpu.memref_squeeze %dma_wait3A_83 : memref<1x128xi32, #tpu.memory_space<vmem>> -> memref<128xi32, #tpu.memory_space<vmem>>
      %dma_wait3A_85 = arith.constant 0 : i32
      %dma_wait3A_86 = arith.constant 0 : i32
      %dma_wait3A_87 = tpu.memref_slice %arg3[%dma_wait3A_85, %dma_wait3A_86] : memref<10240x32xf32, #tpu.memory_space<hbm>> -> memref<10240x32xf32, #tpu.memory_space<hbm>>
      tpu.wait_indirect_dma semaphore(%arg7 : memref<!tpu.dma_semaphore, #tpu.memory_space<semaphore_mem>>) src(%dma_wait3A_87 : memref<10240x32xf32, #tpu.memory_space<hbm>>) dst(%dma_wait3A_81 : memref<128x32xf32, #tpu.memory_space<vmem>>)
      %add3A_88 = arith.addi %mul3A_2, %add3A_68 : i32
      %mul3A_89 = arith.constant 128 : i32
      %mul3A_90 = arith.muli %add3A_88, %mul3A_89 : i32
      %dma_start3A_91 = arith.constant 0 : i32
      %dma_start3A_92 = arith.constant 0 : i32
      %dma_start3A_93 = arith.constant 0 : i32
      %dma_start3A_94 = tpu.memref_slice %arg6[%dma_start3A_91, %dma_start3A_92, %dma_start3A_93] : memref<4x128x32xf32, #tpu.memory_space<vmem>> -> memref<1x128x32xf32, #tpu.memory_space<vmem>>
      %dma_start3A_95 = tpu.memref_squeeze %dma_start3A_94 : memref<1x128x32xf32, #tpu.memory_space<vmem>> -> memref<128x32xf32, #tpu.memory_space<vmem>>
      %dma_start3A_96 = arith.constant 0 : i32
      %dma_start3A_97 = tpu.memref_slice %arg4[%mul3A_90, %dma_start3A_96] : memref<163840x32xf32, #tpu.memory_space<hbm>> -> memref<128x32xf32, #tpu.memory_space<hbm>>
      %dma_start3A_98 = arith.constant 0 : i32
      %dma_start3A_99 = tpu.memref_slice %arg4[%mul3A_90, %dma_start3A_98] : memref<163840x32xf32, #tpu.memory_space<hbm>> -> memref<128x32xf32, #tpu.memory_space<hbm>>
      %dma_start3A_100 = arith.constant 0 : i32
      %dma_start3A_101 = arith.constant 0 : i32
      %dma_start3A_102 = tpu.memref_slice %arg6[%dma_start3A_91, %dma_start3A_100, %dma_start3A_101] : memref<4x128x32xf32, #tpu.memory_space<vmem>> -> memref<1x128x32xf32, #tpu.memory_space<vmem>>
      %dma_start3A_103 = tpu.memref_squeeze %dma_start3A_102 : memref<1x128x32xf32, #tpu.memory_space<vmem>> -> memref<128x32xf32, #tpu.memory_space<vmem>>
      tpu.enqueue_dma source(%dma_start3A_103 : memref<128x32xf32, #tpu.memory_space<vmem>>) target(%dma_start3A_99 : memref<128x32xf32, #tpu.memory_space<hbm>>) target_semaphore(%arg11 : memref<!tpu.dma_semaphore, #tpu.memory_space<semaphore_mem>>)
      %add3A_104 = arith.constant 1 : i32
      %add3A_105 = arith.addi %mul3A_66, %add3A_104 : i32
      %ge3A_106 = arith.constant 2 : i32
      %ge3A_107 = arith.cmpi sge, %add3A_105, %ge3A_106 : i32
      %convert_element_type3A_108 = arith.extui %ge3A_107 : i1 to i32
      %cond3A_109 = arith.constant 0 : i32
      %cond3A_110 = arith.cmpi ne, %convert_element_type3A_108, %cond3A_109 : i32
      scf.if %cond3A_110 {
        %add3A_227 = arith.addi %mul3A_2, %add3A_105 : i32
        %sub3A = arith.constant 2 : i32
        %sub3A_228 = arith.subi %add3A_227, %sub3A : i32
        %mul3A_229 = arith.constant 128 : i32
        %mul3A_230 = arith.muli %sub3A_228, %mul3A_229 : i32
        %dma_wait3A_231 = arith.constant 3 : i32
        %dma_wait3A_232 = arith.constant 0 : i32
        %dma_wait3A_233 = arith.constant 0 : i32
        %dma_wait3A_234 = tpu.memref_slice %arg6[%dma_wait3A_231, %dma_wait3A_232, %dma_wait3A_233] : memref<4x128x32xf32, #tpu.memory_space<vmem>> -> memref<1x128x32xf32, #tpu.memory_space<vmem>>
        %dma_wait3A_235 = tpu.memref_squeeze %dma_wait3A_234 : memref<1x128x32xf32, #tpu.memory_space<vmem>> -> memref<128x32xf32, #tpu.memory_space<vmem>>
        %dma_wait3A_236 = arith.constant 0 : i32
        %dma_wait3A_237 = tpu.memref_slice %arg4[%mul3A_230, %dma_wait3A_236] : memref<163840x32xf32, #tpu.memory_space<hbm>> -> memref<128x32xf32, #tpu.memory_space<hbm>>
        %dma_wait3A_238 = arith.constant 0 : i32
        %dma_wait3A_239 = tpu.memref_slice %arg4[%mul3A_230, %dma_wait3A_238] : memref<163840x32xf32, #tpu.memory_space<hbm>> -> memref<128x32xf32, #tpu.memory_space<hbm>>
        %dma_wait3A_240 = arith.constant 0 : i32
        %dma_wait3A_241 = arith.constant 0 : i32
        %dma_wait3A_242 = tpu.memref_slice %arg6[%dma_wait3A_231, %dma_wait3A_240, %dma_wait3A_241] : memref<4x128x32xf32, #tpu.memory_space<vmem>> -> memref<1x128x32xf32, #tpu.memory_space<vmem>>
        %dma_wait3A_243 = tpu.memref_squeeze %dma_wait3A_242 : memref<1x128x32xf32, #tpu.memory_space<vmem>> -> memref<128x32xf32, #tpu.memory_space<vmem>>
        tpu.wait_dma2 semaphore(%arg14 : memref<!tpu.dma_semaphore, #tpu.memory_space<semaphore_mem>>) src(%dma_wait3A_243 : memref<128x32xf32, #tpu.memory_space<vmem>>) dst(%dma_wait3A_239 : memref<128x32xf32, #tpu.memory_space<hbm>>)
      } else {
      }
      %add3A_111 = arith.constant 2 : i32
      %add3A_112 = arith.addi %add3A_105, %add3A_111 : i32
      %lt3A_113 = arith.constant 40 : i32
      %lt3A_114 = arith.cmpi slt, %add3A_112, %lt3A_113 : i32
      %convert_element_type3A_115 = arith.extui %lt3A_114 : i1 to i32
      %cond3A_116 = arith.constant 0 : i32
      %cond3A_117 = arith.cmpi ne, %convert_element_type3A_115, %cond3A_116 : i32
      scf.if %cond3A_117 {
        %add3A_227 = arith.constant 2 : i32
        %add3A_228 = arith.addi %add3A_105, %add3A_227 : i32
        %dma_start3A_229 = arith.constant 3 : i32
        %dma_start3A_230 = arith.constant 0 : i32
        %dma_start3A_231 = arith.constant 0 : i32
        %dma_start3A_232 = tpu.memref_slice %arg6[%dma_start3A_229, %dma_start3A_230, %dma_start3A_231] : memref<4x128x32xf32, #tpu.memory_space<vmem>> -> memref<1x128x32xf32, #tpu.memory_space<vmem>>
        %dma_start3A_233 = tpu.memref_squeeze %dma_start3A_232 : memref<1x128x32xf32, #tpu.memory_space<vmem>> -> memref<128x32xf32, #tpu.memory_space<vmem>>
        %dma_start3A_234 = arith.constant 0 : i32
        %dma_start3A_235 = tpu.memref_slice %arg5[%add3A_228, %dma_start3A_234] : memref<40x128xi32, #tpu.memory_space<vmem>> -> memref<1x128xi32, #tpu.memory_space<vmem>>
        %dma_start3A_236 = tpu.memref_squeeze %dma_start3A_235 : memref<1x128xi32, #tpu.memory_space<vmem>> -> memref<128xi32, #tpu.memory_space<vmem>>
        %dma_start3A_237 = arith.constant 0 : i32
        %dma_start3A_238 = arith.constant 0 : i32
        %dma_start3A_239 = tpu.memref_slice %arg3[%dma_start3A_237, %dma_start3A_238] : memref<10240x32xf32, #tpu.memory_space<hbm>> -> memref<10240x32xf32, #tpu.memory_space<hbm>>
        tpu.enqueue_indirect_dma source(%dma_start3A_239 : memref<10240x32xf32, #tpu.memory_space<hbm>>) target(%dma_start3A_233 : memref<128x32xf32, #tpu.memory_space<vmem>>) offsets(%dma_start3A_236 : memref<128xi32, #tpu.memory_space<vmem>>) semaphore(%arg10 : memref<!tpu.dma_semaphore, #tpu.memory_space<semaphore_mem>>)
      } else {
      }
      %dma_wait3A_118 = arith.constant 1 : i32
      %dma_wait3A_119 = arith.constant 0 : i32
      %dma_wait3A_120 = arith.constant 0 : i32
      %dma_wait3A_121 = tpu.memref_slice %arg6[%dma_wait3A_118, %dma_wait3A_119, %dma_wait3A_120] : memref<4x128x32xf32, #tpu.memory_space<vmem>> -> memref<1x128x32xf32, #tpu.memory_space<vmem>>
      %dma_wait3A_122 = tpu.memref_squeeze %dma_wait3A_121 : memref<1x128x32xf32, #tpu.memory_space<vmem>> -> memref<128x32xf32, #tpu.memory_space<vmem>>
      %dma_wait3A_123 = arith.constant 0 : i32
      %dma_wait3A_124 = tpu.memref_slice %arg5[%add3A_105, %dma_wait3A_123] : memref<40x128xi32, #tpu.memory_space<vmem>> -> memref<1x128xi32, #tpu.memory_space<vmem>>
      %dma_wait3A_125 = tpu.memref_squeeze %dma_wait3A_124 : memref<1x128xi32, #tpu.memory_space<vmem>> -> memref<128xi32, #tpu.memory_space<vmem>>
      %dma_wait3A_126 = arith.constant 0 : i32
      %dma_wait3A_127 = arith.constant 0 : i32
      %dma_wait3A_128 = tpu.memref_slice %arg3[%dma_wait3A_126, %dma_wait3A_127] : memref<10240x32xf32, #tpu.memory_space<hbm>> -> memref<10240x32xf32, #tpu.memory_space<hbm>>
      tpu.wait_indirect_dma semaphore(%arg8 : memref<!tpu.dma_semaphore, #tpu.memory_space<semaphore_mem>>) src(%dma_wait3A_128 : memref<10240x32xf32, #tpu.memory_space<hbm>>) dst(%dma_wait3A_122 : memref<128x32xf32, #tpu.memory_space<vmem>>)
      %add3A_129 = arith.addi %mul3A_2, %add3A_105 : i32
      %mul3A_130 = arith.constant 128 : i32
      %mul3A_131 = arith.muli %add3A_129, %mul3A_130 : i32
      %dma_start3A_132 = arith.constant 1 : i32
      %dma_start3A_133 = arith.constant 0 : i32
      %dma_start3A_134 = arith.constant 0 : i32
      %dma_start3A_135 = tpu.memref_slice %arg6[%dma_start3A_132, %dma_start3A_133, %dma_start3A_134] : memref<4x128x32xf32, #tpu.memory_space<vmem>> -> memref<1x128x32xf32, #tpu.memory_space<vmem>>
      %dma_start3A_136 = tpu.memref_squeeze %dma_start3A_135 : memref<1x128x32xf32, #tpu.memory_space<vmem>> -> memref<128x32xf32, #tpu.memory_space<vmem>>
      %dma_start3A_137 = arith.constant 0 : i32
      %dma_start3A_138 = tpu.memref_slice %arg4[%mul3A_131, %dma_start3A_137] : memref<163840x32xf32, #tpu.memory_space<hbm>> -> memref<128x32xf32, #tpu.memory_space<hbm>>
      %dma_start3A_139 = arith.constant 0 : i32
      %dma_start3A_140 = tpu.memref_slice %arg4[%mul3A_131, %dma_start3A_139] : memref<163840x32xf32, #tpu.memory_space<hbm>> -> memref<128x32xf32, #tpu.memory_space<hbm>>
      %dma_start3A_141 = arith.constant 0 : i32
      %dma_start3A_142 = arith.constant 0 : i32
      %dma_start3A_143 = tpu.memref_slice %arg6[%dma_start3A_132, %dma_start3A_141, %dma_start3A_142] : memref<4x128x32xf32, #tpu.memory_space<vmem>> -> memref<1x128x32xf32, #tpu.memory_space<vmem>>
      %dma_start3A_144 = tpu.memref_squeeze %dma_start3A_143 : memref<1x128x32xf32, #tpu.memory_space<vmem>> -> memref<128x32xf32, #tpu.memory_space<vmem>>
      tpu.enqueue_dma source(%dma_start3A_144 : memref<128x32xf32, #tpu.memory_space<vmem>>) target(%dma_start3A_140 : memref<128x32xf32, #tpu.memory_space<hbm>>) target_semaphore(%arg12 : memref<!tpu.dma_semaphore, #tpu.memory_space<semaphore_mem>>)
      %add3A_145 = arith.constant 2 : i32
      %add3A_146 = arith.addi %mul3A_66, %add3A_145 : i32
      %ge3A_147 = arith.constant 2 : i32
      %ge3A_148 = arith.cmpi sge, %add3A_146, %ge3A_147 : i32
      %convert_element_type3A_149 = arith.extui %ge3A_148 : i1 to i32
      %cond3A_150 = arith.constant 0 : i32
      %cond3A_151 = arith.cmpi ne, %convert_element_type3A_149, %cond3A_150 : i32
      scf.if %cond3A_151 {
        %add3A_227 = arith.addi %mul3A_2, %add3A_146 : i32
        %sub3A = arith.constant 2 : i32
        %sub3A_228 = arith.subi %add3A_227, %sub3A : i32
        %mul3A_229 = arith.constant 128 : i32
        %mul3A_230 = arith.muli %sub3A_228, %mul3A_229 : i32
        %dma_wait3A_231 = arith.constant 0 : i32
        %dma_wait3A_232 = arith.constant 0 : i32
        %dma_wait3A_233 = arith.constant 0 : i32
        %dma_wait3A_234 = tpu.memref_slice %arg6[%dma_wait3A_231, %dma_wait3A_232, %dma_wait3A_233] : memref<4x128x32xf32, #tpu.memory_space<vmem>> -> memref<1x128x32xf32, #tpu.memory_space<vmem>>
        %dma_wait3A_235 = tpu.memref_squeeze %dma_wait3A_234 : memref<1x128x32xf32, #tpu.memory_space<vmem>> -> memref<128x32xf32, #tpu.memory_space<vmem>>
        %dma_wait3A_236 = arith.constant 0 : i32
        %dma_wait3A_237 = tpu.memref_slice %arg4[%mul3A_230, %dma_wait3A_236] : memref<163840x32xf32, #tpu.memory_space<hbm>> -> memref<128x32xf32, #tpu.memory_space<hbm>>
        %dma_wait3A_238 = arith.constant 0 : i32
        %dma_wait3A_239 = tpu.memref_slice %arg4[%mul3A_230, %dma_wait3A_238] : memref<163840x32xf32, #tpu.memory_space<hbm>> -> memref<128x32xf32, #tpu.memory_space<hbm>>
        %dma_wait3A_240 = arith.constant 0 : i32
        %dma_wait3A_241 = arith.constant 0 : i32
        %dma_wait3A_242 = tpu.memref_slice %arg6[%dma_wait3A_231, %dma_wait3A_240, %dma_wait3A_241] : memref<4x128x32xf32, #tpu.memory_space<vmem>> -> memref<1x128x32xf32, #tpu.memory_space<vmem>>
        %dma_wait3A_243 = tpu.memref_squeeze %dma_wait3A_242 : memref<1x128x32xf32, #tpu.memory_space<vmem>> -> memref<128x32xf32, #tpu.memory_space<vmem>>
        tpu.wait_dma2 semaphore(%arg11 : memref<!tpu.dma_semaphore, #tpu.memory_space<semaphore_mem>>) src(%dma_wait3A_243 : memref<128x32xf32, #tpu.memory_space<vmem>>) dst(%dma_wait3A_239 : memref<128x32xf32, #tpu.memory_space<hbm>>)
      } else {
      }
      %add3A_152 = arith.constant 2 : i32
      %add3A_153 = arith.addi %add3A_146, %add3A_152 : i32
      %lt3A_154 = arith.constant 40 : i32
      %lt3A_155 = arith.cmpi slt, %add3A_153, %lt3A_154 : i32
      %convert_element_type3A_156 = arith.extui %lt3A_155 : i1 to i32
      %cond3A_157 = arith.constant 0 : i32
      %cond3A_158 = arith.cmpi ne, %convert_element_type3A_156, %cond3A_157 : i32
      scf.if %cond3A_158 {
        %add3A_227 = arith.constant 2 : i32
        %add3A_228 = arith.addi %add3A_146, %add3A_227 : i32
        %dma_start3A_229 = arith.constant 0 : i32
        %dma_start3A_230 = arith.constant 0 : i32
        %dma_start3A_231 = arith.constant 0 : i32
        %dma_start3A_232 = tpu.memref_slice %arg6[%dma_start3A_229, %dma_start3A_230, %dma_start3A_231] : memref<4x128x32xf32, #tpu.memory_space<vmem>> -> memref<1x128x32xf32, #tpu.memory_space<vmem>>
        %dma_start3A_233 = tpu.memref_squeeze %dma_start3A_232 : memref<1x128x32xf32, #tpu.memory_space<vmem>> -> memref<128x32xf32, #tpu.memory_space<vmem>>
        %dma_start3A_234 = arith.constant 0 : i32
        %dma_start3A_235 = tpu.memref_slice %arg5[%add3A_228, %dma_start3A_234] : memref<40x128xi32, #tpu.memory_space<vmem>> -> memref<1x128xi32, #tpu.memory_space<vmem>>
        %dma_start3A_236 = tpu.memref_squeeze %dma_start3A_235 : memref<1x128xi32, #tpu.memory_space<vmem>> -> memref<128xi32, #tpu.memory_space<vmem>>
        %dma_start3A_237 = arith.constant 0 : i32
        %dma_start3A_238 = arith.constant 0 : i32
        %dma_start3A_239 = tpu.memref_slice %arg3[%dma_start3A_237, %dma_start3A_238] : memref<10240x32xf32, #tpu.memory_space<hbm>> -> memref<10240x32xf32, #tpu.memory_space<hbm>>
        tpu.enqueue_indirect_dma source(%dma_start3A_239 : memref<10240x32xf32, #tpu.memory_space<hbm>>) target(%dma_start3A_233 : memref<128x32xf32, #tpu.memory_space<vmem>>) offsets(%dma_start3A_236 : memref<128xi32, #tpu.memory_space<vmem>>) semaphore(%arg7 : memref<!tpu.dma_semaphore, #tpu.memory_space<semaphore_mem>>)
      } else {
      }
      %dma_wait3A_159 = arith.constant 2 : i32
      %dma_wait3A_160 = arith.constant 0 : i32
      %dma_wait3A_161 = arith.constant 0 : i32
      %dma_wait3A_162 = tpu.memref_slice %arg6[%dma_wait3A_159, %dma_wait3A_160, %dma_wait3A_161] : memref<4x128x32xf32, #tpu.memory_space<vmem>> -> memref<1x128x32xf32, #tpu.memory_space<vmem>>
      %dma_wait3A_163 = tpu.memref_squeeze %dma_wait3A_162 : memref<1x128x32xf32, #tpu.memory_space<vmem>> -> memref<128x32xf32, #tpu.memory_space<vmem>>
      %dma_wait3A_164 = arith.constant 0 : i32
      %dma_wait3A_165 = tpu.memref_slice %arg5[%add3A_146, %dma_wait3A_164] : memref<40x128xi32, #tpu.memory_space<vmem>> -> memref<1x128xi32, #tpu.memory_space<vmem>>
      %dma_wait3A_166 = tpu.memref_squeeze %dma_wait3A_165 : memref<1x128xi32, #tpu.memory_space<vmem>> -> memref<128xi32, #tpu.memory_space<vmem>>
      %dma_wait3A_167 = arith.constant 0 : i32
      %dma_wait3A_168 = arith.constant 0 : i32
      %dma_wait3A_169 = tpu.memref_slice %arg3[%dma_wait3A_167, %dma_wait3A_168] : memref<10240x32xf32, #tpu.memory_space<hbm>> -> memref<10240x32xf32, #tpu.memory_space<hbm>>
      tpu.wait_indirect_dma semaphore(%arg9 : memref<!tpu.dma_semaphore, #tpu.memory_space<semaphore_mem>>) src(%dma_wait3A_169 : memref<10240x32xf32, #tpu.memory_space<hbm>>) dst(%dma_wait3A_163 : memref<128x32xf32, #tpu.memory_space<vmem>>)
      %add3A_170 = arith.addi %mul3A_2, %add3A_146 : i32
      %mul3A_171 = arith.constant 128 : i32
      %mul3A_172 = arith.muli %add3A_170, %mul3A_171 : i32
      %dma_start3A_173 = arith.constant 2 : i32
      %dma_start3A_174 = arith.constant 0 : i32
      %dma_start3A_175 = arith.constant 0 : i32
      %dma_start3A_176 = tpu.memref_slice %arg6[%dma_start3A_173, %dma_start3A_174, %dma_start3A_175] : memref<4x128x32xf32, #tpu.memory_space<vmem>> -> memref<1x128x32xf32, #tpu.memory_space<vmem>>
      %dma_start3A_177 = tpu.memref_squeeze %dma_start3A_176 : memref<1x128x32xf32, #tpu.memory_space<vmem>> -> memref<128x32xf32, #tpu.memory_space<vmem>>
      %dma_start3A_178 = arith.constant 0 : i32
      %dma_start3A_179 = tpu.memref_slice %arg4[%mul3A_172, %dma_start3A_178] : memref<163840x32xf32, #tpu.memory_space<hbm>> -> memref<128x32xf32, #tpu.memory_space<hbm>>
      %dma_start3A_180 = arith.constant 0 : i32
      %dma_start3A_181 = tpu.memref_slice %arg4[%mul3A_172, %dma_start3A_180] : memref<163840x32xf32, #tpu.memory_space<hbm>> -> memref<128x32xf32, #tpu.memory_space<hbm>>
      %dma_start3A_182 = arith.constant 0 : i32
      %dma_start3A_183 = arith.constant 0 : i32
      %dma_start3A_184 = tpu.memref_slice %arg6[%dma_start3A_173, %dma_start3A_182, %dma_start3A_183] : memref<4x128x32xf32, #tpu.memory_space<vmem>> -> memref<1x128x32xf32, #tpu.memory_space<vmem>>
      %dma_start3A_185 = tpu.memref_squeeze %dma_start3A_184 : memref<1x128x32xf32, #tpu.memory_space<vmem>> -> memref<128x32xf32, #tpu.memory_space<vmem>>
      tpu.enqueue_dma source(%dma_start3A_185 : memref<128x32xf32, #tpu.memory_space<vmem>>) target(%dma_start3A_181 : memref<128x32xf32, #tpu.memory_space<hbm>>) target_semaphore(%arg13 : memref<!tpu.dma_semaphore, #tpu.memory_space<semaphore_mem>>)
      %add3A_186 = arith.constant 3 : i32
      %add3A_187 = arith.addi %mul3A_66, %add3A_186 : i32
      %ge3A_188 = arith.constant 2 : i32
      %ge3A_189 = arith.cmpi sge, %add3A_187, %ge3A_188 : i32
      %convert_element_type3A_190 = arith.extui %ge3A_189 : i1 to i32
      %cond3A_191 = arith.constant 0 : i32
      %cond3A_192 = arith.cmpi ne, %convert_element_type3A_190, %cond3A_191 : i32
      scf.if %cond3A_192 {
        %add3A_227 = arith.addi %mul3A_2, %add3A_187 : i32
        %sub3A = arith.constant 2 : i32
        %sub3A_228 = arith.subi %add3A_227, %sub3A : i32
        %mul3A_229 = arith.constant 128 : i32
        %mul3A_230 = arith.muli %sub3A_228, %mul3A_229 : i32
        %dma_wait3A_231 = arith.constant 1 : i32
        %dma_wait3A_232 = arith.constant 0 : i32
        %dma_wait3A_233 = arith.constant 0 : i32
        %dma_wait3A_234 = tpu.memref_slice %arg6[%dma_wait3A_231, %dma_wait3A_232, %dma_wait3A_233] : memref<4x128x32xf32, #tpu.memory_space<vmem>> -> memref<1x128x32xf32, #tpu.memory_space<vmem>>
        %dma_wait3A_235 = tpu.memref_squeeze %dma_wait3A_234 : memref<1x128x32xf32, #tpu.memory_space<vmem>> -> memref<128x32xf32, #tpu.memory_space<vmem>>
        %dma_wait3A_236 = arith.constant 0 : i32
        %dma_wait3A_237 = tpu.memref_slice %arg4[%mul3A_230, %dma_wait3A_236] : memref<163840x32xf32, #tpu.memory_space<hbm>> -> memref<128x32xf32, #tpu.memory_space<hbm>>
        %dma_wait3A_238 = arith.constant 0 : i32
        %dma_wait3A_239 = tpu.memref_slice %arg4[%mul3A_230, %dma_wait3A_238] : memref<163840x32xf32, #tpu.memory_space<hbm>> -> memref<128x32xf32, #tpu.memory_space<hbm>>
        %dma_wait3A_240 = arith.constant 0 : i32
        %dma_wait3A_241 = arith.constant 0 : i32
        %dma_wait3A_242 = tpu.memref_slice %arg6[%dma_wait3A_231, %dma_wait3A_240, %dma_wait3A_241] : memref<4x128x32xf32, #tpu.memory_space<vmem>> -> memref<1x128x32xf32, #tpu.memory_space<vmem>>
        %dma_wait3A_243 = tpu.memref_squeeze %dma_wait3A_242 : memref<1x128x32xf32, #tpu.memory_space<vmem>> -> memref<128x32xf32, #tpu.memory_space<vmem>>
        tpu.wait_dma2 semaphore(%arg12 : memref<!tpu.dma_semaphore, #tpu.memory_space<semaphore_mem>>) src(%dma_wait3A_243 : memref<128x32xf32, #tpu.memory_space<vmem>>) dst(%dma_wait3A_239 : memref<128x32xf32, #tpu.memory_space<hbm>>)
      } else {
      }
      %add3A_193 = arith.constant 2 : i32
      %add3A_194 = arith.addi %add3A_187, %add3A_193 : i32
      %lt3A_195 = arith.constant 40 : i32
      %lt3A_196 = arith.cmpi slt, %add3A_194, %lt3A_195 : i32
      %convert_element_type3A_197 = arith.extui %lt3A_196 : i1 to i32
      %cond3A_198 = arith.constant 0 : i32
      %cond3A_199 = arith.cmpi ne, %convert_element_type3A_197, %cond3A_198 : i32
      scf.if %cond3A_199 {
        %add3A_227 = arith.constant 2 : i32
        %add3A_228 = arith.addi %add3A_187, %add3A_227 : i32
        %dma_start3A_229 = arith.constant 1 : i32
        %dma_start3A_230 = arith.constant 0 : i32
        %dma_start3A_231 = arith.constant 0 : i32
        %dma_start3A_232 = tpu.memref_slice %arg6[%dma_start3A_229, %dma_start3A_230, %dma_start3A_231] : memref<4x128x32xf32, #tpu.memory_space<vmem>> -> memref<1x128x32xf32, #tpu.memory_space<vmem>>
        %dma_start3A_233 = tpu.memref_squeeze %dma_start3A_232 : memref<1x128x32xf32, #tpu.memory_space<vmem>> -> memref<128x32xf32, #tpu.memory_space<vmem>>
        %dma_start3A_234 = arith.constant 0 : i32
        %dma_start3A_235 = tpu.memref_slice %arg5[%add3A_228, %dma_start3A_234] : memref<40x128xi32, #tpu.memory_space<vmem>> -> memref<1x128xi32, #tpu.memory_space<vmem>>
        %dma_start3A_236 = tpu.memref_squeeze %dma_start3A_235 : memref<1x128xi32, #tpu.memory_space<vmem>> -> memref<128xi32, #tpu.memory_space<vmem>>
        %dma_start3A_237 = arith.constant 0 : i32
        %dma_start3A_238 = arith.constant 0 : i32
        %dma_start3A_239 = tpu.memref_slice %arg3[%dma_start3A_237, %dma_start3A_238] : memref<10240x32xf32, #tpu.memory_space<hbm>> -> memref<10240x32xf32, #tpu.memory_space<hbm>>
        tpu.enqueue_indirect_dma source(%dma_start3A_239 : memref<10240x32xf32, #tpu.memory_space<hbm>>) target(%dma_start3A_233 : memref<128x32xf32, #tpu.memory_space<vmem>>) offsets(%dma_start3A_236 : memref<128xi32, #tpu.memory_space<vmem>>) semaphore(%arg8 : memref<!tpu.dma_semaphore, #tpu.memory_space<semaphore_mem>>)
      } else {
      }
      %dma_wait3A_200 = arith.constant 3 : i32
      %dma_wait3A_201 = arith.constant 0 : i32
      %dma_wait3A_202 = arith.constant 0 : i32
      %dma_wait3A_203 = tpu.memref_slice %arg6[%dma_wait3A_200, %dma_wait3A_201, %dma_wait3A_202] : memref<4x128x32xf32, #tpu.memory_space<vmem>> -> memref<1x128x32xf32, #tpu.memory_space<vmem>>
      %dma_wait3A_204 = tpu.memref_squeeze %dma_wait3A_203 : memref<1x128x32xf32, #tpu.memory_space<vmem>> -> memref<128x32xf32, #tpu.memory_space<vmem>>
      %dma_wait3A_205 = arith.constant 0 : i32
      %dma_wait3A_206 = tpu.memref_slice %arg5[%add3A_187, %dma_wait3A_205] : memref<40x128xi32, #tpu.memory_space<vmem>> -> memref<1x128xi32, #tpu.memory_space<vmem>>
      %dma_wait3A_207 = tpu.memref_squeeze %dma_wait3A_206 : memref<1x128xi32, #tpu.memory_space<vmem>> -> memref<128xi32, #tpu.memory_space<vmem>>
      %dma_wait3A_208 = arith.constant 0 : i32
      %dma_wait3A_209 = arith.constant 0 : i32
      %dma_wait3A_210 = tpu.memref_slice %arg3[%dma_wait3A_208, %dma_wait3A_209] : memref<10240x32xf32, #tpu.memory_space<hbm>> -> memref<10240x32xf32, #tpu.memory_space<hbm>>
      tpu.wait_indirect_dma semaphore(%arg10 : memref<!tpu.dma_semaphore, #tpu.memory_space<semaphore_mem>>) src(%dma_wait3A_210 : memref<10240x32xf32, #tpu.memory_space<hbm>>) dst(%dma_wait3A_204 : memref<128x32xf32, #tpu.memory_space<vmem>>)
      %add3A_211 = arith.addi %mul3A_2, %add3A_187 : i32
      %mul3A_212 = arith.constant 128 : i32
      %mul3A_213 = arith.muli %add3A_211, %mul3A_212 : i32
      %dma_start3A_214 = arith.constant 3 : i32
      %dma_start3A_215 = arith.constant 0 : i32
      %dma_start3A_216 = arith.constant 0 : i32
      %dma_start3A_217 = tpu.memref_slice %arg6[%dma_start3A_214, %dma_start3A_215, %dma_start3A_216] : memref<4x128x32xf32, #tpu.memory_space<vmem>> -> memref<1x128x32xf32, #tpu.memory_space<vmem>>
      %dma_start3A_218 = tpu.memref_squeeze %dma_start3A_217 : memref<1x128x32xf32, #tpu.memory_space<vmem>> -> memref<128x32xf32, #tpu.memory_space<vmem>>
      %dma_start3A_219 = arith.constant 0 : i32
      %dma_start3A_220 = tpu.memref_slice %arg4[%mul3A_213, %dma_start3A_219] : memref<163840x32xf32, #tpu.memory_space<hbm>> -> memref<128x32xf32, #tpu.memory_space<hbm>>
      %dma_start3A_221 = arith.constant 0 : i32
      %dma_start3A_222 = tpu.memref_slice %arg4[%mul3A_213, %dma_start3A_221] : memref<163840x32xf32, #tpu.memory_space<hbm>> -> memref<128x32xf32, #tpu.memory_space<hbm>>
      %dma_start3A_223 = arith.constant 0 : i32
      %dma_start3A_224 = arith.constant 0 : i32
      %dma_start3A_225 = tpu.memref_slice %arg6[%dma_start3A_214, %dma_start3A_223, %dma_start3A_224] : memref<4x128x32xf32, #tpu.memory_space<vmem>> -> memref<1x128x32xf32, #tpu.memory_space<vmem>>
      %dma_start3A_226 = tpu.memref_squeeze %dma_start3A_225 : memref<1x128x32xf32, #tpu.memory_space<vmem>> -> memref<128x32xf32, #tpu.memory_space<vmem>>
      tpu.enqueue_dma source(%dma_start3A_226 : memref<128x32xf32, #tpu.memory_space<vmem>>) target(%dma_start3A_222 : memref<128x32xf32, #tpu.memory_space<hbm>>) target_semaphore(%arg14 : memref<!tpu.dma_semaphore, #tpu.memory_space<semaphore_mem>>)
    }
    %scan3A_30 = arith.constant 10 : i32
    %add3A_31 = arith.constant 38 : i32
    %add3A_32 = arith.addi %mul3A_2, %add3A_31 : i32
    %mul3A_33 = arith.constant 128 : i32
    %mul3A_34 = arith.muli %add3A_32, %mul3A_33 : i32
    %dma_wait3A = arith.constant 2 : i32
    %dma_wait3A_35 = arith.constant 0 : i32
    %dma_wait3A_36 = arith.constant 0 : i32
    %dma_wait3A_37 = tpu.memref_slice %arg6[%dma_wait3A, %dma_wait3A_35, %dma_wait3A_36] : memref<4x128x32xf32, #tpu.memory_space<vmem>> -> memref<1x128x32xf32, #tpu.memory_space<vmem>>
    %dma_wait3A_38 = tpu.memref_squeeze %dma_wait3A_37 : memref<1x128x32xf32, #tpu.memory_space<vmem>> -> memref<128x32xf32, #tpu.memory_space<vmem>>
    %dma_wait3A_39 = arith.constant 0 : i32
    %dma_wait3A_40 = tpu.memref_slice %arg4[%mul3A_34, %dma_wait3A_39] : memref<163840x32xf32, #tpu.memory_space<hbm>> -> memref<128x32xf32, #tpu.memory_space<hbm>>
    %dma_wait3A_41 = arith.constant 0 : i32
    %dma_wait3A_42 = tpu.memref_slice %arg4[%mul3A_34, %dma_wait3A_41] : memref<163840x32xf32, #tpu.memory_space<hbm>> -> memref<128x32xf32, #tpu.memory_space<hbm>>
    %dma_wait3A_43 = arith.constant 0 : i32
    %dma_wait3A_44 = arith.constant 0 : i32
    %dma_wait3A_45 = tpu.memref_slice %arg6[%dma_wait3A, %dma_wait3A_43, %dma_wait3A_44] : memref<4x128x32xf32, #tpu.memory_space<vmem>> -> memref<1x128x32xf32, #tpu.memory_space<vmem>>
    %dma_wait3A_46 = tpu.memref_squeeze %dma_wait3A_45 : memref<1x128x32xf32, #tpu.memory_space<vmem>> -> memref<128x32xf32, #tpu.memory_space<vmem>>
    tpu.wait_dma2 semaphore(%arg13 : memref<!tpu.dma_semaphore, #tpu.memory_space<semaphore_mem>>) src(%dma_wait3A_46 : memref<128x32xf32, #tpu.memory_space<vmem>>) dst(%dma_wait3A_42 : memref<128x32xf32, #tpu.memory_space<hbm>>)
    %add3A_47 = arith.constant 39 : i32
    %add3A_48 = arith.addi %mul3A_2, %add3A_47 : i32
    %mul3A_49 = arith.constant 128 : i32
    %mul3A_50 = arith.muli %add3A_48, %mul3A_49 : i32
    %dma_wait3A_51 = arith.constant 3 : i32
    %dma_wait3A_52 = arith.constant 0 : i32
    %dma_wait3A_53 = arith.constant 0 : i32
    %dma_wait3A_54 = tpu.memref_slice %arg6[%dma_wait3A_51, %dma_wait3A_52, %dma_wait3A_53] : memref<4x128x32xf32, #tpu.memory_space<vmem>> -> memref<1x128x32xf32, #tpu.memory_space<vmem>>
    %dma_wait3A_55 = tpu.memref_squeeze %dma_wait3A_54 : memref<1x128x32xf32, #tpu.memory_space<vmem>> -> memref<128x32xf32, #tpu.memory_space<vmem>>
    %dma_wait3A_56 = arith.constant 0 : i32
    %dma_wait3A_57 = tpu.memref_slice %arg4[%mul3A_50, %dma_wait3A_56] : memref<163840x32xf32, #tpu.memory_space<hbm>> -> memref<128x32xf32, #tpu.memory_space<hbm>>
    %dma_wait3A_58 = arith.constant 0 : i32
    %dma_wait3A_59 = tpu.memref_slice %arg4[%mul3A_50, %dma_wait3A_58] : memref<163840x32xf32, #tpu.memory_space<hbm>> -> memref<128x32xf32, #tpu.memory_space<hbm>>
    %dma_wait3A_60 = arith.constant 0 : i32
    %dma_wait3A_61 = arith.constant 0 : i32
    %dma_wait3A_62 = tpu.memref_slice %arg6[%dma_wait3A_51, %dma_wait3A_60, %dma_wait3A_61] : memref<4x128x32xf32, #tpu.memory_space<vmem>> -> memref<1x128x32xf32, #tpu.memory_space<vmem>>
    %dma_wait3A_63 = tpu.memref_squeeze %dma_wait3A_62 : memref<1x128x32xf32, #tpu.memory_space<vmem>> -> memref<128x32xf32, #tpu.memory_space<vmem>>
    tpu.wait_dma2 semaphore(%arg14 : memref<!tpu.dma_semaphore, #tpu.memory_space<semaphore_mem>>) src(%dma_wait3A_63 : memref<128x32xf32, #tpu.memory_space<vmem>>) dst(%dma_wait3A_59 : memref<128x32xf32, #tpu.memory_space<hbm>>)
    return
  }
}

module attributes {stable_mosaic.version = 14 : i64} {
  func.func @_knn_body(%arg0: i32, %arg1: i32, %arg2: memref<1x256x4xf32, #tpu.memory_space<vmem>>, %arg3: memref<1x4x1280xf32, #tpu.memory_space<vmem>>, %arg4: memref<1x256x16xi32, #tpu.memory_space<vmem>>, %arg5: memref<1x256x16xf32, #tpu.memory_space<vmem>>) attributes {dimension_semantics = [#tpu.dimension_semantics<arbitrary>, #tpu.dimension_semantics<arbitrary>], iteration_bounds = array<i64: 8, 5>, scalar_prefetch = 0 : i64, scratch_operands = 0 : i64, tpu.core_type = #tpu.core_type<tc>, window_params = [{transform_indices = @transform_0, window_bounds = array<i64: 1, 256, 4>}, {transform_indices = @transform_1, window_bounds = array<i64: 1, 4, 1280>}, {transform_indices = @transform_2, window_bounds = array<i64: 1, 256, 16>}, {transform_indices = @transform_3, window_bounds = array<i64: 1, 256, 16>}]} {
    %get3A = arith.constant 0 : index
    %get3A_0 = arith.constant 0 : index
    %get3A_1 = arith.constant 0 : index
    %get3A_2 = vector.load %arg2[%get3A, %get3A_0, %get3A_1] : memref<1x256x4xf32, #tpu.memory_space<vmem>>, vector<1x256x4xf32>
    %get3A_3 = vector.shape_cast %get3A_2 : vector<1x256x4xf32> to vector<256x4xf32>
    %get3A_4 = arith.constant 0 : index
    %get3A_5 = arith.constant 0 : index
    %get3A_6 = arith.constant 0 : index
    %get3A_7 = vector.load %arg3[%get3A_4, %get3A_5, %get3A_6] : memref<1x4x1280xf32, #tpu.memory_space<vmem>>, vector<1x4x1280xf32>
    %get3A_8 = vector.shape_cast %get3A_7 : vector<1x4x1280xf32> to vector<4x1280xf32>
    %broadcast_in_dim3A = arith.constant 0.000000e+00 : f32
    %broadcast_in_dim3A_9 = vector.broadcast %broadcast_in_dim3A : f32 to vector<256x1280xf32>
    %slice3A = vector.extract_strided_slice %get3A_3 {offsets = [0, 0], sizes = [256, 1], strides = [1, 1]} : vector<256x4xf32> to vector<256x1xf32>
    %slice3A_10 = vector.extract_strided_slice %get3A_8 {offsets = [0, 0], sizes = [1, 1280], strides = [1, 1]} : vector<4x1280xf32> to vector<1x1280xf32>
    %sub3A = vector.broadcast %slice3A : vector<256x1xf32> to vector<256x1280xf32>
    %sub3A_11 = vector.broadcast %slice3A_10 : vector<1x1280xf32> to vector<256x1280xf32>
    %sub3A_12 = arith.subf %sub3A, %sub3A_11 : vector<256x1280xf32>
    %mul3A = arith.mulf %sub3A_12, %sub3A_12 : vector<256x1280xf32>
    %add3A = arith.addf %broadcast_in_dim3A_9, %mul3A : vector<256x1280xf32>
    %slice3A_13 = vector.extract_strided_slice %get3A_3 {offsets = [0, 1], sizes = [256, 1], strides = [1, 1]} : vector<256x4xf32> to vector<256x1xf32>
    %slice3A_14 = vector.extract_strided_slice %get3A_8 {offsets = [1, 0], sizes = [1, 1280], strides = [1, 1]} : vector<4x1280xf32> to vector<1x1280xf32>
    %sub3A_15 = vector.broadcast %slice3A_13 : vector<256x1xf32> to vector<256x1280xf32>
    %sub3A_16 = vector.broadcast %slice3A_14 : vector<1x1280xf32> to vector<256x1280xf32>
    %sub3A_17 = arith.subf %sub3A_15, %sub3A_16 : vector<256x1280xf32>
    %mul3A_18 = arith.mulf %sub3A_17, %sub3A_17 : vector<256x1280xf32>
    %add3A_19 = arith.addf %add3A, %mul3A_18 : vector<256x1280xf32>
    %slice3A_20 = vector.extract_strided_slice %get3A_3 {offsets = [0, 2], sizes = [256, 1], strides = [1, 1]} : vector<256x4xf32> to vector<256x1xf32>
    %slice3A_21 = vector.extract_strided_slice %get3A_8 {offsets = [2, 0], sizes = [1, 1280], strides = [1, 1]} : vector<4x1280xf32> to vector<1x1280xf32>
    %sub3A_22 = vector.broadcast %slice3A_20 : vector<256x1xf32> to vector<256x1280xf32>
    %sub3A_23 = vector.broadcast %slice3A_21 : vector<1x1280xf32> to vector<256x1280xf32>
    %sub3A_24 = arith.subf %sub3A_22, %sub3A_23 : vector<256x1280xf32>
    %mul3A_25 = arith.mulf %sub3A_24, %sub3A_24 : vector<256x1280xf32>
    %add3A_26 = arith.addf %add3A_19, %mul3A_25 : vector<256x1280xf32>
    %iota3A = tpu.iota {dimensions = array<i32: 1>} : vector<256x1280xi32>
    %ge3A = arith.constant 1250 : i32
    %ge3A_27 = vector.broadcast %ge3A : i32 to vector<256x1280xi32>
    %ge3A_28 = arith.cmpi sge, %iota3A, %ge3A_27 : vector<256x1280xi32>
    %jit3A = arith.constant 1.000000e+30 : f32
    %broadcast_in_dim3A_29 = vector.broadcast %jit3A : f32 to vector<256x1280xf32>
    %select_n3A = arith.select %ge3A_28, %broadcast_in_dim3A_29, %add3A_26 : vector<256x1280xi1>, vector<256x1280xf32>
    %reduce_min3A = arith.constant dense<0x7F800000> : vector<256xf32>
    %reduce_min3A_30 = vector.multi_reduction <minimumf>, %select_n3A, %reduce_min3A [1] : vector<256x1280xf32> to vector<256xf32>
    %broadcast_in_dim3A_31 = vector.shape_cast %reduce_min3A_30 : vector<256xf32> to vector<256x1xf32>
    %le3A = vector.broadcast %broadcast_in_dim3A_31 : vector<256x1xf32> to vector<256x1280xf32>
    %le3A_32 = arith.cmpf ole, %select_n3A, %le3A : vector<256x1280xf32>
    %jit3A_33 = arith.constant 1073741824 : i32
    %broadcast_in_dim3A_34 = vector.broadcast %jit3A_33 : i32 to vector<256x1280xi32>
    %select_n3A_35 = arith.select %le3A_32, %iota3A, %broadcast_in_dim3A_34 : vector<256x1280xi1>, vector<256x1280xi32>
    %reduce_min3A_36 = arith.constant dense<2147483647> : vector<256xi32>
    %reduce_min3A_37 = vector.multi_reduction <minsi>, %select_n3A_35, %reduce_min3A_36 [1] : vector<256x1280xi32> to vector<256xi32>
    %broadcast_in_dim3A_38 = vector.shape_cast %reduce_min3A_37 : vector<256xi32> to vector<256x1xi32>
    %eq3A = vector.broadcast %broadcast_in_dim3A_38 : vector<256x1xi32> to vector<256x1280xi32>
    %eq3A_39 = arith.cmpi eq, %iota3A, %eq3A : vector<256x1280xi32>
    %jit3A_40 = arith.constant 1.000000e+30 : f32
    %broadcast_in_dim3A_41 = vector.broadcast %jit3A_40 : f32 to vector<256x1280xf32>
    %select_n3A_42 = arith.select %eq3A_39, %broadcast_in_dim3A_41, %select_n3A : vector<256x1280xi1>, vector<256x1280xf32>
    %reduce_min3A_43 = arith.constant dense<0x7F800000> : vector<256xf32>
    %reduce_min3A_44 = vector.multi_reduction <minimumf>, %select_n3A_42, %reduce_min3A_43 [1] : vector<256x1280xf32> to vector<256xf32>
    %broadcast_in_dim3A_45 = vector.shape_cast %reduce_min3A_44 : vector<256xf32> to vector<256x1xf32>
    %le3A_46 = vector.broadcast %broadcast_in_dim3A_45 : vector<256x1xf32> to vector<256x1280xf32>
    %le3A_47 = arith.cmpf ole, %select_n3A_42, %le3A_46 : vector<256x1280xf32>
    %jit3A_48 = arith.constant 1073741824 : i32
    %broadcast_in_dim3A_49 = vector.broadcast %jit3A_48 : i32 to vector<256x1280xi32>
    %select_n3A_50 = arith.select %le3A_47, %iota3A, %broadcast_in_dim3A_49 : vector<256x1280xi1>, vector<256x1280xi32>
    %reduce_min3A_51 = arith.constant dense<2147483647> : vector<256xi32>
    %reduce_min3A_52 = vector.multi_reduction <minsi>, %select_n3A_50, %reduce_min3A_51 [1] : vector<256x1280xi32> to vector<256xi32>
    %broadcast_in_dim3A_53 = vector.shape_cast %reduce_min3A_52 : vector<256xi32> to vector<256x1xi32>
    %eq3A_54 = vector.broadcast %broadcast_in_dim3A_53 : vector<256x1xi32> to vector<256x1280xi32>
    %eq3A_55 = arith.cmpi eq, %iota3A, %eq3A_54 : vector<256x1280xi32>
    %jit3A_56 = arith.constant 1.000000e+30 : f32
    %broadcast_in_dim3A_57 = vector.broadcast %jit3A_56 : f32 to vector<256x1280xf32>
    %select_n3A_58 = arith.select %eq3A_55, %broadcast_in_dim3A_57, %select_n3A_42 : vector<256x1280xi1>, vector<256x1280xf32>
    %reduce_min3A_59 = arith.constant dense<0x7F800000> : vector<256xf32>
    %reduce_min3A_60 = vector.multi_reduction <minimumf>, %select_n3A_58, %reduce_min3A_59 [1] : vector<256x1280xf32> to vector<256xf32>
    %broadcast_in_dim3A_61 = vector.shape_cast %reduce_min3A_60 : vector<256xf32> to vector<256x1xf32>
    %le3A_62 = vector.broadcast %broadcast_in_dim3A_61 : vector<256x1xf32> to vector<256x1280xf32>
    %le3A_63 = arith.cmpf ole, %select_n3A_58, %le3A_62 : vector<256x1280xf32>
    %jit3A_64 = arith.constant 1073741824 : i32
    %broadcast_in_dim3A_65 = vector.broadcast %jit3A_64 : i32 to vector<256x1280xi32>
    %select_n3A_66 = arith.select %le3A_63, %iota3A, %broadcast_in_dim3A_65 : vector<256x1280xi1>, vector<256x1280xi32>
    %reduce_min3A_67 = arith.constant dense<2147483647> : vector<256xi32>
    %reduce_min3A_68 = vector.multi_reduction <minsi>, %select_n3A_66, %reduce_min3A_67 [1] : vector<256x1280xi32> to vector<256xi32>
    %broadcast_in_dim3A_69 = vector.shape_cast %reduce_min3A_68 : vector<256xi32> to vector<256x1xi32>
    %eq3A_70 = vector.broadcast %broadcast_in_dim3A_69 : vector<256x1xi32> to vector<256x1280xi32>
    %eq3A_71 = arith.cmpi eq, %iota3A, %eq3A_70 : vector<256x1280xi32>
    %jit3A_72 = arith.constant 1.000000e+30 : f32
    %broadcast_in_dim3A_73 = vector.broadcast %jit3A_72 : f32 to vector<256x1280xf32>
    %select_n3A_74 = arith.select %eq3A_71, %broadcast_in_dim3A_73, %select_n3A_58 : vector<256x1280xi1>, vector<256x1280xf32>
    %reduce_min3A_75 = arith.constant dense<0x7F800000> : vector<256xf32>
    %reduce_min3A_76 = vector.multi_reduction <minimumf>, %select_n3A_74, %reduce_min3A_75 [1] : vector<256x1280xf32> to vector<256xf32>
    %broadcast_in_dim3A_77 = vector.shape_cast %reduce_min3A_76 : vector<256xf32> to vector<256x1xf32>
    %le3A_78 = vector.broadcast %broadcast_in_dim3A_77 : vector<256x1xf32> to vector<256x1280xf32>
    %le3A_79 = arith.cmpf ole, %select_n3A_74, %le3A_78 : vector<256x1280xf32>
    %jit3A_80 = arith.constant 1073741824 : i32
    %broadcast_in_dim3A_81 = vector.broadcast %jit3A_80 : i32 to vector<256x1280xi32>
    %select_n3A_82 = arith.select %le3A_79, %iota3A, %broadcast_in_dim3A_81 : vector<256x1280xi1>, vector<256x1280xi32>
    %reduce_min3A_83 = arith.constant dense<2147483647> : vector<256xi32>
    %reduce_min3A_84 = vector.multi_reduction <minsi>, %select_n3A_82, %reduce_min3A_83 [1] : vector<256x1280xi32> to vector<256xi32>
    %broadcast_in_dim3A_85 = vector.shape_cast %reduce_min3A_84 : vector<256xi32> to vector<256x1xi32>
    %eq3A_86 = vector.broadcast %broadcast_in_dim3A_85 : vector<256x1xi32> to vector<256x1280xi32>
    %eq3A_87 = arith.cmpi eq, %iota3A, %eq3A_86 : vector<256x1280xi32>
    %jit3A_88 = arith.constant 1.000000e+30 : f32
    %broadcast_in_dim3A_89 = vector.broadcast %jit3A_88 : f32 to vector<256x1280xf32>
    %select_n3A_90 = arith.select %eq3A_87, %broadcast_in_dim3A_89, %select_n3A_74 : vector<256x1280xi1>, vector<256x1280xf32>
    %reduce_min3A_91 = arith.constant dense<0x7F800000> : vector<256xf32>
    %reduce_min3A_92 = vector.multi_reduction <minimumf>, %select_n3A_90, %reduce_min3A_91 [1] : vector<256x1280xf32> to vector<256xf32>
    %broadcast_in_dim3A_93 = vector.shape_cast %reduce_min3A_92 : vector<256xf32> to vector<256x1xf32>
    %le3A_94 = vector.broadcast %broadcast_in_dim3A_93 : vector<256x1xf32> to vector<256x1280xf32>
    %le3A_95 = arith.cmpf ole, %select_n3A_90, %le3A_94 : vector<256x1280xf32>
    %jit3A_96 = arith.constant 1073741824 : i32
    %broadcast_in_dim3A_97 = vector.broadcast %jit3A_96 : i32 to vector<256x1280xi32>
    %select_n3A_98 = arith.select %le3A_95, %iota3A, %broadcast_in_dim3A_97 : vector<256x1280xi1>, vector<256x1280xi32>
    %reduce_min3A_99 = arith.constant dense<2147483647> : vector<256xi32>
    %reduce_min3A_100 = vector.multi_reduction <minsi>, %select_n3A_98, %reduce_min3A_99 [1] : vector<256x1280xi32> to vector<256xi32>
    %broadcast_in_dim3A_101 = vector.shape_cast %reduce_min3A_100 : vector<256xi32> to vector<256x1xi32>
    %eq3A_102 = vector.broadcast %broadcast_in_dim3A_101 : vector<256x1xi32> to vector<256x1280xi32>
    %eq3A_103 = arith.cmpi eq, %iota3A, %eq3A_102 : vector<256x1280xi32>
    %jit3A_104 = arith.constant 1.000000e+30 : f32
    %broadcast_in_dim3A_105 = vector.broadcast %jit3A_104 : f32 to vector<256x1280xf32>
    %select_n3A_106 = arith.select %eq3A_103, %broadcast_in_dim3A_105, %select_n3A_90 : vector<256x1280xi1>, vector<256x1280xf32>
    %reduce_min3A_107 = arith.constant dense<0x7F800000> : vector<256xf32>
    %reduce_min3A_108 = vector.multi_reduction <minimumf>, %select_n3A_106, %reduce_min3A_107 [1] : vector<256x1280xf32> to vector<256xf32>
    %broadcast_in_dim3A_109 = vector.shape_cast %reduce_min3A_108 : vector<256xf32> to vector<256x1xf32>
    %le3A_110 = vector.broadcast %broadcast_in_dim3A_109 : vector<256x1xf32> to vector<256x1280xf32>
    %le3A_111 = arith.cmpf ole, %select_n3A_106, %le3A_110 : vector<256x1280xf32>
    %jit3A_112 = arith.constant 1073741824 : i32
    %broadcast_in_dim3A_113 = vector.broadcast %jit3A_112 : i32 to vector<256x1280xi32>
    %select_n3A_114 = arith.select %le3A_111, %iota3A, %broadcast_in_dim3A_113 : vector<256x1280xi1>, vector<256x1280xi32>
    %reduce_min3A_115 = arith.constant dense<2147483647> : vector<256xi32>
    %reduce_min3A_116 = vector.multi_reduction <minsi>, %select_n3A_114, %reduce_min3A_115 [1] : vector<256x1280xi32> to vector<256xi32>
    %broadcast_in_dim3A_117 = vector.shape_cast %reduce_min3A_116 : vector<256xi32> to vector<256x1xi32>
    %eq3A_118 = vector.broadcast %broadcast_in_dim3A_117 : vector<256x1xi32> to vector<256x1280xi32>
    %eq3A_119 = arith.cmpi eq, %iota3A, %eq3A_118 : vector<256x1280xi32>
    %jit3A_120 = arith.constant 1.000000e+30 : f32
    %broadcast_in_dim3A_121 = vector.broadcast %jit3A_120 : f32 to vector<256x1280xf32>
    %select_n3A_122 = arith.select %eq3A_119, %broadcast_in_dim3A_121, %select_n3A_106 : vector<256x1280xi1>, vector<256x1280xf32>
    %reduce_min3A_123 = arith.constant dense<0x7F800000> : vector<256xf32>
    %reduce_min3A_124 = vector.multi_reduction <minimumf>, %select_n3A_122, %reduce_min3A_123 [1] : vector<256x1280xf32> to vector<256xf32>
    %broadcast_in_dim3A_125 = vector.shape_cast %reduce_min3A_124 : vector<256xf32> to vector<256x1xf32>
    %le3A_126 = vector.broadcast %broadcast_in_dim3A_125 : vector<256x1xf32> to vector<256x1280xf32>
    %le3A_127 = arith.cmpf ole, %select_n3A_122, %le3A_126 : vector<256x1280xf32>
    %jit3A_128 = arith.constant 1073741824 : i32
    %broadcast_in_dim3A_129 = vector.broadcast %jit3A_128 : i32 to vector<256x1280xi32>
    %select_n3A_130 = arith.select %le3A_127, %iota3A, %broadcast_in_dim3A_129 : vector<256x1280xi1>, vector<256x1280xi32>
    %reduce_min3A_131 = arith.constant dense<2147483647> : vector<256xi32>
    %reduce_min3A_132 = vector.multi_reduction <minsi>, %select_n3A_130, %reduce_min3A_131 [1] : vector<256x1280xi32> to vector<256xi32>
    %broadcast_in_dim3A_133 = vector.shape_cast %reduce_min3A_132 : vector<256xi32> to vector<256x1xi32>
    %eq3A_134 = vector.broadcast %broadcast_in_dim3A_133 : vector<256x1xi32> to vector<256x1280xi32>
    %eq3A_135 = arith.cmpi eq, %iota3A, %eq3A_134 : vector<256x1280xi32>
    %jit3A_136 = arith.constant 1.000000e+30 : f32
    %broadcast_in_dim3A_137 = vector.broadcast %jit3A_136 : f32 to vector<256x1280xf32>
    %select_n3A_138 = arith.select %eq3A_135, %broadcast_in_dim3A_137, %select_n3A_122 : vector<256x1280xi1>, vector<256x1280xf32>
    %reduce_min3A_139 = arith.constant dense<0x7F800000> : vector<256xf32>
    %reduce_min3A_140 = vector.multi_reduction <minimumf>, %select_n3A_138, %reduce_min3A_139 [1] : vector<256x1280xf32> to vector<256xf32>
    %broadcast_in_dim3A_141 = vector.shape_cast %reduce_min3A_140 : vector<256xf32> to vector<256x1xf32>
    %le3A_142 = vector.broadcast %broadcast_in_dim3A_141 : vector<256x1xf32> to vector<256x1280xf32>
    %le3A_143 = arith.cmpf ole, %select_n3A_138, %le3A_142 : vector<256x1280xf32>
    %jit3A_144 = arith.constant 1073741824 : i32
    %broadcast_in_dim3A_145 = vector.broadcast %jit3A_144 : i32 to vector<256x1280xi32>
    %select_n3A_146 = arith.select %le3A_143, %iota3A, %broadcast_in_dim3A_145 : vector<256x1280xi1>, vector<256x1280xi32>
    %reduce_min3A_147 = arith.constant dense<2147483647> : vector<256xi32>
    %reduce_min3A_148 = vector.multi_reduction <minsi>, %select_n3A_146, %reduce_min3A_147 [1] : vector<256x1280xi32> to vector<256xi32>
    %broadcast_in_dim3A_149 = vector.shape_cast %reduce_min3A_148 : vector<256xi32> to vector<256x1xi32>
    %eq3A_150 = vector.broadcast %broadcast_in_dim3A_149 : vector<256x1xi32> to vector<256x1280xi32>
    %eq3A_151 = arith.cmpi eq, %iota3A, %eq3A_150 : vector<256x1280xi32>
    %jit3A_152 = arith.constant 1.000000e+30 : f32
    %broadcast_in_dim3A_153 = vector.broadcast %jit3A_152 : f32 to vector<256x1280xf32>
    %select_n3A_154 = arith.select %eq3A_151, %broadcast_in_dim3A_153, %select_n3A_138 : vector<256x1280xi1>, vector<256x1280xf32>
    %reduce_min3A_155 = arith.constant dense<0x7F800000> : vector<256xf32>
    %reduce_min3A_156 = vector.multi_reduction <minimumf>, %select_n3A_154, %reduce_min3A_155 [1] : vector<256x1280xf32> to vector<256xf32>
    %broadcast_in_dim3A_157 = vector.shape_cast %reduce_min3A_156 : vector<256xf32> to vector<256x1xf32>
    %le3A_158 = vector.broadcast %broadcast_in_dim3A_157 : vector<256x1xf32> to vector<256x1280xf32>
    %le3A_159 = arith.cmpf ole, %select_n3A_154, %le3A_158 : vector<256x1280xf32>
    %jit3A_160 = arith.constant 1073741824 : i32
    %broadcast_in_dim3A_161 = vector.broadcast %jit3A_160 : i32 to vector<256x1280xi32>
    %select_n3A_162 = arith.select %le3A_159, %iota3A, %broadcast_in_dim3A_161 : vector<256x1280xi1>, vector<256x1280xi32>
    %reduce_min3A_163 = arith.constant dense<2147483647> : vector<256xi32>
    %reduce_min3A_164 = vector.multi_reduction <minsi>, %select_n3A_162, %reduce_min3A_163 [1] : vector<256x1280xi32> to vector<256xi32>
    %broadcast_in_dim3A_165 = vector.shape_cast %reduce_min3A_164 : vector<256xi32> to vector<256x1xi32>
    %eq3A_166 = vector.broadcast %broadcast_in_dim3A_165 : vector<256x1xi32> to vector<256x1280xi32>
    %eq3A_167 = arith.cmpi eq, %iota3A, %eq3A_166 : vector<256x1280xi32>
    %jit3A_168 = arith.constant 1.000000e+30 : f32
    %broadcast_in_dim3A_169 = vector.broadcast %jit3A_168 : f32 to vector<256x1280xf32>
    %select_n3A_170 = arith.select %eq3A_167, %broadcast_in_dim3A_169, %select_n3A_154 : vector<256x1280xi1>, vector<256x1280xf32>
    %reduce_min3A_171 = arith.constant dense<0x7F800000> : vector<256xf32>
    %reduce_min3A_172 = vector.multi_reduction <minimumf>, %select_n3A_170, %reduce_min3A_171 [1] : vector<256x1280xf32> to vector<256xf32>
    %broadcast_in_dim3A_173 = vector.shape_cast %reduce_min3A_172 : vector<256xf32> to vector<256x1xf32>
    %le3A_174 = vector.broadcast %broadcast_in_dim3A_173 : vector<256x1xf32> to vector<256x1280xf32>
    %le3A_175 = arith.cmpf ole, %select_n3A_170, %le3A_174 : vector<256x1280xf32>
    %jit3A_176 = arith.constant 1073741824 : i32
    %broadcast_in_dim3A_177 = vector.broadcast %jit3A_176 : i32 to vector<256x1280xi32>
    %select_n3A_178 = arith.select %le3A_175, %iota3A, %broadcast_in_dim3A_177 : vector<256x1280xi1>, vector<256x1280xi32>
    %reduce_min3A_179 = arith.constant dense<2147483647> : vector<256xi32>
    %reduce_min3A_180 = vector.multi_reduction <minsi>, %select_n3A_178, %reduce_min3A_179 [1] : vector<256x1280xi32> to vector<256xi32>
    %broadcast_in_dim3A_181 = vector.shape_cast %reduce_min3A_180 : vector<256xi32> to vector<256x1xi32>
    %eq3A_182 = vector.broadcast %broadcast_in_dim3A_181 : vector<256x1xi32> to vector<256x1280xi32>
    %eq3A_183 = arith.cmpi eq, %iota3A, %eq3A_182 : vector<256x1280xi32>
    %jit3A_184 = arith.constant 1.000000e+30 : f32
    %broadcast_in_dim3A_185 = vector.broadcast %jit3A_184 : f32 to vector<256x1280xf32>
    %select_n3A_186 = arith.select %eq3A_183, %broadcast_in_dim3A_185, %select_n3A_170 : vector<256x1280xi1>, vector<256x1280xf32>
    %reduce_min3A_187 = arith.constant dense<0x7F800000> : vector<256xf32>
    %reduce_min3A_188 = vector.multi_reduction <minimumf>, %select_n3A_186, %reduce_min3A_187 [1] : vector<256x1280xf32> to vector<256xf32>
    %broadcast_in_dim3A_189 = vector.shape_cast %reduce_min3A_188 : vector<256xf32> to vector<256x1xf32>
    %le3A_190 = vector.broadcast %broadcast_in_dim3A_189 : vector<256x1xf32> to vector<256x1280xf32>
    %le3A_191 = arith.cmpf ole, %select_n3A_186, %le3A_190 : vector<256x1280xf32>
    %jit3A_192 = arith.constant 1073741824 : i32
    %broadcast_in_dim3A_193 = vector.broadcast %jit3A_192 : i32 to vector<256x1280xi32>
    %select_n3A_194 = arith.select %le3A_191, %iota3A, %broadcast_in_dim3A_193 : vector<256x1280xi1>, vector<256x1280xi32>
    %reduce_min3A_195 = arith.constant dense<2147483647> : vector<256xi32>
    %reduce_min3A_196 = vector.multi_reduction <minsi>, %select_n3A_194, %reduce_min3A_195 [1] : vector<256x1280xi32> to vector<256xi32>
    %broadcast_in_dim3A_197 = vector.shape_cast %reduce_min3A_196 : vector<256xi32> to vector<256x1xi32>
    %eq3A_198 = vector.broadcast %broadcast_in_dim3A_197 : vector<256x1xi32> to vector<256x1280xi32>
    %eq3A_199 = arith.cmpi eq, %iota3A, %eq3A_198 : vector<256x1280xi32>
    %jit3A_200 = arith.constant 1.000000e+30 : f32
    %broadcast_in_dim3A_201 = vector.broadcast %jit3A_200 : f32 to vector<256x1280xf32>
    %select_n3A_202 = arith.select %eq3A_199, %broadcast_in_dim3A_201, %select_n3A_186 : vector<256x1280xi1>, vector<256x1280xf32>
    %reduce_min3A_203 = arith.constant dense<0x7F800000> : vector<256xf32>
    %reduce_min3A_204 = vector.multi_reduction <minimumf>, %select_n3A_202, %reduce_min3A_203 [1] : vector<256x1280xf32> to vector<256xf32>
    %broadcast_in_dim3A_205 = vector.shape_cast %reduce_min3A_204 : vector<256xf32> to vector<256x1xf32>
    %le3A_206 = vector.broadcast %broadcast_in_dim3A_205 : vector<256x1xf32> to vector<256x1280xf32>
    %le3A_207 = arith.cmpf ole, %select_n3A_202, %le3A_206 : vector<256x1280xf32>
    %jit3A_208 = arith.constant 1073741824 : i32
    %broadcast_in_dim3A_209 = vector.broadcast %jit3A_208 : i32 to vector<256x1280xi32>
    %select_n3A_210 = arith.select %le3A_207, %iota3A, %broadcast_in_dim3A_209 : vector<256x1280xi1>, vector<256x1280xi32>
    %reduce_min3A_211 = arith.constant dense<2147483647> : vector<256xi32>
    %reduce_min3A_212 = vector.multi_reduction <minsi>, %select_n3A_210, %reduce_min3A_211 [1] : vector<256x1280xi32> to vector<256xi32>
    %broadcast_in_dim3A_213 = vector.shape_cast %reduce_min3A_212 : vector<256xi32> to vector<256x1xi32>
    %eq3A_214 = vector.broadcast %broadcast_in_dim3A_213 : vector<256x1xi32> to vector<256x1280xi32>
    %eq3A_215 = arith.cmpi eq, %iota3A, %eq3A_214 : vector<256x1280xi32>
    %jit3A_216 = arith.constant 1.000000e+30 : f32
    %broadcast_in_dim3A_217 = vector.broadcast %jit3A_216 : f32 to vector<256x1280xf32>
    %select_n3A_218 = arith.select %eq3A_215, %broadcast_in_dim3A_217, %select_n3A_202 : vector<256x1280xi1>, vector<256x1280xf32>
    %reduce_min3A_219 = arith.constant dense<0x7F800000> : vector<256xf32>
    %reduce_min3A_220 = vector.multi_reduction <minimumf>, %select_n3A_218, %reduce_min3A_219 [1] : vector<256x1280xf32> to vector<256xf32>
    %broadcast_in_dim3A_221 = vector.shape_cast %reduce_min3A_220 : vector<256xf32> to vector<256x1xf32>
    %le3A_222 = vector.broadcast %broadcast_in_dim3A_221 : vector<256x1xf32> to vector<256x1280xf32>
    %le3A_223 = arith.cmpf ole, %select_n3A_218, %le3A_222 : vector<256x1280xf32>
    %jit3A_224 = arith.constant 1073741824 : i32
    %broadcast_in_dim3A_225 = vector.broadcast %jit3A_224 : i32 to vector<256x1280xi32>
    %select_n3A_226 = arith.select %le3A_223, %iota3A, %broadcast_in_dim3A_225 : vector<256x1280xi1>, vector<256x1280xi32>
    %reduce_min3A_227 = arith.constant dense<2147483647> : vector<256xi32>
    %reduce_min3A_228 = vector.multi_reduction <minsi>, %select_n3A_226, %reduce_min3A_227 [1] : vector<256x1280xi32> to vector<256xi32>
    %broadcast_in_dim3A_229 = vector.shape_cast %reduce_min3A_228 : vector<256xi32> to vector<256x1xi32>
    %eq3A_230 = vector.broadcast %broadcast_in_dim3A_229 : vector<256x1xi32> to vector<256x1280xi32>
    %eq3A_231 = arith.cmpi eq, %iota3A, %eq3A_230 : vector<256x1280xi32>
    %jit3A_232 = arith.constant 1.000000e+30 : f32
    %broadcast_in_dim3A_233 = vector.broadcast %jit3A_232 : f32 to vector<256x1280xf32>
    %select_n3A_234 = arith.select %eq3A_231, %broadcast_in_dim3A_233, %select_n3A_218 : vector<256x1280xi1>, vector<256x1280xf32>
    %reduce_min3A_235 = arith.constant dense<0x7F800000> : vector<256xf32>
    %reduce_min3A_236 = vector.multi_reduction <minimumf>, %select_n3A_234, %reduce_min3A_235 [1] : vector<256x1280xf32> to vector<256xf32>
    %broadcast_in_dim3A_237 = vector.shape_cast %reduce_min3A_236 : vector<256xf32> to vector<256x1xf32>
    %le3A_238 = vector.broadcast %broadcast_in_dim3A_237 : vector<256x1xf32> to vector<256x1280xf32>
    %le3A_239 = arith.cmpf ole, %select_n3A_234, %le3A_238 : vector<256x1280xf32>
    %jit3A_240 = arith.constant 1073741824 : i32
    %broadcast_in_dim3A_241 = vector.broadcast %jit3A_240 : i32 to vector<256x1280xi32>
    %select_n3A_242 = arith.select %le3A_239, %iota3A, %broadcast_in_dim3A_241 : vector<256x1280xi1>, vector<256x1280xi32>
    %reduce_min3A_243 = arith.constant dense<2147483647> : vector<256xi32>
    %reduce_min3A_244 = vector.multi_reduction <minsi>, %select_n3A_242, %reduce_min3A_243 [1] : vector<256x1280xi32> to vector<256xi32>
    %broadcast_in_dim3A_245 = vector.shape_cast %reduce_min3A_244 : vector<256xi32> to vector<256x1xi32>
    %eq3A_246 = vector.broadcast %broadcast_in_dim3A_245 : vector<256x1xi32> to vector<256x1280xi32>
    %eq3A_247 = arith.cmpi eq, %iota3A, %eq3A_246 : vector<256x1280xi32>
    %jit3A_248 = arith.constant 1.000000e+30 : f32
    %broadcast_in_dim3A_249 = vector.broadcast %jit3A_248 : f32 to vector<256x1280xf32>
    %select_n3A_250 = arith.select %eq3A_247, %broadcast_in_dim3A_249, %select_n3A_234 : vector<256x1280xi1>, vector<256x1280xf32>
    %reduce_min3A_251 = arith.constant dense<0x7F800000> : vector<256xf32>
    %reduce_min3A_252 = vector.multi_reduction <minimumf>, %select_n3A_250, %reduce_min3A_251 [1] : vector<256x1280xf32> to vector<256xf32>
    %broadcast_in_dim3A_253 = vector.shape_cast %reduce_min3A_252 : vector<256xf32> to vector<256x1xf32>
    %le3A_254 = vector.broadcast %broadcast_in_dim3A_253 : vector<256x1xf32> to vector<256x1280xf32>
    %le3A_255 = arith.cmpf ole, %select_n3A_250, %le3A_254 : vector<256x1280xf32>
    %jit3A_256 = arith.constant 1073741824 : i32
    %broadcast_in_dim3A_257 = vector.broadcast %jit3A_256 : i32 to vector<256x1280xi32>
    %select_n3A_258 = arith.select %le3A_255, %iota3A, %broadcast_in_dim3A_257 : vector<256x1280xi1>, vector<256x1280xi32>
    %reduce_min3A_259 = arith.constant dense<2147483647> : vector<256xi32>
    %reduce_min3A_260 = vector.multi_reduction <minsi>, %select_n3A_258, %reduce_min3A_259 [1] : vector<256x1280xi32> to vector<256xi32>
    %broadcast_in_dim3A_261 = vector.shape_cast %reduce_min3A_260 : vector<256xi32> to vector<256x1xi32>
    %eq3A_262 = vector.broadcast %broadcast_in_dim3A_261 : vector<256x1xi32> to vector<256x1280xi32>
    %eq3A_263 = arith.cmpi eq, %iota3A, %eq3A_262 : vector<256x1280xi32>
    %jit3A_264 = arith.constant 1.000000e+30 : f32
    %broadcast_in_dim3A_265 = vector.broadcast %jit3A_264 : f32 to vector<256x1280xf32>
    %select_n3A_266 = arith.select %eq3A_263, %broadcast_in_dim3A_265, %select_n3A_250 : vector<256x1280xi1>, vector<256x1280xf32>
    %reduce_min3A_267 = arith.constant dense<0x7F800000> : vector<256xf32>
    %reduce_min3A_268 = vector.multi_reduction <minimumf>, %select_n3A_266, %reduce_min3A_267 [1] : vector<256x1280xf32> to vector<256xf32>
    %broadcast_in_dim3A_269 = vector.shape_cast %reduce_min3A_268 : vector<256xf32> to vector<256x1xf32>
    %le3A_270 = vector.broadcast %broadcast_in_dim3A_269 : vector<256x1xf32> to vector<256x1280xf32>
    %le3A_271 = arith.cmpf ole, %select_n3A_266, %le3A_270 : vector<256x1280xf32>
    %jit3A_272 = arith.constant 1073741824 : i32
    %broadcast_in_dim3A_273 = vector.broadcast %jit3A_272 : i32 to vector<256x1280xi32>
    %select_n3A_274 = arith.select %le3A_271, %iota3A, %broadcast_in_dim3A_273 : vector<256x1280xi1>, vector<256x1280xi32>
    %reduce_min3A_275 = arith.constant dense<2147483647> : vector<256xi32>
    %reduce_min3A_276 = vector.multi_reduction <minsi>, %select_n3A_274, %reduce_min3A_275 [1] : vector<256x1280xi32> to vector<256xi32>
    %broadcast_in_dim3A_277 = vector.shape_cast %reduce_min3A_276 : vector<256xi32> to vector<256x1xi32>
    %concatenate3A = tpu.concatenate %broadcast_in_dim3A_38, %broadcast_in_dim3A_53, %broadcast_in_dim3A_69, %broadcast_in_dim3A_85, %broadcast_in_dim3A_101, %broadcast_in_dim3A_117, %broadcast_in_dim3A_133, %broadcast_in_dim3A_149, %broadcast_in_dim3A_165, %broadcast_in_dim3A_181, %broadcast_in_dim3A_197, %broadcast_in_dim3A_213, %broadcast_in_dim3A_229, %broadcast_in_dim3A_245, %broadcast_in_dim3A_261, %broadcast_in_dim3A_277 in 1 : vector<256x1xi32>, vector<256x1xi32>, vector<256x1xi32>, vector<256x1xi32>, vector<256x1xi32>, vector<256x1xi32>, vector<256x1xi32>, vector<256x1xi32>, vector<256x1xi32>, vector<256x1xi32>, vector<256x1xi32>, vector<256x1xi32>, vector<256x1xi32>, vector<256x1xi32>, vector<256x1xi32>, vector<256x1xi32> -> vector<256x16xi32>
    %mul3A_278 = arith.constant 1250 : i32
    %mul3A_279 = arith.muli %arg0, %mul3A_278 : i32
    %add3A_280 = vector.broadcast %mul3A_279 : i32 to vector<256x16xi32>
    %add3A_281 = arith.addi %concatenate3A, %add3A_280 : vector<256x16xi32>
    %swap3A = arith.constant 0 : index
    %swap3A_282 = arith.constant 0 : index
    %swap3A_283 = arith.constant 0 : index
    %swap3A_284 = vector.load %arg4[%swap3A, %swap3A_282, %swap3A_283] : memref<1x256x16xi32, #tpu.memory_space<vmem>>, vector<1x256x16xi32>
    %swap3A_285 = vector.shape_cast %swap3A_284 : vector<1x256x16xi32> to vector<256x16xi32>
    %swap3A_286 = vector.shape_cast %add3A_281 : vector<256x16xi32> to vector<1x256x16xi32>
    tpu.vector_store %arg4[%swap3A, %swap3A_282, %swap3A_283], %swap3A_286 {strides = array<i32>} : memref<1x256x16xi32, #tpu.memory_space<vmem>>, vector<1x256x16xi32>,
    %concatenate3A_287 = tpu.concatenate %broadcast_in_dim3A_31, %broadcast_in_dim3A_45, %broadcast_in_dim3A_61, %broadcast_in_dim3A_77, %broadcast_in_dim3A_93, %broadcast_in_dim3A_109, %broadcast_in_dim3A_125, %broadcast_in_dim3A_141, %broadcast_in_dim3A_157, %broadcast_in_dim3A_173, %broadcast_in_dim3A_189, %broadcast_in_dim3A_205, %broadcast_in_dim3A_221, %broadcast_in_dim3A_237, %broadcast_in_dim3A_253, %broadcast_in_dim3A_269 in 1 : vector<256x1xf32>, vector<256x1xf32>, vector<256x1xf32>, vector<256x1xf32>, vector<256x1xf32>, vector<256x1xf32>, vector<256x1xf32>, vector<256x1xf32>, vector<256x1xf32>, vector<256x1xf32>, vector<256x1xf32>, vector<256x1xf32>, vector<256x1xf32>, vector<256x1xf32>, vector<256x1xf32>, vector<256x1xf32> -> vector<256x16xf32>
    %max3A = arith.constant 0.000000e+00 : f32
    %max3A_288 = vector.broadcast %max3A : f32 to vector<256x16xf32>
    %max3A_289 = arith.maximumf %concatenate3A_287, %max3A_288 : vector<256x16xf32>
    %swap3A_290 = arith.constant 0 : index
    %swap3A_291 = arith.constant 0 : index
    %swap3A_292 = arith.constant 0 : index
    %swap3A_293 = vector.load %arg5[%swap3A_290, %swap3A_291, %swap3A_292] : memref<1x256x16xf32, #tpu.memory_space<vmem>>, vector<1x256x16xf32>
    %swap3A_294 = vector.shape_cast %swap3A_293 : vector<1x256x16xf32> to vector<256x16xf32>
    %swap3A_295 = vector.shape_cast %max3A_289 : vector<256x16xf32> to vector<1x256x16xf32>
    tpu.vector_store %arg5[%swap3A_290, %swap3A_291, %swap3A_292], %swap3A_295 {strides = array<i32>} : memref<1x256x16xf32, #tpu.memory_space<vmem>>, vector<1x256x16xf32>,
    return
  }
  func.func @transform_0(%arg0: i32, %arg1: i32) -> (i32, i32, i32) {
    %c0_i32 = arith.constant 0 : i32
    %c0_i32_0 = arith.constant 0 : i32
    return %arg0, %arg1, %c0_i32 : i32, i32, i32
  }
  func.func @transform_1(%arg0: i32, %arg1: i32) -> (i32, i32, i32) {
    %c0_i32 = arith.constant 0 : i32
    %c0_i32_0 = arith.constant 0 : i32
    %c0_i32_1 = arith.constant 0 : i32
    return %arg0, %c0_i32, %c0_i32_0 : i32, i32, i32
  }
  func.func @transform_2(%arg0: i32, %arg1: i32) -> (i32, i32, i32) {
    %c0_i32 = arith.constant 0 : i32
    %c0_i32_0 = arith.constant 0 : i32
    return %arg0, %arg1, %c0_i32 : i32, i32, i32
  }
  func.func @transform_3(%arg0: i32, %arg1: i32) -> (i32, i32, i32) {
    %c0_i32 = arith.constant 0 : i32
    %c0_i32_0 = arith.constant 0 : i32
    return %arg0, %arg1, %c0_i32 : i32, i32, i32
  }
}

module attributes {stable_mosaic.version = 14 : i64} {
  func.func @_uv_body(%arg0: i32, %arg1: memref<1024x8xf32, #tpu.memory_space<vmem>>, %arg2: memref<8x32xf32, #tpu.memory_space<vmem>>, %arg3: memref<8x32xf32, #tpu.memory_space<vmem>>, %arg4: memref<8x32xf32, #tpu.memory_space<vmem>>, %arg5: memref<1024x32xf32, #tpu.memory_space<vmem>>, %arg6: memref<1024x32xf32, #tpu.memory_space<vmem>>) attributes {dimension_semantics = [#tpu.dimension_semantics<arbitrary>], iteration_bounds = array<i64: 10>, scalar_prefetch = 0 : i64, scratch_operands = 0 : i64, tpu.core_type = #tpu.core_type<tc>, window_params = [{transform_indices = @transform_0, window_bounds = array<i64: 1024, 8>}, {pipeline_mode = #tpu.pipeline_mode<synchronous>, transform_indices = @transform_1, window_bounds = array<i64: 8, 32>}, {pipeline_mode = #tpu.pipeline_mode<synchronous>, transform_indices = @transform_2, window_bounds = array<i64: 8, 32>}, {pipeline_mode = #tpu.pipeline_mode<synchronous>, transform_indices = @transform_3, window_bounds = array<i64: 8, 32>}, {transform_indices = @transform_4, window_bounds = array<i64: 1024, 32>}, {transform_indices = @transform_5, window_bounds = array<i64: 1024, 32>}]} {
    %get3A = arith.constant 0 : index
    %get3A_0 = arith.constant 0 : index
    %get3A_1 = vector.load %arg1[%get3A, %get3A_0] : memref<1024x8xf32, #tpu.memory_space<vmem>>, vector<1024x8xf32>
    %get3A_2 = arith.constant 0 : index
    %get3A_3 = arith.constant 0 : index
    %get3A_4 = vector.load %arg2[%get3A_2, %get3A_3] : memref<8x32xf32, #tpu.memory_space<vmem>>, vector<8x32xf32>
    %dot_general3A = arith.constant dense<0.000000e+00> : vector<1024x32xf32>
    %dot_general3A_5 = tpu.matmul %get3A_1, %get3A_4, %dot_general3A {dimension_numbers = #tpu.dot_dimension_numbers<[1], [0], [0], [1], [0, 0, 1, 1], [], []>, transpose_lhs_hint = false} : vector<1024x8xf32>, vector<8x32xf32>, vector<1024x32xf32> -> vector<1024x32xf32>
    %get3A_6 = arith.constant 0 : index
    %get3A_7 = arith.constant 0 : index
    %get3A_8 = vector.load %arg4[%get3A_6, %get3A_7] : memref<8x32xf32, #tpu.memory_space<vmem>>, vector<1x32xf32>
    %add3A = vector.broadcast %get3A_8 : vector<1x32xf32> to vector<1024x32xf32>
    %add3A_9 = arith.addf %dot_general3A_5, %add3A : vector<1024x32xf32>
    %swap3A = arith.constant 0 : index
    %swap3A_10 = arith.constant 0 : index
    %swap3A_11 = vector.load %arg5[%swap3A, %swap3A_10] : memref<1024x32xf32, #tpu.memory_space<vmem>>, vector<1024x32xf32>
    tpu.vector_store %arg5[%swap3A, %swap3A_10], %add3A_9 {strides = array<i32>} : memref<1024x32xf32, #tpu.memory_space<vmem>>, vector<1024x32xf32>,
    %get3A_12 = arith.constant 0 : index
    %get3A_13 = arith.constant 0 : index
    %get3A_14 = vector.load %arg3[%get3A_12, %get3A_13] : memref<8x32xf32, #tpu.memory_space<vmem>>, vector<8x32xf32>
    %dot_general3A_15 = arith.constant dense<0.000000e+00> : vector<1024x32xf32>
    %dot_general3A_16 = tpu.matmul %get3A_1, %get3A_14, %dot_general3A_15 {dimension_numbers = #tpu.dot_dimension_numbers<[1], [0], [0], [1], [0, 0, 1, 1], [], []>, transpose_lhs_hint = false} : vector<1024x8xf32>, vector<8x32xf32>, vector<1024x32xf32> -> vector<1024x32xf32>
    %swap3A_17 = arith.constant 0 : index
    %swap3A_18 = arith.constant 0 : index
    %swap3A_19 = vector.load %arg6[%swap3A_17, %swap3A_18] : memref<1024x32xf32, #tpu.memory_space<vmem>>, vector<1024x32xf32>
    tpu.vector_store %arg6[%swap3A_17, %swap3A_18], %dot_general3A_16 {strides = array<i32>} : memref<1024x32xf32, #tpu.memory_space<vmem>>, vector<1024x32xf32>,
    return
  }
  func.func @transform_0(%arg0: i32) -> (i32, i32) {
    %c0_i32 = arith.constant 0 : i32
    %c0_i32_0 = arith.constant 0 : i32
    return %arg0, %c0_i32 : i32, i32
  }
  func.func @transform_1(%arg0: i32) -> (i32, i32) {
    %c0_i32 = arith.constant 0 : i32
    %c0_i32_0 = arith.constant 0 : i32
    %c0_i32_1 = arith.constant 0 : i32
    return %c0_i32, %c0_i32_0 : i32, i32
  }
  func.func @transform_2(%arg0: i32) -> (i32, i32) {
    %c0_i32 = arith.constant 0 : i32
    %c0_i32_0 = arith.constant 0 : i32
    %c0_i32_1 = arith.constant 0 : i32
    return %c0_i32, %c0_i32_0 : i32, i32
  }
  func.func @transform_3(%arg0: i32) -> (i32, i32) {
    %c0_i32 = arith.constant 0 : i32
    %c0_i32_0 = arith.constant 0 : i32
    %c0_i32_1 = arith.constant 0 : i32
    return %c0_i32, %c0_i32_0 : i32, i32
  }
  func.func @transform_4(%arg0: i32) -> (i32, i32) {
    %c0_i32 = arith.constant 0 : i32
    %c0_i32_0 = arith.constant 0 : i32
    return %arg0, %c0_i32 : i32, i32
  }
  func.func @transform_5(%arg0: i32) -> (i32, i32) {
    %c0_i32 = arith.constant 0 : i32
    %c0_i32_0 = arith.constant 0 : i32
    return %arg0, %c0_i32 : i32, i32
  }
}

module attributes {stable_mosaic.version = 14 : i64} {
  func.func @_stats_body(%arg0: i32, %arg1: memref<128x512xf32, #tpu.memory_space<vmem>>, %arg2: memref<128x32xf32, #tpu.memory_space<vmem>>, %arg3: memref<8x512xf32, #tpu.memory_space<vmem>>, %arg4: memref<8x512xf32, #tpu.memory_space<vmem>>) attributes {dimension_semantics = [#tpu.dimension_semantics<arbitrary>], iteration_bounds = array<i64: 80>, scalar_prefetch = 0 : i64, scratch_operands = 0 : i64, tpu.core_type = #tpu.core_type<tc>, window_params = [{transform_indices = @transform_0, window_bounds = array<i64: 128, 512>}, {transform_indices = @transform_1, window_bounds = array<i64: 128, 32>}, {pipeline_mode = #tpu.pipeline_mode<synchronous>, transform_indices = @transform_2, window_bounds = array<i64: 8, 512>}, {pipeline_mode = #tpu.pipeline_mode<synchronous>, transform_indices = @transform_3, window_bounds = array<i64: 8, 512>}]} {
    %eq3A = arith.constant 0 : i32
    %eq3A_0 = arith.cmpi eq, %arg0, %eq3A : i32
    %convert_element_type3A = arith.extui %eq3A_0 : i1 to i32
    %cond3A = arith.constant 0 : i32
    %cond3A_1 = arith.cmpi ne, %convert_element_type3A, %cond3A : i32
    scf.if %cond3A_1 {
      %broadcast_in_dim3A_31 = arith.constant 0.000000e+00 : f32
      %broadcast_in_dim3A_32 = vector.broadcast %broadcast_in_dim3A_31 : f32 to vector<8x512xf32>
      %swap3A_33 = arith.constant 0 : index
      %swap3A_34 = arith.constant 0 : index
      %swap3A_35 = vector.load %arg3[%swap3A_33, %swap3A_34] : memref<8x512xf32, #tpu.memory_space<vmem>>, vector<8x512xf32>
      tpu.vector_store %arg3[%swap3A_33, %swap3A_34], %broadcast_in_dim3A_32 {strides = array<i32>} : memref<8x512xf32, #tpu.memory_space<vmem>>, vector<8x512xf32>,
      %broadcast_in_dim3A_36 = arith.constant 0.000000e+00 : f32
      %broadcast_in_dim3A_37 = vector.broadcast %broadcast_in_dim3A_36 : f32 to vector<8x512xf32>
      %swap3A_38 = arith.constant 0 : index
      %swap3A_39 = arith.constant 0 : index
      %swap3A_40 = vector.load %arg4[%swap3A_38, %swap3A_39] : memref<8x512xf32, #tpu.memory_space<vmem>>, vector<8x512xf32>
      tpu.vector_store %arg4[%swap3A_38, %swap3A_39], %broadcast_in_dim3A_37 {strides = array<i32>} : memref<8x512xf32, #tpu.memory_space<vmem>>, vector<8x512xf32>,
    } else {
    }
    %get3A = arith.constant 0 : index
    %get3A_2 = arith.constant 0 : index
    %get3A_3 = vector.load %arg1[%get3A, %get3A_2] : memref<128x512xf32, #tpu.memory_space<vmem>>, vector<128x512xf32>
    %get3A_4 = arith.constant 0 : index
    %get3A_5 = arith.constant 0 : index
    %get3A_6 = vector.load %arg2[%get3A_4, %get3A_5] : memref<128x32xf32, #tpu.memory_space<vmem>>, vector<128x32xf32>
    %tile3A = tpu.concatenate %get3A_6, %get3A_6, %get3A_6, %get3A_6, %get3A_6, %get3A_6, %get3A_6, %get3A_6, %get3A_6, %get3A_6, %get3A_6, %get3A_6, %get3A_6, %get3A_6, %get3A_6, %get3A_6 in 1 : vector<128x32xf32>, vector<128x32xf32>, vector<128x32xf32>, vector<128x32xf32>, vector<128x32xf32>, vector<128x32xf32>, vector<128x32xf32>, vector<128x32xf32>, vector<128x32xf32>, vector<128x32xf32>, vector<128x32xf32>, vector<128x32xf32>, vector<128x32xf32>, vector<128x32xf32>, vector<128x32xf32>, vector<128x32xf32> -> vector<128x512xf32>
    %add3A = arith.addf %tile3A, %get3A_3 : vector<128x512xf32>
    %max3A = arith.constant 0.000000e+00 : f32
    %max3A_7 = vector.broadcast %max3A : f32 to vector<128x512xf32>
    %max3A_8 = arith.maximumf %add3A, %max3A_7 : vector<128x512xf32>
    %mul3A = arith.constant 128 : i32
    %mul3A_9 = arith.muli %arg0, %mul3A : i32
    %iota3A = tpu.iota {dimensions = array<i32: 0>} : vector<128x512xi32>
    %add3A_10 = vector.broadcast %mul3A_9 : i32 to vector<128x512xi32>
    %add3A_11 = arith.addi %add3A_10, %iota3A : vector<128x512xi32>
    %lt3A = arith.constant 10000 : i32
    %lt3A_12 = vector.broadcast %lt3A : i32 to vector<128x512xi32>
    %lt3A_13 = arith.cmpi slt, %add3A_11, %lt3A_12 : vector<128x512xi32>
    %jit3A = arith.constant 0.000000e+00 : f32
    %broadcast_in_dim3A = vector.broadcast %jit3A : f32 to vector<128x512xf32>
    %select_n3A = arith.select %lt3A_13, %max3A_8, %broadcast_in_dim3A : vector<128x512xi1>, vector<128x512xf32>
    %reshape3A = vector.shape_cast %select_n3A : vector<128x512xf32> to vector<8x16x512xf32>
    %get3A_14 = arith.constant 0 : index
    %get3A_15 = arith.constant 0 : index
    %get3A_16 = vector.load %arg3[%get3A_14, %get3A_15] : memref<8x512xf32, #tpu.memory_space<vmem>>, vector<8x512xf32>
    %reduce_sum3A = arith.constant dense<0.000000e+00> : vector<8x512xf32>
    %reduce_sum3A_17 = vector.multi_reduction <add>, %reshape3A, %reduce_sum3A [1] : vector<8x16x512xf32> to vector<8x512xf32>
    %add3A_18 = arith.addf %get3A_16, %reduce_sum3A_17 : vector<8x512xf32>
    %swap3A = arith.constant 0 : index
    %swap3A_19 = arith.constant 0 : index
    %swap3A_20 = vector.load %arg3[%swap3A, %swap3A_19] : memref<8x512xf32, #tpu.memory_space<vmem>>, vector<8x512xf32>
    tpu.vector_store %arg3[%swap3A, %swap3A_19], %add3A_18 {strides = array<i32>} : memref<8x512xf32, #tpu.memory_space<vmem>>, vector<8x512xf32>,
    %get3A_21 = arith.constant 0 : index
    %get3A_22 = arith.constant 0 : index
    %get3A_23 = vector.load %arg4[%get3A_21, %get3A_22] : memref<8x512xf32, #tpu.memory_space<vmem>>, vector<8x512xf32>
    %mul3A_24 = arith.mulf %reshape3A, %reshape3A : vector<8x16x512xf32>
    %reduce_sum3A_25 = arith.constant dense<0.000000e+00> : vector<8x512xf32>
    %reduce_sum3A_26 = vector.multi_reduction <add>, %mul3A_24, %reduce_sum3A_25 [1] : vector<8x16x512xf32> to vector<8x512xf32>
    %add3A_27 = arith.addf %get3A_23, %reduce_sum3A_26 : vector<8x512xf32>
    %swap3A_28 = arith.constant 0 : index
    %swap3A_29 = arith.constant 0 : index
    %swap3A_30 = vector.load %arg4[%swap3A_28, %swap3A_29] : memref<8x512xf32, #tpu.memory_space<vmem>>, vector<8x512xf32>
    tpu.vector_store %arg4[%swap3A_28, %swap3A_29], %add3A_27 {strides = array<i32>} : memref<8x512xf32, #tpu.memory_space<vmem>>, vector<8x512xf32>,
    return
  }
  func.func @transform_0(%arg0: i32) -> (i32, i32) {
    %c0_i32 = arith.constant 0 : i32
    %c0_i32_0 = arith.constant 0 : i32
    return %arg0, %c0_i32 : i32, i32
  }
  func.func @transform_1(%arg0: i32) -> (i32, i32) {
    %c0_i32 = arith.constant 0 : i32
    %c0_i32_0 = arith.constant 0 : i32
    return %arg0, %c0_i32 : i32, i32
  }
  func.func @transform_2(%arg0: i32) -> (i32, i32) {
    %c0_i32 = arith.constant 0 : i32
    %c0_i32_0 = arith.constant 0 : i32
    %c0_i32_1 = arith.constant 0 : i32
    return %c0_i32, %c0_i32_0 : i32, i32
  }
  func.func @transform_3(%arg0: i32) -> (i32, i32) {
    %c0_i32 = arith.constant 0 : i32
    %c0_i32_0 = arith.constant 0 : i32
    %c0_i32_1 = arith.constant 0 : i32
    return %c0_i32, %c0_i32_0 : i32, i32
  }
}

module attributes {stable_mosaic.version = 14 : i64} {
  func.func @_conv_body(%arg0: i32, %arg1: memref<128x512xf32, #tpu.memory_space<vmem>>, %arg2: memref<128x32xf32, #tpu.memory_space<vmem>>, %arg3: memref<128x16xf32, #tpu.memory_space<vmem>>, %arg4: memref<8x512xf32, #tpu.memory_space<vmem>>, %arg5: memref<8x512xf32, #tpu.memory_space<vmem>>, %arg6: memref<8x32xf32, #tpu.memory_space<vmem>>, %arg7: memref<512x16xf32, #tpu.memory_space<vmem>>, %arg8: memref<512x16xf32, #tpu.memory_space<vmem>>, %arg9: memref<16x512xf32, #tpu.memory_space<vmem>>, %arg10: memref<512x32xf32, #tpu.memory_space<vmem>>, %arg11: memref<128x32xf32, #tpu.memory_space<vmem>>) attributes {dimension_semantics = [#tpu.dimension_semantics<arbitrary>], iteration_bounds = array<i64: 80>, scalar_prefetch = 0 : i64, scratch_operands = 0 : i64, tpu.core_type = #tpu.core_type<tc>, window_params = [{transform_indices = @transform_0, window_bounds = array<i64: 128, 512>}, {transform_indices = @transform_1, window_bounds = array<i64: 128, 32>}, {transform_indices = @transform_2, window_bounds = array<i64: 128, 16>}, {pipeline_mode = #tpu.pipeline_mode<synchronous>, transform_indices = @transform_3, window_bounds = array<i64: 8, 512>}, {pipeline_mode = #tpu.pipeline_mode<synchronous>, transform_indices = @transform_4, window_bounds = array<i64: 8, 512>}, {pipeline_mode = #tpu.pipeline_mode<synchronous>, transform_indices = @transform_5, window_bounds = array<i64: 8, 32>}, {pipeline_mode = #tpu.pipeline_mode<synchronous>, transform_indices = @transform_6, window_bounds = array<i64: 512, 16>}, {pipeline_mode = #tpu.pipeline_mode<synchronous>, transform_indices = @transform_7, window_bounds = array<i64: 512, 16>}, {pipeline_mode = #tpu.pipeline_mode<synchronous>, transform_indices = @transform_8, window_bounds = array<i64: 16, 512>}, {pipeline_mode = #tpu.pipeline_mode<synchronous>, transform_indices = @transform_9, window_bounds = array<i64: 512, 32>}, {transform_indices = @transform_10, window_bounds = array<i64: 128, 32>}]} {
    %get3A = arith.constant 0 : index
    %get3A_0 = arith.constant 0 : index
    %get3A_1 = vector.load %arg4[%get3A, %get3A_0] : memref<8x512xf32, #tpu.memory_space<vmem>>, vector<8x512xf32>
    %get3A_2 = arith.constant 0 : index
    %get3A_3 = arith.constant 0 : index
    %get3A_4 = vector.load %arg10[%get3A_2, %get3A_3] : memref<512x32xf32, #tpu.memory_space<vmem>>, vector<512x32xf32>
    %dot_general3A = arith.constant dense<0.000000e+00> : vector<8x32xf32>
    %dot_general3A_5 = tpu.matmul %get3A_1, %get3A_4, %dot_general3A {dimension_numbers = #tpu.dot_dimension_numbers<[1], [0], [0], [1], [0, 0, 1, 1], [], []>, transpose_lhs_hint = false} : vector<8x512xf32>, vector<512x32xf32>, vector<8x32xf32> -> vector<8x32xf32>
    %get3A_6 = arith.constant 0 : index
    %get3A_7 = arith.constant 0 : index
    %get3A_8 = vector.load %arg5[%get3A_6, %get3A_7] : memref<8x512xf32, #tpu.memory_space<vmem>>, vector<8x512xf32>
    %get3A_9 = arith.constant 0 : index
    %get3A_10 = arith.constant 0 : index
    %get3A_11 = vector.load %arg10[%get3A_9, %get3A_10] : memref<512x32xf32, #tpu.memory_space<vmem>>, vector<512x32xf32>
    %dot_general3A_12 = arith.constant dense<0.000000e+00> : vector<8x32xf32>
    %dot_general3A_13 = tpu.matmul %get3A_8, %get3A_11, %dot_general3A_12 {dimension_numbers = #tpu.dot_dimension_numbers<[1], [0], [0], [1], [0, 0, 1, 1], [], []>, transpose_lhs_hint = false} : vector<8x512xf32>, vector<512x32xf32>, vector<8x32xf32> -> vector<8x32xf32>
    %reduce_sum3A = arith.constant dense<0.000000e+00> : vector<32xf32>
    %reduce_sum3A_14 = vector.multi_reduction <add>, %dot_general3A_5, %reduce_sum3A [0] : vector<8x32xf32> to vector<32xf32>
    %broadcast_in_dim3A = vector.shape_cast %reduce_sum3A_14 : vector<32xf32> to vector<1x32xf32>
    %mul3A = arith.constant 6.250000e-06 : f32
    %mul3A_15 = vector.broadcast %mul3A : f32 to vector<1x32xf32>
    %mul3A_16 = arith.mulf %broadcast_in_dim3A, %mul3A_15 : vector<1x32xf32>
    %reduce_sum3A_17 = arith.constant dense<0.000000e+00> : vector<32xf32>
    %reduce_sum3A_18 = vector.multi_reduction <add>, %dot_general3A_13, %reduce_sum3A_17 [0] : vector<8x32xf32> to vector<32xf32>
    %broadcast_in_dim3A_19 = vector.shape_cast %reduce_sum3A_18 : vector<32xf32> to vector<1x32xf32>
    %mul3A_20 = arith.constant 6.250000e-06 : f32
    %mul3A_21 = vector.broadcast %mul3A_20 : f32 to vector<1x32xf32>
    %mul3A_22 = arith.mulf %broadcast_in_dim3A_19, %mul3A_21 : vector<1x32xf32>
    %get3A_23 = arith.constant 0 : index
    %get3A_24 = arith.constant 0 : index
    %get3A_25 = vector.load %arg6[%get3A_23, %get3A_24] : memref<8x32xf32, #tpu.memory_space<vmem>>, vector<1x32xf32>
    %mul3A_26 = arith.mulf %mul3A_16, %mul3A_16 : vector<1x32xf32>
    %sub3A = arith.subf %mul3A_22, %mul3A_26 : vector<1x32xf32>
    %add3A = arith.constant 9.99999974E-6 : f32
    %add3A_27 = vector.broadcast %add3A : f32 to vector<1x32xf32>
    %add3A_28 = arith.addf %sub3A, %add3A_27 : vector<1x32xf32>
    %sqrt3A = math.sqrt %add3A_28 : vector<1x32xf32>
    %div3A = arith.divf %get3A_25, %sqrt3A : vector<1x32xf32>
    %tile3A = tpu.concatenate %mul3A_16, %mul3A_16, %mul3A_16, %mul3A_16, %mul3A_16, %mul3A_16, %mul3A_16, %mul3A_16, %mul3A_16, %mul3A_16, %mul3A_16, %mul3A_16, %mul3A_16, %mul3A_16, %mul3A_16, %mul3A_16 in 1 : vector<1x32xf32>, vector<1x32xf32>, vector<1x32xf32>, vector<1x32xf32>, vector<1x32xf32>, vector<1x32xf32>, vector<1x32xf32>, vector<1x32xf32>, vector<1x32xf32>, vector<1x32xf32>, vector<1x32xf32>, vector<1x32xf32>, vector<1x32xf32>, vector<1x32xf32>, vector<1x32xf32>, vector<1x32xf32> -> vector<1x512xf32>
    %tile3A_29 = tpu.concatenate %div3A, %div3A, %div3A, %div3A, %div3A, %div3A, %div3A, %div3A, %div3A, %div3A, %div3A, %div3A, %div3A, %div3A, %div3A, %div3A in 1 : vector<1x32xf32>, vector<1x32xf32>, vector<1x32xf32>, vector<1x32xf32>, vector<1x32xf32>, vector<1x32xf32>, vector<1x32xf32>, vector<1x32xf32>, vector<1x32xf32>, vector<1x32xf32>, vector<1x32xf32>, vector<1x32xf32>, vector<1x32xf32>, vector<1x32xf32>, vector<1x32xf32>, vector<1x32xf32> -> vector<1x512xf32>
    %get3A_30 = arith.constant 1 : index
    %get3A_31 = arith.constant 0 : index
    %get3A_32 = vector.load %arg6[%get3A_30, %get3A_31] : memref<8x32xf32, #tpu.memory_space<vmem>>, vector<1x32xf32>
    %tile3A_33 = tpu.concatenate %get3A_32, %get3A_32, %get3A_32, %get3A_32, %get3A_32, %get3A_32, %get3A_32, %get3A_32, %get3A_32, %get3A_32, %get3A_32, %get3A_32, %get3A_32, %get3A_32, %get3A_32, %get3A_32 in 1 : vector<1x32xf32>, vector<1x32xf32>, vector<1x32xf32>, vector<1x32xf32>, vector<1x32xf32>, vector<1x32xf32>, vector<1x32xf32>, vector<1x32xf32>, vector<1x32xf32>, vector<1x32xf32>, vector<1x32xf32>, vector<1x32xf32>, vector<1x32xf32>, vector<1x32xf32>, vector<1x32xf32>, vector<1x32xf32> -> vector<1x512xf32>
    %get3A_34 = arith.constant 0 : index
    %get3A_35 = arith.constant 0 : index
    %get3A_36 = vector.load %arg1[%get3A_34, %get3A_35] : memref<128x512xf32, #tpu.memory_space<vmem>>, vector<128x512xf32>
    %get3A_37 = arith.constant 0 : index
    %get3A_38 = arith.constant 0 : index
    %get3A_39 = vector.load %arg2[%get3A_37, %get3A_38] : memref<128x32xf32, #tpu.memory_space<vmem>>, vector<128x32xf32>
    %tile3A_40 = tpu.concatenate %get3A_39, %get3A_39, %get3A_39, %get3A_39, %get3A_39, %get3A_39, %get3A_39, %get3A_39, %get3A_39, %get3A_39, %get3A_39, %get3A_39, %get3A_39, %get3A_39, %get3A_39, %get3A_39 in 1 : vector<128x32xf32>, vector<128x32xf32>, vector<128x32xf32>, vector<128x32xf32>, vector<128x32xf32>, vector<128x32xf32>, vector<128x32xf32>, vector<128x32xf32>, vector<128x32xf32>, vector<128x32xf32>, vector<128x32xf32>, vector<128x32xf32>, vector<128x32xf32>, vector<128x32xf32>, vector<128x32xf32>, vector<128x32xf32> -> vector<128x512xf32>
    %add3A_41 = arith.addf %tile3A_40, %get3A_36 : vector<128x512xf32>
    %max3A = arith.constant 0.000000e+00 : f32
    %max3A_42 = vector.broadcast %max3A : f32 to vector<128x512xf32>
    %max3A_43 = arith.maximumf %add3A_41, %max3A_42 : vector<128x512xf32>
    %sub3A_44 = vector.broadcast %tile3A : vector<1x512xf32> to vector<128x512xf32>
    %sub3A_45 = arith.subf %max3A_43, %sub3A_44 : vector<128x512xf32>
    %mul3A_46 = vector.broadcast %tile3A_29 : vector<1x512xf32> to vector<128x512xf32>
    %mul3A_47 = arith.mulf %sub3A_45, %mul3A_46 : vector<128x512xf32>
    %add3A_48 = vector.broadcast %tile3A_33 : vector<1x512xf32> to vector<128x512xf32>
    %add3A_49 = arith.addf %mul3A_47, %add3A_48 : vector<128x512xf32>
    %get3A_50 = arith.constant 0 : index
    %get3A_51 = arith.constant 0 : index
    %get3A_52 = vector.load %arg7[%get3A_50, %get3A_51] : memref<512x16xf32, #tpu.memory_space<vmem>>, vector<512x16xf32>
    %dot_general3A_53 = arith.constant dense<0.000000e+00> : vector<128x16xf32>
    %dot_general3A_54 = tpu.matmul %add3A_49, %get3A_52, %dot_general3A_53 {dimension_numbers = #tpu.dot_dimension_numbers<[1], [0], [0], [1], [0, 0, 1, 1], [], []>, transpose_lhs_hint = false} : vector<128x512xf32>, vector<512x16xf32>, vector<128x16xf32> -> vector<128x16xf32>
    %get3A_55 = arith.constant 0 : index
    %get3A_56 = arith.constant 0 : index
    %get3A_57 = vector.load %arg8[%get3A_55, %get3A_56] : memref<512x16xf32, #tpu.memory_space<vmem>>, vector<512x16xf32>
    %dot_general3A_58 = arith.constant dense<0.000000e+00> : vector<128x16xf32>
    %dot_general3A_59 = tpu.matmul %add3A_49, %get3A_57, %dot_general3A_58 {dimension_numbers = #tpu.dot_dimension_numbers<[1], [0], [0], [1], [0, 0, 1, 1], [], []>, transpose_lhs_hint = false} : vector<128x512xf32>, vector<512x16xf32>, vector<128x16xf32> -> vector<128x16xf32>
    %broadcast_in_dim3A_60 = vector.shape_cast %dot_general3A_59 : vector<128x16xf32> to vector<128x16x1xf32>
    %broadcast_in_dim3A_61 = vector.shape_cast %dot_general3A_54 : vector<128x16xf32> to vector<128x1x16xf32>
    %mul3A_62 = vector.broadcast %broadcast_in_dim3A_60 : vector<128x16x1xf32> to vector<128x16x16xf32>
    %mul3A_63 = vector.broadcast %broadcast_in_dim3A_61 : vector<128x1x16xf32> to vector<128x16x16xf32>
    %mul3A_64 = arith.mulf %mul3A_62, %mul3A_63 : vector<128x16x16xf32>
    %reduce_max3A = arith.constant dense<0xFF800000> : vector<128x16xf32>
    %reduce_max3A_65 = vector.multi_reduction <maximumf>, %mul3A_64, %reduce_max3A [2] : vector<128x16x16xf32> to vector<128x16xf32>
    %broadcast_in_dim3A_66 = vector.shape_cast %reduce_max3A_65 : vector<128x16xf32> to vector<128x16x1xf32>
    %sub3A_67 = vector.broadcast %broadcast_in_dim3A_66 : vector<128x16x1xf32> to vector<128x16x16xf32>
    %sub3A_68 = arith.subf %mul3A_64, %sub3A_67 : vector<128x16x16xf32>
    %exp3A = math.exp %sub3A_68 : vector<128x16x16xf32>
    %get3A_69 = arith.constant 0 : index
    %get3A_70 = arith.constant 0 : index
    %get3A_71 = vector.load %arg3[%get3A_69, %get3A_70] : memref<128x16xf32, #tpu.memory_space<vmem>>, vector<128x16xf32>
    %sqrt3A_72 = math.sqrt %get3A_71 : vector<128x16xf32>
    %neg3A = arith.constant 0.000000e+00 : f32
    %neg3A_73 = vector.broadcast %neg3A : f32 to vector<128x16xf32>
    %neg3A_74 = arith.subf %neg3A_73, %sqrt3A_72 : vector<128x16xf32>
    %logistic3A = arith.negf %neg3A_74 : vector<128x16xf32>
    %logistic3A_75 = math.exp %logistic3A : vector<128x16xf32>
    %logistic3A_76 = arith.constant 1.000000e+00 : f32
    %logistic3A_77 = vector.broadcast %logistic3A_76 : f32 to vector<128x16xf32>
    %logistic3A_78 = arith.addf %logistic3A_77, %logistic3A_75 : vector<128x16xf32>
    %logistic3A_79 = arith.divf %logistic3A_77, %logistic3A_78 : vector<128x16xf32>
    %mul3A_80 = arith.constant 2.000000e+00 : f32
    %mul3A_81 = vector.broadcast %mul3A_80 : f32 to vector<128x16xf32>
    %mul3A_82 = arith.mulf %mul3A_81, %logistic3A_79 : vector<128x16xf32>
    %broadcast_in_dim3A_83 = vector.shape_cast %mul3A_82 : vector<128x16xf32> to vector<128x16x1xf32>
    %reduce_sum3A_84 = arith.constant dense<0.000000e+00> : vector<128x16xf32>
    %reduce_sum3A_85 = vector.multi_reduction <add>, %exp3A, %reduce_sum3A_84 [2] : vector<128x16x16xf32> to vector<128x16xf32>
    %broadcast_in_dim3A_86 = vector.shape_cast %reduce_sum3A_85 : vector<128x16xf32> to vector<128x16x1xf32>
    %div3A_87 = arith.divf %broadcast_in_dim3A_83, %broadcast_in_dim3A_86 : vector<128x16x1xf32>
    %mul3A_88 = vector.broadcast %div3A_87 : vector<128x16x1xf32> to vector<128x16x16xf32>
    %mul3A_89 = arith.mulf %exp3A, %mul3A_88 : vector<128x16x16xf32>
    %broadcast_in_dim3A_90 = arith.constant -1.000000e+30 : f32
    %broadcast_in_dim3A_91 = vector.broadcast %broadcast_in_dim3A_90 : f32 to vector<128x32xf32>
    %slice3A = vector.extract_strided_slice %mul3A_89 {offsets = [0, 0, 0], sizes = [128, 1, 16], strides = [1, 1, 1]} : vector<128x16x16xf32> to vector<128x1x16xf32>
    %squeeze3A = vector.shape_cast %slice3A : vector<128x1x16xf32> to vector<128x16xf32>
    %get3A_92 = arith.constant 0 : index
    %get3A_93 = arith.constant 0 : index
    %get3A_94 = vector.load %arg9[%get3A_92, %get3A_93] : memref<16x512xf32, #tpu.memory_space<vmem>>, vector<16x512xf32>
    %dot_general3A_95 = arith.constant dense<0.000000e+00> : vector<128x512xf32>
    %dot_general3A_96 = tpu.matmul %squeeze3A, %get3A_94, %dot_general3A_95 {dimension_numbers = #tpu.dot_dimension_numbers<[1], [0], [0], [1], [0, 0, 1, 1], [], []>, transpose_lhs_hint = false} : vector<128x16xf32>, vector<16x512xf32>, vector<128x512xf32> -> vector<128x512xf32>
    %mul3A_97 = arith.mulf %add3A_49, %dot_general3A_96 : vector<128x512xf32>
    %get3A_98 = arith.constant 0 : index
    %get3A_99 = arith.constant 0 : index
    %get3A_100 = vector.load %arg10[%get3A_98, %get3A_99] : memref<512x32xf32, #tpu.memory_space<vmem>>, vector<512x32xf32>
    %dot_general3A_101 = arith.constant dense<0.000000e+00> : vector<128x32xf32>
    %dot_general3A_102 = tpu.matmul %mul3A_97, %get3A_100, %dot_general3A_101 {dimension_numbers = #tpu.dot_dimension_numbers<[1], [0], [0], [1], [0, 0, 1, 1], [], []>, transpose_lhs_hint = false} : vector<128x512xf32>, vector<512x32xf32>, vector<128x32xf32> -> vector<128x32xf32>
    %max3A_103 = arith.maximumf %broadcast_in_dim3A_91, %dot_general3A_102 : vector<128x32xf32>
    %slice3A_104 = vector.extract_strided_slice %mul3A_89 {offsets = [0, 1, 0], sizes = [128, 1, 16], strides = [1, 1, 1]} : vector<128x16x16xf32> to vector<128x1x16xf32>
    %squeeze3A_105 = vector.shape_cast %slice3A_104 : vector<128x1x16xf32> to vector<128x16xf32>
    %get3A_106 = arith.constant 0 : index
    %get3A_107 = arith.constant 0 : index
    %get3A_108 = vector.load %arg9[%get3A_106, %get3A_107] : memref<16x512xf32, #tpu.memory_space<vmem>>, vector<16x512xf32>
    %dot_general3A_109 = arith.constant dense<0.000000e+00> : vector<128x512xf32>
    %dot_general3A_110 = tpu.matmul %squeeze3A_105, %get3A_108, %dot_general3A_109 {dimension_numbers = #tpu.dot_dimension_numbers<[1], [0], [0], [1], [0, 0, 1, 1], [], []>, transpose_lhs_hint = false} : vector<128x16xf32>, vector<16x512xf32>, vector<128x512xf32> -> vector<128x512xf32>
    %mul3A_111 = arith.mulf %add3A_49, %dot_general3A_110 : vector<128x512xf32>
    %get3A_112 = arith.constant 0 : index
    %get3A_113 = arith.constant 0 : index
    %get3A_114 = vector.load %arg10[%get3A_112, %get3A_113] : memref<512x32xf32, #tpu.memory_space<vmem>>, vector<512x32xf32>
    %dot_general3A_115 = arith.constant dense<0.000000e+00> : vector<128x32xf32>
    %dot_general3A_116 = tpu.matmul %mul3A_111, %get3A_114, %dot_general3A_115 {dimension_numbers = #tpu.dot_dimension_numbers<[1], [0], [0], [1], [0, 0, 1, 1], [], []>, transpose_lhs_hint = false} : vector<128x512xf32>, vector<512x32xf32>, vector<128x32xf32> -> vector<128x32xf32>
    %max3A_117 = arith.maximumf %max3A_103, %dot_general3A_116 : vector<128x32xf32>
    %slice3A_118 = vector.extract_strided_slice %mul3A_89 {offsets = [0, 2, 0], sizes = [128, 1, 16], strides = [1, 1, 1]} : vector<128x16x16xf32> to vector<128x1x16xf32>
    %squeeze3A_119 = vector.shape_cast %slice3A_118 : vector<128x1x16xf32> to vector<128x16xf32>
    %get3A_120 = arith.constant 0 : index
    %get3A_121 = arith.constant 0 : index
    %get3A_122 = vector.load %arg9[%get3A_120, %get3A_121] : memref<16x512xf32, #tpu.memory_space<vmem>>, vector<16x512xf32>
    %dot_general3A_123 = arith.constant dense<0.000000e+00> : vector<128x512xf32>
    %dot_general3A_124 = tpu.matmul %squeeze3A_119, %get3A_122, %dot_general3A_123 {dimension_numbers = #tpu.dot_dimension_numbers<[1], [0], [0], [1], [0, 0, 1, 1], [], []>, transpose_lhs_hint = false} : vector<128x16xf32>, vector<16x512xf32>, vector<128x512xf32> -> vector<128x512xf32>
    %mul3A_125 = arith.mulf %add3A_49, %dot_general3A_124 : vector<128x512xf32>
    %get3A_126 = arith.constant 0 : index
    %get3A_127 = arith.constant 0 : index
    %get3A_128 = vector.load %arg10[%get3A_126, %get3A_127] : memref<512x32xf32, #tpu.memory_space<vmem>>, vector<512x32xf32>
    %dot_general3A_129 = arith.constant dense<0.000000e+00> : vector<128x32xf32>
    %dot_general3A_130 = tpu.matmul %mul3A_125, %get3A_128, %dot_general3A_129 {dimension_numbers = #tpu.dot_dimension_numbers<[1], [0], [0], [1], [0, 0, 1, 1], [], []>, transpose_lhs_hint = false} : vector<128x512xf32>, vector<512x32xf32>, vector<128x32xf32> -> vector<128x32xf32>
    %max3A_131 = arith.maximumf %max3A_117, %dot_general3A_130 : vector<128x32xf32>
    %slice3A_132 = vector.extract_strided_slice %mul3A_89 {offsets = [0, 3, 0], sizes = [128, 1, 16], strides = [1, 1, 1]} : vector<128x16x16xf32> to vector<128x1x16xf32>
    %squeeze3A_133 = vector.shape_cast %slice3A_132 : vector<128x1x16xf32> to vector<128x16xf32>
    %get3A_134 = arith.constant 0 : index
    %get3A_135 = arith.constant 0 : index
    %get3A_136 = vector.load %arg9[%get3A_134, %get3A_135] : memref<16x512xf32, #tpu.memory_space<vmem>>, vector<16x512xf32>
    %dot_general3A_137 = arith.constant dense<0.000000e+00> : vector<128x512xf32>
    %dot_general3A_138 = tpu.matmul %squeeze3A_133, %get3A_136, %dot_general3A_137 {dimension_numbers = #tpu.dot_dimension_numbers<[1], [0], [0], [1], [0, 0, 1, 1], [], []>, transpose_lhs_hint = false} : vector<128x16xf32>, vector<16x512xf32>, vector<128x512xf32> -> vector<128x512xf32>
    %mul3A_139 = arith.mulf %add3A_49, %dot_general3A_138 : vector<128x512xf32>
    %get3A_140 = arith.constant 0 : index
    %get3A_141 = arith.constant 0 : index
    %get3A_142 = vector.load %arg10[%get3A_140, %get3A_141] : memref<512x32xf32, #tpu.memory_space<vmem>>, vector<512x32xf32>
    %dot_general3A_143 = arith.constant dense<0.000000e+00> : vector<128x32xf32>
    %dot_general3A_144 = tpu.matmul %mul3A_139, %get3A_142, %dot_general3A_143 {dimension_numbers = #tpu.dot_dimension_numbers<[1], [0], [0], [1], [0, 0, 1, 1], [], []>, transpose_lhs_hint = false} : vector<128x512xf32>, vector<512x32xf32>, vector<128x32xf32> -> vector<128x32xf32>
    %max3A_145 = arith.maximumf %max3A_131, %dot_general3A_144 : vector<128x32xf32>
    %slice3A_146 = vector.extract_strided_slice %mul3A_89 {offsets = [0, 4, 0], sizes = [128, 1, 16], strides = [1, 1, 1]} : vector<128x16x16xf32> to vector<128x1x16xf32>
    %squeeze3A_147 = vector.shape_cast %slice3A_146 : vector<128x1x16xf32> to vector<128x16xf32>
    %get3A_148 = arith.constant 0 : index
    %get3A_149 = arith.constant 0 : index
    %get3A_150 = vector.load %arg9[%get3A_148, %get3A_149] : memref<16x512xf32, #tpu.memory_space<vmem>>, vector<16x512xf32>
    %dot_general3A_151 = arith.constant dense<0.000000e+00> : vector<128x512xf32>
    %dot_general3A_152 = tpu.matmul %squeeze3A_147, %get3A_150, %dot_general3A_151 {dimension_numbers = #tpu.dot_dimension_numbers<[1], [0], [0], [1], [0, 0, 1, 1], [], []>, transpose_lhs_hint = false} : vector<128x16xf32>, vector<16x512xf32>, vector<128x512xf32> -> vector<128x512xf32>
    %mul3A_153 = arith.mulf %add3A_49, %dot_general3A_152 : vector<128x512xf32>
    %get3A_154 = arith.constant 0 : index
    %get3A_155 = arith.constant 0 : index
    %get3A_156 = vector.load %arg10[%get3A_154, %get3A_155] : memref<512x32xf32, #tpu.memory_space<vmem>>, vector<512x32xf32>
    %dot_general3A_157 = arith.constant dense<0.000000e+00> : vector<128x32xf32>
    %dot_general3A_158 = tpu.matmul %mul3A_153, %get3A_156, %dot_general3A_157 {dimension_numbers = #tpu.dot_dimension_numbers<[1], [0], [0], [1], [0, 0, 1, 1], [], []>, transpose_lhs_hint = false} : vector<128x512xf32>, vector<512x32xf32>, vector<128x32xf32> -> vector<128x32xf32>
    %max3A_159 = arith.maximumf %max3A_145, %dot_general3A_158 : vector<128x32xf32>
    %slice3A_160 = vector.extract_strided_slice %mul3A_89 {offsets = [0, 5, 0], sizes = [128, 1, 16], strides = [1, 1, 1]} : vector<128x16x16xf32> to vector<128x1x16xf32>
    %squeeze3A_161 = vector.shape_cast %slice3A_160 : vector<128x1x16xf32> to vector<128x16xf32>
    %get3A_162 = arith.constant 0 : index
    %get3A_163 = arith.constant 0 : index
    %get3A_164 = vector.load %arg9[%get3A_162, %get3A_163] : memref<16x512xf32, #tpu.memory_space<vmem>>, vector<16x512xf32>
    %dot_general3A_165 = arith.constant dense<0.000000e+00> : vector<128x512xf32>
    %dot_general3A_166 = tpu.matmul %squeeze3A_161, %get3A_164, %dot_general3A_165 {dimension_numbers = #tpu.dot_dimension_numbers<[1], [0], [0], [1], [0, 0, 1, 1], [], []>, transpose_lhs_hint = false} : vector<128x16xf32>, vector<16x512xf32>, vector<128x512xf32> -> vector<128x512xf32>
    %mul3A_167 = arith.mulf %add3A_49, %dot_general3A_166 : vector<128x512xf32>
    %get3A_168 = arith.constant 0 : index
    %get3A_169 = arith.constant 0 : index
    %get3A_170 = vector.load %arg10[%get3A_168, %get3A_169] : memref<512x32xf32, #tpu.memory_space<vmem>>, vector<512x32xf32>
    %dot_general3A_171 = arith.constant dense<0.000000e+00> : vector<128x32xf32>
    %dot_general3A_172 = tpu.matmul %mul3A_167, %get3A_170, %dot_general3A_171 {dimension_numbers = #tpu.dot_dimension_numbers<[1], [0], [0], [1], [0, 0, 1, 1], [], []>, transpose_lhs_hint = false} : vector<128x512xf32>, vector<512x32xf32>, vector<128x32xf32> -> vector<128x32xf32>
    %max3A_173 = arith.maximumf %max3A_159, %dot_general3A_172 : vector<128x32xf32>
    %slice3A_174 = vector.extract_strided_slice %mul3A_89 {offsets = [0, 6, 0], sizes = [128, 1, 16], strides = [1, 1, 1]} : vector<128x16x16xf32> to vector<128x1x16xf32>
    %squeeze3A_175 = vector.shape_cast %slice3A_174 : vector<128x1x16xf32> to vector<128x16xf32>
    %get3A_176 = arith.constant 0 : index
    %get3A_177 = arith.constant 0 : index
    %get3A_178 = vector.load %arg9[%get3A_176, %get3A_177] : memref<16x512xf32, #tpu.memory_space<vmem>>, vector<16x512xf32>
    %dot_general3A_179 = arith.constant dense<0.000000e+00> : vector<128x512xf32>
    %dot_general3A_180 = tpu.matmul %squeeze3A_175, %get3A_178, %dot_general3A_179 {dimension_numbers = #tpu.dot_dimension_numbers<[1], [0], [0], [1], [0, 0, 1, 1], [], []>, transpose_lhs_hint = false} : vector<128x16xf32>, vector<16x512xf32>, vector<128x512xf32> -> vector<128x512xf32>
    %mul3A_181 = arith.mulf %add3A_49, %dot_general3A_180 : vector<128x512xf32>
    %get3A_182 = arith.constant 0 : index
    %get3A_183 = arith.constant 0 : index
    %get3A_184 = vector.load %arg10[%get3A_182, %get3A_183] : memref<512x32xf32, #tpu.memory_space<vmem>>, vector<512x32xf32>
    %dot_general3A_185 = arith.constant dense<0.000000e+00> : vector<128x32xf32>
    %dot_general3A_186 = tpu.matmul %mul3A_181, %get3A_184, %dot_general3A_185 {dimension_numbers = #tpu.dot_dimension_numbers<[1], [0], [0], [1], [0, 0, 1, 1], [], []>, transpose_lhs_hint = false} : vector<128x512xf32>, vector<512x32xf32>, vector<128x32xf32> -> vector<128x32xf32>
    %max3A_187 = arith.maximumf %max3A_173, %dot_general3A_186 : vector<128x32xf32>
    %slice3A_188 = vector.extract_strided_slice %mul3A_89 {offsets = [0, 7, 0], sizes = [128, 1, 16], strides = [1, 1, 1]} : vector<128x16x16xf32> to vector<128x1x16xf32>
    %squeeze3A_189 = vector.shape_cast %slice3A_188 : vector<128x1x16xf32> to vector<128x16xf32>
    %get3A_190 = arith.constant 0 : index
    %get3A_191 = arith.constant 0 : index
    %get3A_192 = vector.load %arg9[%get3A_190, %get3A_191] : memref<16x512xf32, #tpu.memory_space<vmem>>, vector<16x512xf32>
    %dot_general3A_193 = arith.constant dense<0.000000e+00> : vector<128x512xf32>
    %dot_general3A_194 = tpu.matmul %squeeze3A_189, %get3A_192, %dot_general3A_193 {dimension_numbers = #tpu.dot_dimension_numbers<[1], [0], [0], [1], [0, 0, 1, 1], [], []>, transpose_lhs_hint = false} : vector<128x16xf32>, vector<16x512xf32>, vector<128x512xf32> -> vector<128x512xf32>
    %mul3A_195 = arith.mulf %add3A_49, %dot_general3A_194 : vector<128x512xf32>
    %get3A_196 = arith.constant 0 : index
    %get3A_197 = arith.constant 0 : index
    %get3A_198 = vector.load %arg10[%get3A_196, %get3A_197] : memref<512x32xf32, #tpu.memory_space<vmem>>, vector<512x32xf32>
    %dot_general3A_199 = arith.constant dense<0.000000e+00> : vector<128x32xf32>
    %dot_general3A_200 = tpu.matmul %mul3A_195, %get3A_198, %dot_general3A_199 {dimension_numbers = #tpu.dot_dimension_numbers<[1], [0], [0], [1], [0, 0, 1, 1], [], []>, transpose_lhs_hint = false} : vector<128x512xf32>, vector<512x32xf32>, vector<128x32xf32> -> vector<128x32xf32>
    %max3A_201 = arith.maximumf %max3A_187, %dot_general3A_200 : vector<128x32xf32>
    %slice3A_202 = vector.extract_strided_slice %mul3A_89 {offsets = [0, 8, 0], sizes = [128, 1, 16], strides = [1, 1, 1]} : vector<128x16x16xf32> to vector<128x1x16xf32>
    %squeeze3A_203 = vector.shape_cast %slice3A_202 : vector<128x1x16xf32> to vector<128x16xf32>
    %get3A_204 = arith.constant 0 : index
    %get3A_205 = arith.constant 0 : index
    %get3A_206 = vector.load %arg9[%get3A_204, %get3A_205] : memref<16x512xf32, #tpu.memory_space<vmem>>, vector<16x512xf32>
    %dot_general3A_207 = arith.constant dense<0.000000e+00> : vector<128x512xf32>
    %dot_general3A_208 = tpu.matmul %squeeze3A_203, %get3A_206, %dot_general3A_207 {dimension_numbers = #tpu.dot_dimension_numbers<[1], [0], [0], [1], [0, 0, 1, 1], [], []>, transpose_lhs_hint = false} : vector<128x16xf32>, vector<16x512xf32>, vector<128x512xf32> -> vector<128x512xf32>
    %mul3A_209 = arith.mulf %add3A_49, %dot_general3A_208 : vector<128x512xf32>
    %get3A_210 = arith.constant 0 : index
    %get3A_211 = arith.constant 0 : index
    %get3A_212 = vector.load %arg10[%get3A_210, %get3A_211] : memref<512x32xf32, #tpu.memory_space<vmem>>, vector<512x32xf32>
    %dot_general3A_213 = arith.constant dense<0.000000e+00> : vector<128x32xf32>
    %dot_general3A_214 = tpu.matmul %mul3A_209, %get3A_212, %dot_general3A_213 {dimension_numbers = #tpu.dot_dimension_numbers<[1], [0], [0], [1], [0, 0, 1, 1], [], []>, transpose_lhs_hint = false} : vector<128x512xf32>, vector<512x32xf32>, vector<128x32xf32> -> vector<128x32xf32>
    %max3A_215 = arith.maximumf %max3A_201, %dot_general3A_214 : vector<128x32xf32>
    %slice3A_216 = vector.extract_strided_slice %mul3A_89 {offsets = [0, 9, 0], sizes = [128, 1, 16], strides = [1, 1, 1]} : vector<128x16x16xf32> to vector<128x1x16xf32>
    %squeeze3A_217 = vector.shape_cast %slice3A_216 : vector<128x1x16xf32> to vector<128x16xf32>
    %get3A_218 = arith.constant 0 : index
    %get3A_219 = arith.constant 0 : index
    %get3A_220 = vector.load %arg9[%get3A_218, %get3A_219] : memref<16x512xf32, #tpu.memory_space<vmem>>, vector<16x512xf32>
    %dot_general3A_221 = arith.constant dense<0.000000e+00> : vector<128x512xf32>
    %dot_general3A_222 = tpu.matmul %squeeze3A_217, %get3A_220, %dot_general3A_221 {dimension_numbers = #tpu.dot_dimension_numbers<[1], [0], [0], [1], [0, 0, 1, 1], [], []>, transpose_lhs_hint = false} : vector<128x16xf32>, vector<16x512xf32>, vector<128x512xf32> -> vector<128x512xf32>
    %mul3A_223 = arith.mulf %add3A_49, %dot_general3A_222 : vector<128x512xf32>
    %get3A_224 = arith.constant 0 : index
    %get3A_225 = arith.constant 0 : index
    %get3A_226 = vector.load %arg10[%get3A_224, %get3A_225] : memref<512x32xf32, #tpu.memory_space<vmem>>, vector<512x32xf32>
    %dot_general3A_227 = arith.constant dense<0.000000e+00> : vector<128x32xf32>
    %dot_general3A_228 = tpu.matmul %mul3A_223, %get3A_226, %dot_general3A_227 {dimension_numbers = #tpu.dot_dimension_numbers<[1], [0], [0], [1], [0, 0, 1, 1], [], []>, transpose_lhs_hint = false} : vector<128x512xf32>, vector<512x32xf32>, vector<128x32xf32> -> vector<128x32xf32>
    %max3A_229 = arith.maximumf %max3A_215, %dot_general3A_228 : vector<128x32xf32>
    %slice3A_230 = vector.extract_strided_slice %mul3A_89 {offsets = [0, 10, 0], sizes = [128, 1, 16], strides = [1, 1, 1]} : vector<128x16x16xf32> to vector<128x1x16xf32>
    %squeeze3A_231 = vector.shape_cast %slice3A_230 : vector<128x1x16xf32> to vector<128x16xf32>
    %get3A_232 = arith.constant 0 : index
    %get3A_233 = arith.constant 0 : index
    %get3A_234 = vector.load %arg9[%get3A_232, %get3A_233] : memref<16x512xf32, #tpu.memory_space<vmem>>, vector<16x512xf32>
    %dot_general3A_235 = arith.constant dense<0.000000e+00> : vector<128x512xf32>
    %dot_general3A_236 = tpu.matmul %squeeze3A_231, %get3A_234, %dot_general3A_235 {dimension_numbers = #tpu.dot_dimension_numbers<[1], [0], [0], [1], [0, 0, 1, 1], [], []>, transpose_lhs_hint = false} : vector<128x16xf32>, vector<16x512xf32>, vector<128x512xf32> -> vector<128x512xf32>
    %mul3A_237 = arith.mulf %add3A_49, %dot_general3A_236 : vector<128x512xf32>
    %get3A_238 = arith.constant 0 : index
    %get3A_239 = arith.constant 0 : index
    %get3A_240 = vector.load %arg10[%get3A_238, %get3A_239] : memref<512x32xf32, #tpu.memory_space<vmem>>, vector<512x32xf32>
    %dot_general3A_241 = arith.constant dense<0.000000e+00> : vector<128x32xf32>
    %dot_general3A_242 = tpu.matmul %mul3A_237, %get3A_240, %dot_general3A_241 {dimension_numbers = #tpu.dot_dimension_numbers<[1], [0], [0], [1], [0, 0, 1, 1], [], []>, transpose_lhs_hint = false} : vector<128x512xf32>, vector<512x32xf32>, vector<128x32xf32> -> vector<128x32xf32>
    %max3A_243 = arith.maximumf %max3A_229, %dot_general3A_242 : vector<128x32xf32>
    %slice3A_244 = vector.extract_strided_slice %mul3A_89 {offsets = [0, 11, 0], sizes = [128, 1, 16], strides = [1, 1, 1]} : vector<128x16x16xf32> to vector<128x1x16xf32>
    %squeeze3A_245 = vector.shape_cast %slice3A_244 : vector<128x1x16xf32> to vector<128x16xf32>
    %get3A_246 = arith.constant 0 : index
    %get3A_247 = arith.constant 0 : index
    %get3A_248 = vector.load %arg9[%get3A_246, %get3A_247] : memref<16x512xf32, #tpu.memory_space<vmem>>, vector<16x512xf32>
    %dot_general3A_249 = arith.constant dense<0.000000e+00> : vector<128x512xf32>
    %dot_general3A_250 = tpu.matmul %squeeze3A_245, %get3A_248, %dot_general3A_249 {dimension_numbers = #tpu.dot_dimension_numbers<[1], [0], [0], [1], [0, 0, 1, 1], [], []>, transpose_lhs_hint = false} : vector<128x16xf32>, vector<16x512xf32>, vector<128x512xf32> -> vector<128x512xf32>
    %mul3A_251 = arith.mulf %add3A_49, %dot_general3A_250 : vector<128x512xf32>
    %get3A_252 = arith.constant 0 : index
    %get3A_253 = arith.constant 0 : index
    %get3A_254 = vector.load %arg10[%get3A_252, %get3A_253] : memref<512x32xf32, #tpu.memory_space<vmem>>, vector<512x32xf32>
    %dot_general3A_255 = arith.constant dense<0.000000e+00> : vector<128x32xf32>
    %dot_general3A_256 = tpu.matmul %mul3A_251, %get3A_254, %dot_general3A_255 {dimension_numbers = #tpu.dot_dimension_numbers<[1], [0], [0], [1], [0, 0, 1, 1], [], []>, transpose_lhs_hint = false} : vector<128x512xf32>, vector<512x32xf32>, vector<128x32xf32> -> vector<128x32xf32>
    %max3A_257 = arith.maximumf %max3A_243, %dot_general3A_256 : vector<128x32xf32>
    %slice3A_258 = vector.extract_strided_slice %mul3A_89 {offsets = [0, 12, 0], sizes = [128, 1, 16], strides = [1, 1, 1]} : vector<128x16x16xf32> to vector<128x1x16xf32>
    %squeeze3A_259 = vector.shape_cast %slice3A_258 : vector<128x1x16xf32> to vector<128x16xf32>
    %get3A_260 = arith.constant 0 : index
    %get3A_261 = arith.constant 0 : index
    %get3A_262 = vector.load %arg9[%get3A_260, %get3A_261] : memref<16x512xf32, #tpu.memory_space<vmem>>, vector<16x512xf32>
    %dot_general3A_263 = arith.constant dense<0.000000e+00> : vector<128x512xf32>
    %dot_general3A_264 = tpu.matmul %squeeze3A_259, %get3A_262, %dot_general3A_263 {dimension_numbers = #tpu.dot_dimension_numbers<[1], [0], [0], [1], [0, 0, 1, 1], [], []>, transpose_lhs_hint = false} : vector<128x16xf32>, vector<16x512xf32>, vector<128x512xf32> -> vector<128x512xf32>
    %mul3A_265 = arith.mulf %add3A_49, %dot_general3A_264 : vector<128x512xf32>
    %get3A_266 = arith.constant 0 : index
    %get3A_267 = arith.constant 0 : index
    %get3A_268 = vector.load %arg10[%get3A_266, %get3A_267] : memref<512x32xf32, #tpu.memory_space<vmem>>, vector<512x32xf32>
    %dot_general3A_269 = arith.constant dense<0.000000e+00> : vector<128x32xf32>
    %dot_general3A_270 = tpu.matmul %mul3A_265, %get3A_268, %dot_general3A_269 {dimension_numbers = #tpu.dot_dimension_numbers<[1], [0], [0], [1], [0, 0, 1, 1], [], []>, transpose_lhs_hint = false} : vector<128x512xf32>, vector<512x32xf32>, vector<128x32xf32> -> vector<128x32xf32>
    %max3A_271 = arith.maximumf %max3A_257, %dot_general3A_270 : vector<128x32xf32>
    %slice3A_272 = vector.extract_strided_slice %mul3A_89 {offsets = [0, 13, 0], sizes = [128, 1, 16], strides = [1, 1, 1]} : vector<128x16x16xf32> to vector<128x1x16xf32>
    %squeeze3A_273 = vector.shape_cast %slice3A_272 : vector<128x1x16xf32> to vector<128x16xf32>
    %get3A_274 = arith.constant 0 : index
    %get3A_275 = arith.constant 0 : index
    %get3A_276 = vector.load %arg9[%get3A_274, %get3A_275] : memref<16x512xf32, #tpu.memory_space<vmem>>, vector<16x512xf32>
    %dot_general3A_277 = arith.constant dense<0.000000e+00> : vector<128x512xf32>
    %dot_general3A_278 = tpu.matmul %squeeze3A_273, %get3A_276, %dot_general3A_277 {dimension_numbers = #tpu.dot_dimension_numbers<[1], [0], [0], [1], [0, 0, 1, 1], [], []>, transpose_lhs_hint = false} : vector<128x16xf32>, vector<16x512xf32>, vector<128x512xf32> -> vector<128x512xf32>
    %mul3A_279 = arith.mulf %add3A_49, %dot_general3A_278 : vector<128x512xf32>
    %get3A_280 = arith.constant 0 : index
    %get3A_281 = arith.constant 0 : index
    %get3A_282 = vector.load %arg10[%get3A_280, %get3A_281] : memref<512x32xf32, #tpu.memory_space<vmem>>, vector<512x32xf32>
    %dot_general3A_283 = arith.constant dense<0.000000e+00> : vector<128x32xf32>
    %dot_general3A_284 = tpu.matmul %mul3A_279, %get3A_282, %dot_general3A_283 {dimension_numbers = #tpu.dot_dimension_numbers<[1], [0], [0], [1], [0, 0, 1, 1], [], []>, transpose_lhs_hint = false} : vector<128x512xf32>, vector<512x32xf32>, vector<128x32xf32> -> vector<128x32xf32>
    %max3A_285 = arith.maximumf %max3A_271, %dot_general3A_284 : vector<128x32xf32>
    %slice3A_286 = vector.extract_strided_slice %mul3A_89 {offsets = [0, 14, 0], sizes = [128, 1, 16], strides = [1, 1, 1]} : vector<128x16x16xf32> to vector<128x1x16xf32>
    %squeeze3A_287 = vector.shape_cast %slice3A_286 : vector<128x1x16xf32> to vector<128x16xf32>
    %get3A_288 = arith.constant 0 : index
    %get3A_289 = arith.constant 0 : index
    %get3A_290 = vector.load %arg9[%get3A_288, %get3A_289] : memref<16x512xf32, #tpu.memory_space<vmem>>, vector<16x512xf32>
    %dot_general3A_291 = arith.constant dense<0.000000e+00> : vector<128x512xf32>
    %dot_general3A_292 = tpu.matmul %squeeze3A_287, %get3A_290, %dot_general3A_291 {dimension_numbers = #tpu.dot_dimension_numbers<[1], [0], [0], [1], [0, 0, 1, 1], [], []>, transpose_lhs_hint = false} : vector<128x16xf32>, vector<16x512xf32>, vector<128x512xf32> -> vector<128x512xf32>
    %mul3A_293 = arith.mulf %add3A_49, %dot_general3A_292 : vector<128x512xf32>
    %get3A_294 = arith.constant 0 : index
    %get3A_295 = arith.constant 0 : index
    %get3A_296 = vector.load %arg10[%get3A_294, %get3A_295] : memref<512x32xf32, #tpu.memory_space<vmem>>, vector<512x32xf32>
    %dot_general3A_297 = arith.constant dense<0.000000e+00> : vector<128x32xf32>
    %dot_general3A_298 = tpu.matmul %mul3A_293, %get3A_296, %dot_general3A_297 {dimension_numbers = #tpu.dot_dimension_numbers<[1], [0], [0], [1], [0, 0, 1, 1], [], []>, transpose_lhs_hint = false} : vector<128x512xf32>, vector<512x32xf32>, vector<128x32xf32> -> vector<128x32xf32>
    %max3A_299 = arith.maximumf %max3A_285, %dot_general3A_298 : vector<128x32xf32>
    %slice3A_300 = vector.extract_strided_slice %mul3A_89 {offsets = [0, 15, 0], sizes = [128, 1, 16], strides = [1, 1, 1]} : vector<128x16x16xf32> to vector<128x1x16xf32>
    %squeeze3A_301 = vector.shape_cast %slice3A_300 : vector<128x1x16xf32> to vector<128x16xf32>
    %get3A_302 = arith.constant 0 : index
    %get3A_303 = arith.constant 0 : index
    %get3A_304 = vector.load %arg9[%get3A_302, %get3A_303] : memref<16x512xf32, #tpu.memory_space<vmem>>, vector<16x512xf32>
    %dot_general3A_305 = arith.constant dense<0.000000e+00> : vector<128x512xf32>
    %dot_general3A_306 = tpu.matmul %squeeze3A_301, %get3A_304, %dot_general3A_305 {dimension_numbers = #tpu.dot_dimension_numbers<[1], [0], [0], [1], [0, 0, 1, 1], [], []>, transpose_lhs_hint = false} : vector<128x16xf32>, vector<16x512xf32>, vector<128x512xf32> -> vector<128x512xf32>
    %mul3A_307 = arith.mulf %add3A_49, %dot_general3A_306 : vector<128x512xf32>
    %get3A_308 = arith.constant 0 : index
    %get3A_309 = arith.constant 0 : index
    %get3A_310 = vector.load %arg10[%get3A_308, %get3A_309] : memref<512x32xf32, #tpu.memory_space<vmem>>, vector<512x32xf32>
    %dot_general3A_311 = arith.constant dense<0.000000e+00> : vector<128x32xf32>
    %dot_general3A_312 = tpu.matmul %mul3A_307, %get3A_310, %dot_general3A_311 {dimension_numbers = #tpu.dot_dimension_numbers<[1], [0], [0], [1], [0, 0, 1, 1], [], []>, transpose_lhs_hint = false} : vector<128x512xf32>, vector<512x32xf32>, vector<128x32xf32> -> vector<128x32xf32>
    %max3A_313 = arith.maximumf %max3A_299, %dot_general3A_312 : vector<128x32xf32>
    %swap3A = arith.constant 0 : index
    %swap3A_314 = arith.constant 0 : index
    %swap3A_315 = vector.load %arg11[%swap3A, %swap3A_314] : memref<128x32xf32, #tpu.memory_space<vmem>>, vector<128x32xf32>
    tpu.vector_store %arg11[%swap3A, %swap3A_314], %max3A_313 {strides = array<i32>} : memref<128x32xf32, #tpu.memory_space<vmem>>, vector<128x32xf32>,
    return
  }
  func.func @transform_0(%arg0: i32) -> (i32, i32) {
    %c0_i32 = arith.constant 0 : i32
    %c0_i32_0 = arith.constant 0 : i32
    return %arg0, %c0_i32 : i32, i32
  }
  func.func @transform_1(%arg0: i32) -> (i32, i32) {
    %c0_i32 = arith.constant 0 : i32
    %c0_i32_0 = arith.constant 0 : i32
    return %arg0, %c0_i32 : i32, i32
  }
  func.func @transform_2(%arg0: i32) -> (i32, i32) {
    %c0_i32 = arith.constant 0 : i32
    %c0_i32_0 = arith.constant 0 : i32
    return %arg0, %c0_i32 : i32, i32
  }
  func.func @transform_3(%arg0: i32) -> (i32, i32) {
    %c0_i32 = arith.constant 0 : i32
    %c0_i32_0 = arith.constant 0 : i32
    %c0_i32_1 = arith.constant 0 : i32
    return %c0_i32, %c0_i32_0 : i32, i32
  }
  func.func @transform_4(%arg0: i32) -> (i32, i32) {
    %c0_i32 = arith.constant 0 : i32
    %c0_i32_0 = arith.constant 0 : i32
    %c0_i32_1 = arith.constant 0 : i32
    return %c0_i32, %c0_i32_0 : i32, i32
  }
  func.func @transform_5(%arg0: i32) -> (i32, i32) {
    %c0_i32 = arith.constant 0 : i32
    %c0_i32_0 = arith.constant 0 : i32
    %c0_i32_1 = arith.constant 0 : i32
    return %c0_i32, %c0_i32_0 : i32, i32
  }
  func.func @transform_6(%arg0: i32) -> (i32, i32) {
    %c0_i32 = arith.constant 0 : i32
    %c0_i32_0 = arith.constant 0 : i32
    %c0_i32_1 = arith.constant 0 : i32
    return %c0_i32, %c0_i32_0 : i32, i32
  }
  func.func @transform_7(%arg0: i32) -> (i32, i32) {
    %c0_i32 = arith.constant 0 : i32
    %c0_i32_0 = arith.constant 0 : i32
    %c0_i32_1 = arith.constant 0 : i32
    return %c0_i32, %c0_i32_0 : i32, i32
  }
  func.func @transform_8(%arg0: i32) -> (i32, i32) {
    %c0_i32 = arith.constant 0 : i32
    %c0_i32_0 = arith.constant 0 : i32
    %c0_i32_1 = arith.constant 0 : i32
    return %c0_i32, %c0_i32_0 : i32, i32
  }
  func.func @transform_9(%arg0: i32) -> (i32, i32) {
    %c0_i32 = arith.constant 0 : i32
    %c0_i32_0 = arith.constant 0 : i32
    %c0_i32_1 = arith.constant 0 : i32
    return %c0_i32, %c0_i32_0 : i32, i32
  }
  func.func @transform_10(%arg0: i32) -> (i32, i32) {
    %c0_i32 = arith.constant 0 : i32
    %c0_i32_0 = arith.constant 0 : i32
    return %arg0, %c0_i32 : i32, i32
  }
}

module attributes {stable_mosaic.version = 14 : i64} {
  func.func @_uv_body(%arg0: i32, %arg1: memref<1024x32xf32, #tpu.memory_space<vmem>>, %arg2: memref<32x32xf32, #tpu.memory_space<vmem>>, %arg3: memref<32x32xf32, #tpu.memory_space<vmem>>, %arg4: memref<8x32xf32, #tpu.memory_space<vmem>>, %arg5: memref<1024x32xf32, #tpu.memory_space<vmem>>, %arg6: memref<1024x32xf32, #tpu.memory_space<vmem>>) attributes {dimension_semantics = [#tpu.dimension_semantics<arbitrary>], iteration_bounds = array<i64: 10>, scalar_prefetch = 0 : i64, scratch_operands = 0 : i64, tpu.core_type = #tpu.core_type<tc>, window_params = [{transform_indices = @transform_0, window_bounds = array<i64: 1024, 32>}, {pipeline_mode = #tpu.pipeline_mode<synchronous>, transform_indices = @transform_1, window_bounds = array<i64: 32, 32>}, {pipeline_mode = #tpu.pipeline_mode<synchronous>, transform_indices = @transform_2, window_bounds = array<i64: 32, 32>}, {pipeline_mode = #tpu.pipeline_mode<synchronous>, transform_indices = @transform_3, window_bounds = array<i64: 8, 32>}, {transform_indices = @transform_4, window_bounds = array<i64: 1024, 32>}, {transform_indices = @transform_5, window_bounds = array<i64: 1024, 32>}]} {
    %get3A = arith.constant 0 : index
    %get3A_0 = arith.constant 0 : index
    %get3A_1 = vector.load %arg1[%get3A, %get3A_0] : memref<1024x32xf32, #tpu.memory_space<vmem>>, vector<1024x32xf32>
    %get3A_2 = arith.constant 0 : index
    %get3A_3 = arith.constant 0 : index
    %get3A_4 = vector.load %arg2[%get3A_2, %get3A_3] : memref<32x32xf32, #tpu.memory_space<vmem>>, vector<32x32xf32>
    %dot_general3A = arith.constant dense<0.000000e+00> : vector<1024x32xf32>
    %dot_general3A_5 = tpu.matmul %get3A_1, %get3A_4, %dot_general3A {dimension_numbers = #tpu.dot_dimension_numbers<[1], [0], [0], [1], [0, 0, 1, 1], [], []>, transpose_lhs_hint = false} : vector<1024x32xf32>, vector<32x32xf32>, vector<1024x32xf32> -> vector<1024x32xf32>
    %get3A_6 = arith.constant 0 : index
    %get3A_7 = arith.constant 0 : index
    %get3A_8 = vector.load %arg4[%get3A_6, %get3A_7] : memref<8x32xf32, #tpu.memory_space<vmem>>, vector<1x32xf32>
    %add3A = vector.broadcast %get3A_8 : vector<1x32xf32> to vector<1024x32xf32>
    %add3A_9 = arith.addf %dot_general3A_5, %add3A : vector<1024x32xf32>
    %swap3A = arith.constant 0 : index
    %swap3A_10 = arith.constant 0 : index
    %swap3A_11 = vector.load %arg5[%swap3A, %swap3A_10] : memref<1024x32xf32, #tpu.memory_space<vmem>>, vector<1024x32xf32>
    tpu.vector_store %arg5[%swap3A, %swap3A_10], %add3A_9 {strides = array<i32>} : memref<1024x32xf32, #tpu.memory_space<vmem>>, vector<1024x32xf32>,
    %get3A_12 = arith.constant 0 : index
    %get3A_13 = arith.constant 0 : index
    %get3A_14 = vector.load %arg3[%get3A_12, %get3A_13] : memref<32x32xf32, #tpu.memory_space<vmem>>, vector<32x32xf32>
    %dot_general3A_15 = arith.constant dense<0.000000e+00> : vector<1024x32xf32>
    %dot_general3A_16 = tpu.matmul %get3A_1, %get3A_14, %dot_general3A_15 {dimension_numbers = #tpu.dot_dimension_numbers<[1], [0], [0], [1], [0, 0, 1, 1], [], []>, transpose_lhs_hint = false} : vector<1024x32xf32>, vector<32x32xf32>, vector<1024x32xf32> -> vector<1024x32xf32>
    %swap3A_17 = arith.constant 0 : index
    %swap3A_18 = arith.constant 0 : index
    %swap3A_19 = vector.load %arg6[%swap3A_17, %swap3A_18] : memref<1024x32xf32, #tpu.memory_space<vmem>>, vector<1024x32xf32>
    tpu.vector_store %arg6[%swap3A_17, %swap3A_18], %dot_general3A_16 {strides = array<i32>} : memref<1024x32xf32, #tpu.memory_space<vmem>>, vector<1024x32xf32>,
    return
  }
  func.func @transform_0(%arg0: i32) -> (i32, i32) {
    %c0_i32 = arith.constant 0 : i32
    %c0_i32_0 = arith.constant 0 : i32
    return %arg0, %c0_i32 : i32, i32
  }
  func.func @transform_1(%arg0: i32) -> (i32, i32) {
    %c0_i32 = arith.constant 0 : i32
    %c0_i32_0 = arith.constant 0 : i32
    %c0_i32_1 = arith.constant 0 : i32
    return %c0_i32, %c0_i32_0 : i32, i32
  }
  func.func @transform_2(%arg0: i32) -> (i32, i32) {
    %c0_i32 = arith.constant 0 : i32
    %c0_i32_0 = arith.constant 0 : i32
    %c0_i32_1 = arith.constant 0 : i32
    return %c0_i32, %c0_i32_0 : i32, i32
  }
  func.func @transform_3(%arg0: i32) -> (i32, i32) {
    %c0_i32 = arith.constant 0 : i32
    %c0_i32_0 = arith.constant 0 : i32
    %c0_i32_1 = arith.constant 0 : i32
    return %c0_i32, %c0_i32_0 : i32, i32
  }
  func.func @transform_4(%arg0: i32) -> (i32, i32) {
    %c0_i32 = arith.constant 0 : i32
    %c0_i32_0 = arith.constant 0 : i32
    return %arg0, %c0_i32 : i32, i32
  }
  func.func @transform_5(%arg0: i32) -> (i32, i32) {
    %c0_i32 = arith.constant 0 : i32
    %c0_i32_0 = arith.constant 0 : i32
    return %arg0, %c0_i32 : i32, i32
  }
}

</mosaic_0001>

<sc_bundles>
// kernel: kernel.11.cloned.1.call-start
scs
__scs_entry_jumppad:
0x0: {  	(pc) =	sbr.rel $0x88, $3  }
0x1: {  	(tag) =	ssettag $0x0;
	lr =	simm.s32 $0x1  }
0x2: {  	[smem:$0x3F93] =	sst lr;
	_ =	strace $0xD0000000  }
0x3: {  	_ = 	snop  }
0x4: {  	_ = 	snop  }
0x5: {  	_ = 	snop  }
0x6: {  	_ = 	snop  }
0x7: {  	_ = 	snop  }
__scs_overlays_trampoline_lowered:
0x8: {  	[smem:$0x3FA2] =	sst s0  }
0x9: {  	[smem:$0x3FA3] =	sst s1  }
0xa: {  	[smem:$0x3FA4] =	sst s2  }
0xb: {  	[smem:$0x3FA5] =	sst s3  }
0xc: {  	[smem:$0x3FA6] =	sst s4  }
0xd: {  	[smem:$0x3FA7] =	sst s5  }
0xe: {  	[smem:$0x3FA8] =	sst s6  }
0xf: {  	[smem:$0x3FA9] =	sst s7  }
0x10: {  	[smem:$0x3FAA] =	sst s8  }
0x11: {  	[smem:$0x3FAB] =	sst s9;
	s0 =	simm.s32 @!p0 $0x0  }
0x12: {  	s1 =	sld [smem:$0x3F91];
	s0 =	simm.s32 @p0 $0x1  }
0x13: {  	[smem:$0x3FAC] =	sst s0;
	s0 =	simm.s32 @!p1 $0x0  }
0x14: {  	s2 =	sld [smem:$0x3F90];
	s0 =	simm.s32 @p1 $0x1  }
0x15: {  	[smem:$0x3FAD] =	sst s0;
	s0 =	simm.s32 @!p2 $0x0  }
0x16: {  	s3 =	sld [smem:$0x3FDB];
	s0 =	simm.s32 @p2 $0x1  }
0x17: {  	s4 =	simm.s32 $0x1BF5;
	[smem:$0x3FAF] =	sst s0  }
0x18: {  	s0 =	sld [smem:$0x3F92];
	_ =	swait.ge [sflag:s4], $0x0  }
0x19: {  	s7 =	sld [smem:$0x3F93]  }
0x1a: {  	s8 =	sadd.s32 $0xFFFFE003, lr  }
0x1b: {  	s9 =	sadd.s32 $0xFFFFFEF7, lr;
	s5 =	simm.s32 $0xFFFFFFFF;
	p2 =	slt.u32 s8, $0xFFFFF086  }
0x1c: {  	p1 =	slt.u32 s9, $0xF7A;
	s5 =	simm.s32 @!p2 $0x0  }
0x1d: {  	s5 =	simm.s32 @p1 $0x1;
	p0 =	seq.s32 s7, s2  }
0x1e: {  	s7 =	smul.u32 @!p0 $0xF7A, s2;
	p2 =	seq.s32 @!p0 s5, $0x0  }
0x1f: {  	s9 =	smul.u32 $0xF7A, s1;
	s8 =	simm.s32 @!p0 $0x1BF5;
	p2 =	por !p2, p0  }
0x20: {  	[sflag:s8] =	ssyncset.s32 @!p0 $0xFFFFF086;
	s6 =	sadd.s32 @!p0 s3, s7;
	s7 =	simm.s32 @!p0 $0x108  }
0x21: {  	s3 =	sadd.s32 s3, s9;
	s6 =	sadd.s32 @!p0 $0x88, s6;
	s7 =	simm.s32 @p2 $0x1082  }
0x22: {  	[simem:s7], [sflag:s8] =	dma.local @!p0 [hbm:s6], $0xF7A  }
0x23: {  	s9 =	sor.u32 $0xD0000000, s2;
	s6 =	simm.s32 $0x108;
	_ =	swait.ge @!p0 [sflag:s8], $0x0  }
0x24: {  	s3 =	sadd.s32 $0x88, s3;
	s6 =	simm.s32 @!p1 $0x1082;
	[sflag:s4] =	ssyncset.s32 $0xFFFFF086  }
0x25: {  	[simem:s6], [sflag:s4] =	dma.local [hbm:s3], $0xF7A  }
0x26: {  	[smem:$0x3F93] =	sst s1;
	(tag) =	ssettag s2;
	_ =	strace s9  }
0x27: {  	s1 =	sld [smem:$0x3FA3]  }
0x28: {  	s2 =	sld [smem:$0x3FA4]  }
0x29: {  	s4 =	sld [smem:$0x3FA6]  }
0x2a: {  	p0 =	seq.s32 s5, $0x0;
	s5 =	sld [smem:$0x3FA7]  }
0x2b: {  	s6 =	sld [smem:$0x3FA8]  }
0x2c: {  	s7 =	sld [smem:$0x3FA9]  }
0x2d: {  	s3 =	simm.s32 $0x108;
	s8 =	sld [smem:$0x3FAA]  }
0x2e: {  	s3 =	simm.s32 @!p0 $0x1082;
	s9 =	sld [smem:$0x3FAB]  }
0x2f: {  	lr =	sadd.s32 s0, s3;
	s0 =	sld [smem:$0x3FA2]  }
0x30: {  	s3 =	sld [smem:$0x3FA5]  }
0x31: {  	[smem:$0x3FAE] =	sst s10  }
0x32: {  	s10 =	sld [smem:$0x3FAC];
	_ =	sdelay $0x3  }
0x33: {  	p0 =	seq.s32 s10, $0x1;
	s10 =	sld [smem:$0x3FAE];
	_ =	sdelay $0x3  }
0x34: {  	[smem:$0x3FAE] =	sst s10  }
0x35: {  	s10 =	sld [smem:$0x3FAD];
	_ =	sdelay $0x3  }
0x36: {  	p1 =	seq.s32 s10, $0x1;
	s10 =	sld [smem:$0x3FAE];
	_ =	sdelay $0x3  }
0x37: {  	[smem:$0x3FAE] =	sst s10  }
0x38: {  	s10 =	sld [smem:$0x3FAF]  }
0x39: {  	_ = 	snop;
	(pc) =	sbr.ind lr, $3  }
0x3a: {  	_ = 	snop  }
0x3b: {  	_ = 	snop  }
0x3c: {  	p2 =	seq.s32 s10, $0x1;
	s10 =	sld [smem:$0x3FAE]  }
0x3d: {  	_ =	shalt  }
0x3e: {  	_ =	shalt  }
0x3f: {  	_ =	shalt  }
0x40: {  	_ =	shalt  }
0x41: {  	_ =	shalt  }
0x42: {  	_ =	shalt  }
0x43: {  	_ =	shalt  }
0x44: {  	_ =	shalt  }
0x45: {  	_ =	shalt  }
0x46: {  	_ =	shalt  }
0x47: {  	_ =	shalt  }
0x48: {  	_ =	shalt  }
0x49: {  	_ =	shalt  }
0x4a: {  	_ =	shalt  }
0x4b: {  	_ =	shalt  }
0x4c: {  	_ =	shalt  }
0x4d: {  	_ =	shalt  }
0x4e: {  	_ =	shalt  }
0x4f: {  	_ =	shalt  }
0x50: {  	_ =	shalt  }
0x51: {  	_ =	shalt  }
0x52: {  	_ =	shalt  }
0x53: {  	_ =	shalt  }
0x54: {  	_ =	shalt  }
0x55: {  	_ =	shalt  }
0x56: {  	_ =	shalt  }
0x57: {  	_ =	shalt  }
0x58: {  	_ =	shalt  }
0x59: {  	_ =	shalt  }
0x5a: {  	_ =	shalt  }
0x5b: {  	_ =	shalt  }
0x5c: {  	_ =	shalt  }
0x5d: {  	_ =	shalt  }
0x5e: {  	_ =	shalt  }
0x5f: {  	_ =	shalt  }
0x60: {  	_ =	shalt  }
0x61: {  	_ =	shalt  }
0x62: {  	_ =	shalt  }
0x63: {  	_ =	shalt  }
0x64: {  	_ =	shalt  }
0x65: {  	_ =	shalt  }
0x66: {  	_ =	shalt  }
0x67: {  	_ =	shalt  }
0x68: {  	_ =	shalt  }
0x69: {  	_ =	shalt  }
0x6a: {  	_ =	shalt  }
0x6b: {  	_ =	shalt  }
0x6c: {  	_ =	shalt  }
0x6d: {  	_ =	shalt  }
0x6e: {  	_ =	shalt  }
0x6f: {  	_ =	shalt  }
0x70: {  	_ =	shalt  }
0x71: {  	_ =	shalt  }
0x72: {  	_ =	shalt  }
0x73: {  	_ =	shalt  }
0x74: {  	_ =	shalt  }
0x75: {  	_ =	shalt  }
0x76: {  	_ =	shalt  }
0x77: {  	_ =	shalt  }
0x78: {  	_ =	shalt  }
0x79: {  	_ =	shalt  }
0x7a: {  	_ =	shalt  }
0x7b: {  	_ =	shalt  }
0x7c: {  	_ =	shalt  }
0x7d: {  	_ =	shalt  }
0x7e: {  	_ =	shalt  }
0x7f: {  	_ =	shalt  }
0x80: {  	_ =	shalt  }
0x81: {  	_ =	shalt  }
0x82: {  	_ =	shalt  }
0x83: {  	_ =	shalt  }
0x84: {  	_ =	shalt  }
0x85: {  	_ =	shalt  }
0x86: {  	_ =	shalt  }
0x87: {  	_ =	shalt  }
.Lfunc_end0:
.L_simem_size_0:
called_computation_lowered:
.L_overlay_start_0:
0x88: {  	s2 =	sld [smem:$0x3FD9]  }
0x89: {  	s3 =	sld [smem:$0x3FFE];
	_ =	sdelay $0x1  }
0x8a: {  	s1 =	srdreg.scid  }
0x8b: {  	s0 =	sand.u32 $0x1, s1  }
0x8c: {  	s14 =	sshll.u32 s0, $0xA;
	s2 =	sadd.s32 s3, s2  }
0x8d: {  	s2 =	sadd.s32 s2, s14  }
0x8e: {  	[smem:$0x3FBA] =	sst s2  }
0x8f: {  	_ = 	snop  }
0x90: {  	s2 =	sld [smem:$0x3FD0];
	_ =	sdelay $0x2  }
0x91: {  	s15 =	simm.s32 $0xA;
	s4 =	simm.s32 $0x10  }
0x92: {  	[smem:s4], [sflag:s15] =	dma.local [hbm:s2], $0x1  }
0x93: {  	_ =	swait.eq [sflag:s15], $0x1  }
0x94: {  	[sflag:s15] =	ssyncset.done $0x0  }
0x95: {  	[sflag:s15] =	ssyncadd.s32 $0xFFFFFFFF  }
0x96: {  	s16 =	sld [smem:$0x10];
	(tm) =	ssettm $0x1  }
0x97: {  	s17 =	sld [smem:$0x3FFB];
	_ =	sdelay $0x3  }
0x98: {  	_ =	strace s17  }
0x99: {  	s3 =	sld [smem:$0x3FFC];
	_ =	sdelay $0x3  }
0x9a: {  	_ =	strace s3  }
0x9b: {  	s3 =	sld [smem:$0x3FFD];
	_ =	sdelay $0x3  }
0x9c: {  	_ =	strace s3  }
0x9d: {  	_ =	strace $0x8FFFFFFF  }
0x9e: {  	s18 =	sld [smem:$0x3FDB];
	_ =	sdelay $0x1  }
0x9f: {  	s19 =	simm.s32 $_scs_section_size  }
0xa0: {  	s5 =	simm.s32 $_size__tile_overlayer_lowered;
	s6 =	simm.s32 $_tile_overlayer_lowered  }
0xa1: {  	s22 =	simm.s32 $0x1BFF;
	s21 =	sshll.u32 s6, $0x1;
	s3 =	sadd.s32 s19, s18  }
0xa2: {  	s7 =	simm.s32 $0x0;
	s20 =	sshll.u32 s5, $0x1;
	s5 =	sadd.s32 s21, s3  }
0xa3: {  	[timem:s7], [sflag:s22] =	dma.local [hbm:s5], s20  }
0xa4: {  	_ =	swait.ge [sflag:s22], s20  }
0xa5: {  	s4 =	ssub.s32 $0x0, s20;
	[sflag:s22] =	ssyncset.done $0x0  }
0xa6: {  	[sflag:s22] =	ssyncadd.s32 s4;
	_ =	sdelay $0x1  }
0xa7: {  	s23 =	simm.s32 $0x1B8B  }
0xa8: {  	_ =	swait.ge [sflag:s23], $0x1  }
0xa9: {  	[sflag:s23] =	ssyncset.done $0x0  }
0xaa: {  	s25 =	simm.s32 $0x1B8E;
	s24 =	sld [smem:$0x3FFE];
	[sflag:s23] =	ssyncadd.s32 $0xFFFFFFFF  }
0xab: {  	s26 =	simm.s32 $execute0_lowered;
	[smem:$0x3FD2] =	sst s25  }
0xac: {  	s5 =	sshll.u32 s26, $0x1;
	_ =	strace $0x80000046;
	[dreg:$0x1] =	wrdreg $0xFFFFFFFF  }
0xad: {  	s28 =	simm.s32 $_size_execute0_lowered;
	s3 =	sadd.s32 s3, s5;
	[dreg:$0x0] =	wrdreg $0x0  }
0xae: {  	s5 =	sshll.u32 s28, $0x1;
	[dreg:$0x2] =	wrdreg s3  }
0xaf: {  	[dreg:$0x3] =	wrdreg s5  }
0xb0: {  	[dreg:$0x4] =	wrdreg $0xC0  }
0xb1: {  	_ =	task [dreg:s7], $0x5FFFF  }
0xb2: {  	[dreg:$0x1] =	wrdreg $0xFFFFFFFF  }
0xb3: {  	[dreg:$0x0] =	wrdreg $0x60  }
0xb4: {  	[dreg:$0x2] =	wrdreg s16  }
0xb5: {  	[dreg:$0x3] =	wrdreg s24  }
0xb6: {  	[dreg:$0x4] =	wrdreg $0x9  }
0xb7: {  	_ =	task.clear_ibuf [dreg:s7], $0x5FFFF;
	_ =	strace $0x90000046  }
0xb8: {  	s29 =	simm.s32 $0x9;
	_ =	strace $0x80000048  }
0xb9: {  	_ =	swait.ge [sflag:s29], $0x1  }
0xba: {  	[sflag:s29] =	ssyncadd.s32 $0xFFFFFFFF  }
0xbb: {  	_ =	strace $0x90000048  }
0xbc: {  	_ =	sfence  }
0xbd: {  	s30 =	sld [smem:$0x0];
	_ =	sdelay $0x2  }
0xbe: {  	s31 =	sshll.u32 s1, $0xD;
	s1 =	sshrl.u32 s1, $0x2  }
0xbf: {  	s3 =	sand.u32 $0x4000, s31;
	s1 =	sadd.s32 s1, s30  }
0xc0: {  	s0 =	sor.u32 s3, s0;
	s1 =	sshll.u32 s1, $0x11  }
0xc1: {  	s0 =	sor.u32 s1, s0  }
0xc2: {  	s0 =	sadd.s32 $0x8F2B, s0  }
0xc3: {  	[sflag:s0] =	ssyncadd.remote.s32 $0x1  }
0xc4: {  	_ =	sfence.sel $0xFFFF  }
0xc5: {  	[dreg:$0x0] =	wrdreg $0xFFFFFFFF;
	(pc) =	sbr.abs _section_cstart, $3  }
0xc6: {  	[dreg:$0x1] =	wrdreg $0xFFFFFFFF  }
0xc7: {  	_ =	task.clear_ibuf [dreg:s7], $0x2FFFF;
	_ =	strace $0x9FFFFFFF  }
0xc8: {  	(tm) =	ssettm $0x7FFFFFFF  }
0xc9: {  	_ =	shalt  }
tec
execute0_lowered:
.L_overlay_start_1:
0x0: {  	(tag) =	ssettag $0x1  }
0x1: {  	s1 =	srdreg.scid  }
0x2: {  	s0 =	stileid.u32;
	s4 =	rddreg [dreg:$0x0]  }
0x3: {  	s6 =	rddreg [dreg:$0x1];
	s2 =	simm.s32 $0x0;
	s13 =	simm.s32 $0x1  }
0x4: {  	s14 =	simm.s32 $0x4400;
	s15 =	simm.s32 $0x2;
	s16 =	simm.s32 $0x5  }
0x5: {  	s17 =	simm.s32 $0x3;
	s18 =	simm.s32 $0x6;
	s19 =	simm.s32 $0x4  }
0x6: {  	s20 =	simm.s32 $0x7;
	s21 =	simm.s32 $0x8;
	s8 =	smul.u32 $0x50, s0  }
0x7: {  	s22 =	simm.s32 $0x0;
	s5 =	sand.u32 $0x1, s1;
	s11 =	smul.u32 $0xA000, s0  }
0x8: {  	s28 =	sshll.u32 s0, $0x1;
	s1 =	rddreg [dreg:$0x2];
	s9 =	smul.u32 $0x28, s5  }
0x9: {  	[smem:$0x7FF] =	sst s2;
	s3 =	sor.u32 s5, s28;
	s29 =	smul.u32 $0x5000, s5  }
0xa: {  	_ =	strace $0x80000047;
	s10 =	ssub.s32 $0x2, s5;
	s7 =	smul.u32 $0x280, s3  }
0xb: {  	s3 =	sadd.s32 $0x1E00, s6;
	s6 =	sadd.s32 $0xBE00, s6;
	s12 =	sshrl.u32 s10, $0x1  }
0xc: {  	s8 =	sadd.s32 s9, s8;
	s10 =	ssub.s32 s10, s12;
	s31 =	sadd.s32 s11, s6  }
0xd: {  	s9 =	simm.s32 $0x80;
	s11 =	simm.s32 $0x2400;
	s12 =	simm.s32 $0x3400  }
0xe: {  	s30 =	sshll.u32 s8, $0x9;
	s4 =	sadd.s32 s4, s7;
	s8 =	sadd.s32 s29, s31  }
0xf: {  	s5 =	sadd.s32 s30, s6;
	s6 =	smax.u32 s10, $0x1;
	[dreg:$0x3] =	wrdreg s8  }
0x10: {  	s8 =	simm.s32 $0x9;
	s10 =	simm.s32 $0x1400;
	s7 =	sadd.s32 $0x400, s5  }
.LBB2_1:
0x11: {  	[tilespmem:s2], [sflag:$0x9] =	stream.linear.gather [hbm4b:s4+s2], $0x1400, $0x38;
	[tilespmem:$0x5400] =	vst v63  }
0x12: {  	_ =	swait.ge [sflag:s8], $0x1400  }
0x13: {  	[sflag:s8] =	ssyncset.done $0x0  }
0x14: {  	p0 =	por $0x1, $0x1;
	[sflag:s8] =	ssyncadd.s32 $0xFFFFEC00  }
0x15: {  	[tilespmem:s10], [sflag:$0x1] =	stream.indirect.gather [hbm4b:s3+s9], $0x20, s2, s9, $0xb8;
	[tilespmem:$0x5400] =	vst v63  }
0x16: {  	s23 =	simm.s32 @!p0 $0x7  }
0x17: {  	[tilespmem:s11], [sflag:$0x2] =	stream.indirect.gather [hbm4b:s3+s9], $0x20, s9, s9, $0xb8;
	[tilespmem:$0x5400] =	vst v63  }
0x18: {  	_ =	swait.ge @!p0 [sflag:s23], $0x1000  }
0x19: {  	[sflag:s23] =	ssyncset.done @!p0 $0x0  }
0x1a: {  	s26 =	simm.s32 $0x100;
	[sflag:s23] =	ssyncadd.s32 @!p0 $0xFFFFF000  }
0x1b: {  	[tilespmem:s12], [sflag:$0x3] =	stream.indirect.gather [hbm4b:s3+s9], $0x20, s26, s9, $0xb8;
	[tilespmem:$0x5400] =	vst v63  }
0x1c: {  	_ =	swait.ge [sflag:s13], $0x1000  }
0x1d: {  	s28 =	rddreg [dreg:$0x3];
	[sflag:s13] =	ssyncset.done $0x0  }
0x1e: {  	s24 =	simm.s32 @!p0 $0x8;
	[sflag:s13] =	ssyncadd.s32 $0xFFFFF000;
	s23 =	sadd.s32 $0x0, s28  }
0x1f: {  	[hbm4b:s23+s2] =	stream.linear.scatter [tilespmem:s10], [sflag:$0x5], $0x1000, $0x38;
	[tilespmem:$0x5400] =	vst v63  }
0x20: {  	_ =	swait.ge @!p0 [sflag:s24], $0x1000  }
0x21: {  	[sflag:s24] =	ssyncset.done @!p0 $0x0  }
0x22: {  	s29 =	simm.s32 $0x180;
	[sflag:s24] =	ssyncadd.s32 @!p0 $0xFFFFF000  }
0x23: {  	[tilespmem:s14], [sflag:$0x4] =	stream.indirect.gather [hbm4b:s3+s9], $0x20, s29, s9, $0xb8;
	[tilespmem:$0x5400] =	vst v63  }
0x24: {  	_ =	swait.ge [sflag:s15], $0x1000  }
0x25: {  	s25 =	sadd.s32 $0x0, s5;
	[sflag:s15] =	ssyncset.done $0x0  }
0x26: {  	s30 =	sadd.s32 $0x200, s25;
	[sflag:s15] =	ssyncadd.s32 $0xFFFFF000  }
0x27: {  	[hbm4b:s30+s2] =	stream.linear.scatter [tilespmem:s11], [sflag:$0x6], $0x1000, $0x38;
	[tilespmem:$0x5400] =	vst v63  }
0x28: {  	p0 =	por $0x0, $0x0;
	_ =	swait.ge [sflag:s16], $0x1000  }
0x29: {  	s23 =	simm.s32 @!p0 $0x1400;
	[sflag:s16] =	ssyncset.done $0x0  }
0x2a: {  	s24 =	simm.s32 @!p0 $0x200;
	s26 =	simm.s32 @!p0 $0x80;
	[sflag:s16] =	ssyncadd.s32 $0xFFFFF000  }
0x2b: {  	[tilespmem:s23], [sflag:$0x1] =	stream.indirect.gather @!p0 [hbm4b:s3+s26], $0x20, s24, s26, $0xb8;
	[tilespmem:$0x5400] =	vst v63  }
0x2c: {  	_ =	swait.ge [sflag:s17], $0x1000  }
0x2d: {  	[sflag:s17] =	ssyncset.done $0x0  }
0x2e: {  	s31 =	sadd.s32 $0x0, s7;
	[sflag:s17] =	ssyncadd.s32 $0xFFFFF000  }
0x2f: {  	[hbm4b:s31+s2] =	stream.linear.scatter [tilespmem:s12], [sflag:$0x7], $0x1000, $0x38;
	[tilespmem:$0x5400] =	vst v63  }
0x30: {  	_ =	swait.ge [sflag:s18], $0x1000  }
0x31: {  	[sflag:s18] =	ssyncset.done $0x0  }
0x32: {  	s23 =	simm.s32 @!p0 $0x280;
	s24 =	simm.s32 @!p0 $0x2400;
	[sflag:s18] =	ssyncadd.s32 $0xFFFFF000  }
0x33: {  	[tilespmem:s24], [sflag:$0x2] =	stream.indirect.gather @!p0 [hbm4b:s3+s26], $0x20, s23, s26, $0xb8;
	[tilespmem:$0x5400] =	vst v63  }
0x34: {  	p1 =	por $0x0, $0x0;
	s23 =	simm.s32 $0x800;
	_ =	swait.ge [sflag:s19], $0x1000  }
0x35: {  	s24 =	simm.s32 $0x1000;
	s26 =	sadd.s32 $0x600, s25;
	[sflag:s19] =	ssyncset.done $0x0  }
.LBB2_2:
0x36: {  	s28 =	simm.s32 @!p1 $0x7;
	[sflag:s19] =	ssyncadd.s32 $0xFFFFF000  }
0x37: {  	[hbm4b:s26+s2] =	stream.linear.scatter [tilespmem:s14], [sflag:$0x8], $0x1000, $0x38;
	[tilespmem:$0x5400] =	vst v63  }
0x38: {  	_ =	swait.ge @!p1 [sflag:s28], $0x1000  }
0x39: {  	s26 =	sshra.s32 s23, $0x2;
	[sflag:s28] =	ssyncset.done @!p1 $0x0  }
0x3a: {  	s30 =	sadd.s32 $0x100, s26;
	[sflag:s28] =	ssyncadd.s32 @!p1 $0xFFFFF000  }
0x3b: {  	[tilespmem:s12], [sflag:$0x3] =	stream.indirect.gather [hbm4b:s3+s9], $0x20, s30, s9, $0xb8;
	[tilespmem:$0x5400] =	vst v63  }
0x3c: {  	_ =	swait.ge [sflag:s13], $0x1000  }
0x3d: {  	s31 =	rddreg [dreg:$0x3];
	[sflag:s13] =	ssyncset.done $0x0  }
0x3e: {  	s29 =	simm.s32 @!p1 $0x8;
	[sflag:s13] =	ssyncadd.s32 $0xFFFFF000;
	s28 =	sadd.s32 s23, s31  }
0x3f: {  	[hbm4b:s28+s2] =	stream.linear.scatter [tilespmem:s10], [sflag:$0x5], $0x1000, $0x38;
	[tilespmem:$0x5400] =	vst v63  }
0x40: {  	_ =	swait.ge @!p1 [sflag:s29], $0x1000  }
0x41: {  	[sflag:s29] =	ssyncset.done @!p1 $0x0  }
0x42: {  	s26 =	sadd.s32 $0x180, s26;
	[sflag:s29] =	ssyncadd.s32 @!p1 $0xFFFFF000  }
0x43: {  	[tilespmem:s14], [sflag:$0x4] =	stream.indirect.gather [hbm4b:s3+s9], $0x20, s26, s9, $0xb8;
	[tilespmem:$0x5400] =	vst v63  }
0x44: {  	_ =	swait.ge [sflag:s15], $0x1000  }
0x45: {  	s26 =	sadd.s32 s23, s5;
	[sflag:s15] =	ssyncset.done $0x0  }
0x46: {  	s29 =	sadd.s32 $0x200, s26;
	[sflag:s15] =	ssyncadd.s32 $0xFFFFF000  }
0x47: {  	[hbm4b:s29+s2] =	stream.linear.scatter [tilespmem:s11], [sflag:$0x6], $0x1000, $0x38;
	[tilespmem:$0x5400] =	vst v63  }
0x48: {  	p1 =	seq.s32 s23, $0x4800;
	_ =	swait.ge [sflag:s16], $0x1000  }
0x49: {  	s28 =	sshra.s32 @!p1 s23, $0x2;
	s31 =	simm.s32 @!p1 $0x80;
	[sflag:s16] =	ssyncset.done $0x0  }
0x4a: {  	s30 =	sadd.s32 @!p1 $0x200, s28;
	s29 =	simm.s32 @!p1 $0x1400;
	[sflag:s16] =	ssyncadd.s32 $0xFFFFF000  }
0x4b: {  	[tilespmem:s29], [sflag:$0x1] =	stream.indirect.gather @!p1 [hbm4b:s3+s31], $0x20, s30, s31, $0xb8;
	[tilespmem:$0x5400] =	vst v63  }
0x4c: {  	_ =	swait.ge [sflag:s17], $0x1000  }
0x4d: {  	s25 =	smov.u32 s24;
	[sflag:s17] =	ssyncset.done $0x0  }
0x4e: {  	s24 =	sadd.s32 $0x800, s24;
	s30 =	sadd.s32 s23, s7;
	[sflag:s17] =	ssyncadd.s32 $0xFFFFF000  }
0x4f: {  	[hbm4b:s30+s2] =	stream.linear.scatter [tilespmem:s12], [sflag:$0x7], $0x1000, $0x38;
	[tilespmem:$0x5400] =	vst v63  }
0x50: {  	p0 =	sne.s32 s24, $0x5000;
	_ =	swait.ge [sflag:s18], $0x1000  }
.Ltmp0:
0x51: {  	s28 =	sadd.s32 @!p1 $0x280, s28;
	[sflag:s18] =	ssyncset.done $0x0;
	(pc) =	sbr.rel @p0 .LBB2_2-.Ltmp0, $4  }
0x52: {  	s23 =	smov.u32 s25;
	s25 =	simm.s32 @!p1 $0x2400;
	[sflag:s18] =	ssyncadd.s32 $0xFFFFF000  }
0x53: {  	[tilespmem:s25], [sflag:$0x2] =	stream.indirect.gather @!p1 [hbm4b:s3+s31], $0x20, s28, s31, $0xb8;
	[tilespmem:$0x5400] =	vst v63  }
0x54: {  	_ =	swait.ge [sflag:s19], $0x1000  }
0x55: {  	s26 =	sadd.s32 $0x600, s26;
	p1 =	seq.s32 s23, $0x0;
	[sflag:s19] =	ssyncset.done $0x0  }
0x56: {  	s24 =	simm.s32 @!p1 $0x7;
	[sflag:s19] =	ssyncadd.s32 $0xFFFFF000  }
0x57: {  	[hbm4b:s26+s2] =	stream.linear.scatter [tilespmem:s14], [sflag:$0x8], $0x1000, $0x38;
	[tilespmem:$0x5400] =	vst v63  }
0x58: {  	_ =	swait.ge @!p1 [sflag:s24], $0x1000  }
0x59: {  	s25 =	sshra.s32 s23, $0x2;
	[sflag:s24] =	ssyncset.done @!p1 $0x0  }
0x5a: {  	s28 =	sadd.s32 $0x100, s25;
	[sflag:s24] =	ssyncadd.s32 @!p1 $0xFFFFF000  }
0x5b: {  	[tilespmem:s12], [sflag:$0x3] =	stream.indirect.gather [hbm4b:s3+s9], $0x20, s28, s9, $0xb8;
	[tilespmem:$0x5400] =	vst v63  }
0x5c: {  	_ =	swait.ge [sflag:s13], $0x1000  }
0x5d: {  	s29 =	rddreg [dreg:$0x3];
	[sflag:s13] =	ssyncset.done $0x0  }
0x5e: {  	s26 =	simm.s32 @!p1 $0x8;
	[sflag:s13] =	ssyncadd.s32 $0xFFFFF000;
	s24 =	sadd.s32 s23, s29  }
0x5f: {  	[hbm4b:s24+s2] =	stream.linear.scatter [tilespmem:s10], [sflag:$0x5], $0x1000, $0x38;
	[tilespmem:$0x5400] =	vst v63  }
0x60: {  	_ =	swait.ge @!p1 [sflag:s26], $0x1000  }
0x61: {  	[sflag:s26] =	ssyncset.done @!p1 $0x0  }
0x62: {  	s30 =	sadd.s32 $0x180, s25;
	[sflag:s26] =	ssyncadd.s32 @!p1 $0xFFFFF000  }
0x63: {  	[tilespmem:s14], [sflag:$0x4] =	stream.indirect.gather [hbm4b:s3+s9], $0x20, s30, s9, $0xb8;
	[tilespmem:$0x5400] =	vst v63  }
0x64: {  	_ =	swait.ge [sflag:s15], $0x1000  }
0x65: {  	s31 =	sadd.s32 s23, s5;
	[sflag:s15] =	ssyncset.done $0x0  }
0x66: {  	p0 =	seq.s32 s23, $0x4800;
	s29 =	sadd.s32 $0x200, s31;
	[sflag:s15] =	ssyncadd.s32 $0xFFFFF000  }
0x67: {  	[hbm4b:s29+s2] =	stream.linear.scatter [tilespmem:s11], [sflag:$0x6], $0x1000, $0x38;
	[tilespmem:$0x5400] =	vst v63  }
0x68: {  	s25 =	sshra.s32 @!p0 s23, $0x2;
	_ =	swait.ge [sflag:s16], $0x1000  }
0x69: {  	s28 =	sadd.s32 @!p0 $0x200, s25;
	[sflag:s16] =	ssyncset.done $0x0  }
0x6a: {  	s26 =	simm.s32 @!p0 $0x1400;
	s29 =	simm.s32 @!p0 $0x80;
	[sflag:s16] =	ssyncadd.s32 $0xFFFFF000  }
0x6b: {  	[tilespmem:s26], [sflag:$0x1] =	stream.indirect.gather @!p0 [hbm4b:s3+s29], $0x20, s28, s29, $0xb8;
	[tilespmem:$0x5400] =	vst v63  }
0x6c: {  	_ =	swait.ge [sflag:s17], $0x1000  }
0x6d: {  	[sflag:s17] =	ssyncset.done $0x0  }
0x6e: {  	s30 =	sadd.s32 s23, s7;
	[sflag:s17] =	ssyncadd.s32 $0xFFFFF000  }
0x6f: {  	[hbm4b:s30+s2] =	stream.linear.scatter [tilespmem:s12], [sflag:$0x7], $0x1000, $0x38;
	[tilespmem:$0x5400] =	vst v63  }
0x70: {  	_ =	swait.ge [sflag:s18], $0x1000  }
0x71: {  	[sflag:s18] =	ssyncset.done $0x0  }
0x72: {  	s23 =	sadd.s32 @!p0 $0x280, s25;
	s25 =	simm.s32 @!p0 $0x2400;
	[sflag:s18] =	ssyncadd.s32 $0xFFFFF000  }
0x73: {  	[tilespmem:s25], [sflag:$0x2] =	stream.indirect.gather @!p0 [hbm4b:s3+s29], $0x20, s23, s29, $0xb8;
	[tilespmem:$0x5400] =	vst v63  }
0x74: {  	_ =	swait.ge [sflag:s19], $0x1000  }
0x75: {  	[sflag:s19] =	ssyncset.done $0x0  }
0x76: {  	s22 =	sadd.s32 $0x1, s22;
	s31 =	sadd.s32 $0x600, s31;
	[sflag:s19] =	ssyncadd.s32 $0xFFFFF000  }
0x77: {  	[hbm4b:s31+s2] =	stream.linear.scatter [tilespmem:s14], [sflag:$0x8], $0x1000, $0x38;
	[tilespmem:$0x5400] =	vst v63  }
0x78: {  	p0 =	sne.s32 s22, s6;
	_ =	swait.ge [sflag:s20], $0x1000  }
.Ltmp1:
0x79: {  	[sflag:s20] =	ssyncset.done $0x0;
	(pc) =	sbr.rel @p0 .LBB2_1-.Ltmp1, $4  }
0x7a: {  	[sflag:s20] =	ssyncadd.s32 $0xFFFFF000  }
0x7b: {  	_ =	swait.ge [sflag:s21], $0x1000  }
0x7c: {  	[sflag:s21] =	ssyncset.done $0x0  }
0x7d: {  	[sflag:s21] =	ssyncadd.s32 $0xFFFFF000  }
0x7e: {  	_ =	sfence.sel $0x180000  }
0x7f: {  	[bflag:$0x0] =	sbarrier.arrive $0xFFFF  }
0x80: {  	p0 =	sne.s32 s0, $0x0;
	_ =	strace $0x90000047  }
0x81: {  	s0 =	sadd.s32 @!p0 $0x100000, s1;
	[bflag:$0x2] =	sbarrier.arrive $0xFFFF  }
0x82: {  	[sflag:s0] =	ssyncadd.tile.s32 @!p0 $0x1;
	_ =	shalt  }
.Lfunc_end2:
_tile_overlayer_lowered:
.L_overlay_start_2:
0x83: {  	(tag) =	ssettag $0x2  }
0x84: {  	s0 =	rddreg [dreg:$0x0];
	s2 =	stileid.u32  }
0x85: {  	s1 =	rddreg [dreg:$0x1];
	p0 =	sne.s32 s2, $0x0  }
0x86: {  	s3 =	rddreg [dreg:$0x2];
	[bflag:$0x3] =	sbarrier.arrive $0xFFFF;
	s2 =	simm.s32 @!p0 $0x1C09  }
0x87: {  	[timem:s3], [sflag:s2] =	dma.local @!p0 [hbm:s0], s1  }
0x88: {  	s0 =	simm.s32 @!p0 $0x9  }
0x89: {  	_ =	swait.ge @!p0 [sflag:s0], s1  }
0x8a: {  	s1 =	ssub.s32 @!p0 $0x0, s1;
	[sflag:s0] =	ssyncset.done @!p0 $0x0  }
0x8b: {  	[sflag:s0] =	ssyncadd.s32 @!p0 s1  }
0x8c: {  	[bflag:$0x3] =	sbarrier.arrive $0xFFFF  }
0x8d: {  	_ =	shalt  }

// kernel: kernel.14.cloned.1.call-start
scs
__scs_entry_jumppad:
0x0: {  	(pc) =	sbr.rel $0x88, $3  }
0x1: {  	(tag) =	ssettag $0x0;
	lr =	simm.s32 $0x1  }
0x2: {  	[smem:$0x3F93] =	sst lr;
	_ =	strace $0xD0000000  }
0x3: {  	_ = 	snop  }
0x4: {  	_ = 	snop  }
0x5: {  	_ = 	snop  }
0x6: {  	_ = 	snop  }
0x7: {  	_ = 	snop  }
__scs_overlays_trampoline_lowered:
0x8: {  	[smem:$0x3FA2] =	sst s0  }
0x9: {  	[smem:$0x3FA3] =	sst s1  }
0xa: {  	[smem:$0x3FA4] =	sst s2  }
0xb: {  	[smem:$0x3FA5] =	sst s3  }
0xc: {  	[smem:$0x3FA6] =	sst s4  }
0xd: {  	[smem:$0x3FA7] =	sst s5  }
0xe: {  	[smem:$0x3FA8] =	sst s6  }
0xf: {  	[smem:$0x3FA9] =	sst s7  }
0x10: {  	[smem:$0x3FAA] =	sst s8  }
0x11: {  	[smem:$0x3FAB] =	sst s9;
	s0 =	simm.s32 @!p0 $0x0  }
0x12: {  	s1 =	sld [smem:$0x3F91];
	s0 =	simm.s32 @p0 $0x1  }
0x13: {  	[smem:$0x3FAC] =	sst s0;
	s0 =	simm.s32 @!p1 $0x0  }
0x14: {  	s2 =	sld [smem:$0x3F90];
	s0 =	simm.s32 @p1 $0x1  }
0x15: {  	[smem:$0x3FAD] =	sst s0;
	s0 =	simm.s32 @!p2 $0x0  }
0x16: {  	s3 =	sld [smem:$0x3FDB];
	s0 =	simm.s32 @p2 $0x1  }
0x17: {  	s4 =	simm.s32 $0x1BF5;
	[smem:$0x3FAF] =	sst s0  }
0x18: {  	s0 =	sld [smem:$0x3F92];
	_ =	swait.ge [sflag:s4], $0x0  }
0x19: {  	s7 =	sld [smem:$0x3F93]  }
0x1a: {  	s8 =	sadd.s32 $0xFFFFE003, lr  }
0x1b: {  	s9 =	sadd.s32 $0xFFFFFEF7, lr;
	s5 =	simm.s32 $0xFFFFFFFF;
	p2 =	slt.u32 s8, $0xFFFFF086  }
0x1c: {  	p1 =	slt.u32 s9, $0xF7A;
	s5 =	simm.s32 @!p2 $0x0  }
0x1d: {  	s5 =	simm.s32 @p1 $0x1;
	p0 =	seq.s32 s7, s2  }
0x1e: {  	s7 =	smul.u32 @!p0 $0xF7A, s2;
	p2 =	seq.s32 @!p0 s5, $0x0  }
0x1f: {  	s9 =	smul.u32 $0xF7A, s1;
	s8 =	simm.s32 @!p0 $0x1BF5;
	p2 =	por !p2, p0  }
0x20: {  	[sflag:s8] =	ssyncset.s32 @!p0 $0xFFFFF086;
	s6 =	sadd.s32 @!p0 s3, s7;
	s7 =	simm.s32 @!p0 $0x108  }
0x21: {  	s3 =	sadd.s32 s3, s9;
	s6 =	sadd.s32 @!p0 $0x88, s6;
	s7 =	simm.s32 @p2 $0x1082  }
0x22: {  	[simem:s7], [sflag:s8] =	dma.local @!p0 [hbm:s6], $0xF7A  }
0x23: {  	s9 =	sor.u32 $0xD0000000, s2;
	s6 =	simm.s32 $0x108;
	_ =	swait.ge @!p0 [sflag:s8], $0x0  }
0x24: {  	s3 =	sadd.s32 $0x88, s3;
	s6 =	simm.s32 @!p1 $0x1082;
	[sflag:s4] =	ssyncset.s32 $0xFFFFF086  }
0x25: {  	[simem:s6], [sflag:s4] =	dma.local [hbm:s3], $0xF7A  }
0x26: {  	[smem:$0x3F93] =	sst s1;
	(tag) =	ssettag s2;
	_ =	strace s9  }
0x27: {  	s1 =	sld [smem:$0x3FA3]  }
0x28: {  	s2 =	sld [smem:$0x3FA4]  }
0x29: {  	s4 =	sld [smem:$0x3FA6]  }
0x2a: {  	p0 =	seq.s32 s5, $0x0;
	s5 =	sld [smem:$0x3FA7]  }
0x2b: {  	s6 =	sld [smem:$0x3FA8]  }
0x2c: {  	s7 =	sld [smem:$0x3FA9]  }
0x2d: {  	s3 =	simm.s32 $0x108;
	s8 =	sld [smem:$0x3FAA]  }
0x2e: {  	s3 =	simm.s32 @!p0 $0x1082;
	s9 =	sld [smem:$0x3FAB]  }
0x2f: {  	lr =	sadd.s32 s0, s3;
	s0 =	sld [smem:$0x3FA2]  }
0x30: {  	s3 =	sld [smem:$0x3FA5]  }
0x31: {  	[smem:$0x3FAE] =	sst s10  }
0x32: {  	s10 =	sld [smem:$0x3FAC];
	_ =	sdelay $0x3  }
0x33: {  	p0 =	seq.s32 s10, $0x1;
	s10 =	sld [smem:$0x3FAE];
	_ =	sdelay $0x3  }
0x34: {  	[smem:$0x3FAE] =	sst s10  }
0x35: {  	s10 =	sld [smem:$0x3FAD];
	_ =	sdelay $0x3  }
0x36: {  	p1 =	seq.s32 s10, $0x1;
	s10 =	sld [smem:$0x3FAE];
	_ =	sdelay $0x3  }
0x37: {  	[smem:$0x3FAE] =	sst s10  }
0x38: {  	s10 =	sld [smem:$0x3FAF]  }
0x39: {  	_ = 	snop;
	(pc) =	sbr.ind lr, $3  }
0x3a: {  	_ = 	snop  }
0x3b: {  	_ = 	snop  }
0x3c: {  	p2 =	seq.s32 s10, $0x1;
	s10 =	sld [smem:$0x3FAE]  }
0x3d: {  	_ =	shalt  }
0x3e: {  	_ =	shalt  }
0x3f: {  	_ =	shalt  }
0x40: {  	_ =	shalt  }
0x41: {  	_ =	shalt  }
0x42: {  	_ =	shalt  }
0x43: {  	_ =	shalt  }
0x44: {  	_ =	shalt  }
0x45: {  	_ =	shalt  }
0x46: {  	_ =	shalt  }
0x47: {  	_ =	shalt  }
0x48: {  	_ =	shalt  }
0x49: {  	_ =	shalt  }
0x4a: {  	_ =	shalt  }
0x4b: {  	_ =	shalt  }
0x4c: {  	_ =	shalt  }
0x4d: {  	_ =	shalt  }
0x4e: {  	_ =	shalt  }
0x4f: {  	_ =	shalt  }
0x50: {  	_ =	shalt  }
0x51: {  	_ =	shalt  }
0x52: {  	_ =	shalt  }
0x53: {  	_ =	shalt  }
0x54: {  	_ =	shalt  }
0x55: {  	_ =	shalt  }
0x56: {  	_ =	shalt  }
0x57: {  	_ =	shalt  }
0x58: {  	_ =	shalt  }
0x59: {  	_ =	shalt  }
0x5a: {  	_ =	shalt  }
0x5b: {  	_ =	shalt  }
0x5c: {  	_ =	shalt  }
0x5d: {  	_ =	shalt  }
0x5e: {  	_ =	shalt  }
0x5f: {  	_ =	shalt  }
0x60: {  	_ =	shalt  }
0x61: {  	_ =	shalt  }
0x62: {  	_ =	shalt  }
0x63: {  	_ =	shalt  }
0x64: {  	_ =	shalt  }
0x65: {  	_ =	shalt  }
0x66: {  	_ =	shalt  }
0x67: {  	_ =	shalt  }
0x68: {  	_ =	shalt  }
0x69: {  	_ =	shalt  }
0x6a: {  	_ =	shalt  }
0x6b: {  	_ =	shalt  }
0x6c: {  	_ =	shalt  }
0x6d: {  	_ =	shalt  }
0x6e: {  	_ =	shalt  }
0x6f: {  	_ =	shalt  }
0x70: {  	_ =	shalt  }
0x71: {  	_ =	shalt  }
0x72: {  	_ =	shalt  }
0x73: {  	_ =	shalt  }
0x74: {  	_ =	shalt  }
0x75: {  	_ =	shalt  }
0x76: {  	_ =	shalt  }
0x77: {  	_ =	shalt  }
0x78: {  	_ =	shalt  }
0x79: {  	_ =	shalt  }
0x7a: {  	_ =	shalt  }
0x7b: {  	_ =	shalt  }
0x7c: {  	_ =	shalt  }
0x7d: {  	_ =	shalt  }
0x7e: {  	_ =	shalt  }
0x7f: {  	_ =	shalt  }
0x80: {  	_ =	shalt  }
0x81: {  	_ =	shalt  }
0x82: {  	_ =	shalt  }
0x83: {  	_ =	shalt  }
0x84: {  	_ =	shalt  }
0x85: {  	_ =	shalt  }
0x86: {  	_ =	shalt  }
0x87: {  	_ =	shalt  }
.Lfunc_end0:
.L_simem_size_0:
called_computation.1_lowered:
.L_overlay_start_0:
0x88: {  	s2 =	sld [smem:$0x3FD9]  }
0x89: {  	s3 =	sld [smem:$0x3FFE];
	_ =	sdelay $0x1  }
0x8a: {  	s1 =	srdreg.scid  }
0x8b: {  	s0 =	sand.u32 $0x1, s1  }
0x8c: {  	s14 =	sshll.u32 s0, $0xA;
	s2 =	sadd.s32 s3, s2  }
0x8d: {  	s2 =	sadd.s32 s2, s14  }
0x8e: {  	[smem:$0x3FBA] =	sst s2  }
0x8f: {  	_ = 	snop  }
0x90: {  	s2 =	sld [smem:$0x3FD0];
	_ =	sdelay $0x2  }
0x91: {  	s15 =	simm.s32 $0xA;
	s4 =	simm.s32 $0x10  }
0x92: {  	[smem:s4], [sflag:s15] =	dma.local [hbm:s2], $0x1  }
0x93: {  	_ =	swait.eq [sflag:s15], $0x1  }
0x94: {  	[sflag:s15] =	ssyncset.done $0x0  }
0x95: {  	[sflag:s15] =	ssyncadd.s32 $0xFFFFFFFF  }
0x96: {  	s16 =	sld [smem:$0x10];
	(tm) =	ssettm $0x1  }
0x97: {  	s17 =	sld [smem:$0x3FFB];
	_ =	sdelay $0x3  }
0x98: {  	_ =	strace s17  }
0x99: {  	s3 =	sld [smem:$0x3FFC];
	_ =	sdelay $0x3  }
0x9a: {  	_ =	strace s3  }
0x9b: {  	s3 =	sld [smem:$0x3FFD];
	_ =	sdelay $0x3  }
0x9c: {  	_ =	strace s3  }
0x9d: {  	_ =	strace $0x8FFFFFFF  }
0x9e: {  	s18 =	sld [smem:$0x3FDB];
	_ =	sdelay $0x1  }
0x9f: {  	s19 =	simm.s32 $_scs_section_size  }
0xa0: {  	s5 =	simm.s32 $_size__tile_overlayer_lowered;
	s6 =	simm.s32 $_tile_overlayer_lowered  }
0xa1: {  	s22 =	simm.s32 $0x1BFF;
	s21 =	sshll.u32 s6, $0x1;
	s3 =	sadd.s32 s19, s18  }
0xa2: {  	s7 =	simm.s32 $0x0;
	s20 =	sshll.u32 s5, $0x1;
	s5 =	sadd.s32 s21, s3  }
0xa3: {  	[timem:s7], [sflag:s22] =	dma.local [hbm:s5], s20  }
0xa4: {  	_ =	swait.ge [sflag:s22], s20  }
0xa5: {  	s4 =	ssub.s32 $0x0, s20;
	[sflag:s22] =	ssyncset.done $0x0  }
0xa6: {  	[sflag:s22] =	ssyncadd.s32 s4;
	_ =	sdelay $0x1  }
0xa7: {  	s23 =	simm.s32 $0x1B8B  }
0xa8: {  	_ =	swait.ge [sflag:s23], $0x1  }
0xa9: {  	[sflag:s23] =	ssyncset.done $0x0  }
0xaa: {  	s25 =	simm.s32 $0x1B8E;
	s24 =	sld [smem:$0x3FFE];
	[sflag:s23] =	ssyncadd.s32 $0xFFFFFFFF  }
0xab: {  	s26 =	simm.s32 $execute0_lowered;
	[smem:$0x3FD2] =	sst s25  }
0xac: {  	s5 =	sshll.u32 s26, $0x1;
	_ =	strace $0x80000049;
	[dreg:$0x1] =	wrdreg $0xFFFFFFFF  }
0xad: {  	s28 =	simm.s32 $_size_execute0_lowered;
	s3 =	sadd.s32 s3, s5;
	[dreg:$0x0] =	wrdreg $0x0  }
0xae: {  	s5 =	sshll.u32 s28, $0x1;
	[dreg:$0x2] =	wrdreg s3  }
0xaf: {  	[dreg:$0x3] =	wrdreg s5  }
0xb0: {  	[dreg:$0x4] =	wrdreg $0xC0  }
0xb1: {  	_ =	task [dreg:s7], $0x5FFFF  }
0xb2: {  	[dreg:$0x1] =	wrdreg $0xFFFFFFFF  }
0xb3: {  	[dreg:$0x0] =	wrdreg $0x60  }
0xb4: {  	[dreg:$0x2] =	wrdreg s16  }
0xb5: {  	[dreg:$0x3] =	wrdreg s24  }
0xb6: {  	[dreg:$0x4] =	wrdreg $0x9  }
0xb7: {  	_ =	task.clear_ibuf [dreg:s7], $0x5FFFF;
	_ =	strace $0x90000049  }
0xb8: {  	s29 =	simm.s32 $0x9;
	_ =	strace $0x8000004B  }
0xb9: {  	_ =	swait.ge [sflag:s29], $0x1  }
0xba: {  	[sflag:s29] =	ssyncadd.s32 $0xFFFFFFFF  }
0xbb: {  	_ =	strace $0x9000004B  }
0xbc: {  	_ =	sfence  }
0xbd: {  	s30 =	sld [smem:$0x0];
	_ =	sdelay $0x2  }
0xbe: {  	s31 =	sshll.u32 s1, $0xD;
	s1 =	sshrl.u32 s1, $0x2  }
0xbf: {  	s3 =	sand.u32 $0x4000, s31;
	s1 =	sadd.s32 s1, s30  }
0xc0: {  	s0 =	sor.u32 s3, s0;
	s1 =	sshll.u32 s1, $0x11  }
0xc1: {  	s0 =	sor.u32 s1, s0  }
0xc2: {  	s0 =	sadd.s32 $0x8F2B, s0  }
0xc3: {  	[sflag:s0] =	ssyncadd.remote.s32 $0x1  }
0xc4: {  	_ =	sfence.sel $0xFFFF  }
0xc5: {  	[dreg:$0x0] =	wrdreg $0xFFFFFFFF;
	(pc) =	sbr.abs _section_cstart, $3  }
0xc6: {  	[dreg:$0x1] =	wrdreg $0xFFFFFFFF  }
0xc7: {  	_ =	task.clear_ibuf [dreg:s7], $0x2FFFF;
	_ =	strace $0x9FFFFFFF  }
0xc8: {  	(tm) =	ssettm $0x7FFFFFFF  }
0xc9: {  	_ =	shalt  }
tec
execute0_lowered:
.L_overlay_start_1:
0x0: {  	(tag) =	ssettag $0x1  }
0x1: {  	s1 =	srdreg.scid  }
0x2: {  	s0 =	stileid.u32;
	s4 =	rddreg [dreg:$0x0]  }
0x3: {  	s6 =	rddreg [dreg:$0x1];
	s2 =	simm.s32 $0x0;
	s13 =	simm.s32 $0x1  }
0x4: {  	s14 =	simm.s32 $0x4400;
	s15 =	simm.s32 $0x2;
	s16 =	simm.s32 $0x5  }
0x5: {  	s17 =	simm.s32 $0x3;
	s18 =	simm.s32 $0x6;
	s19 =	simm.s32 $0x4  }
0x6: {  	s20 =	simm.s32 $0x7;
	s21 =	simm.s32 $0x8;
	s8 =	smul.u32 $0x50, s0  }
0x7: {  	s22 =	simm.s32 $0x0;
	s5 =	sand.u32 $0x1, s1;
	s11 =	smul.u32 $0xA000, s0  }
0x8: {  	s28 =	sshll.u32 s0, $0x1;
	s1 =	rddreg [dreg:$0x2];
	s9 =	smul.u32 $0x28, s5  }
0x9: {  	[smem:$0x7FF] =	sst s2;
	s3 =	sor.u32 s5, s28;
	s29 =	smul.u32 $0x5000, s5  }
0xa: {  	_ =	strace $0x8000004A;
	s10 =	ssub.s32 $0x2, s5;
	s7 =	smul.u32 $0x280, s3  }
0xb: {  	s3 =	sadd.s32 $0x1E00, s6;
	s6 =	sadd.s32 $0xBE00, s6;
	s12 =	sshrl.u32 s10, $0x1  }
0xc: {  	s8 =	sadd.s32 s9, s8;
	s10 =	ssub.s32 s10, s12;
	s31 =	sadd.s32 s11, s6  }
0xd: {  	s9 =	simm.s32 $0x80;
	s11 =	simm.s32 $0x2400;
	s12 =	simm.s32 $0x3400  }
0xe: {  	s30 =	sshll.u32 s8, $0x9;
	s4 =	sadd.s32 s4, s7;
	s8 =	sadd.s32 s29, s31  }
0xf: {  	s5 =	sadd.s32 s30, s6;
	s6 =	smax.u32 s10, $0x1;
	[dreg:$0x3] =	wrdreg s8  }
0x10: {  	s8 =	simm.s32 $0x9;
	s10 =	simm.s32 $0x1400;
	s7 =	sadd.s32 $0x400, s5  }
.LBB2_1:
0x11: {  	[tilespmem:s2], [sflag:$0x9] =	stream.linear.gather [hbm4b:s4+s2], $0x1400, $0x38;
	[tilespmem:$0x5400] =	vst v63  }
0x12: {  	_ =	swait.ge [sflag:s8], $0x1400  }
0x13: {  	[sflag:s8] =	ssyncset.done $0x0  }
0x14: {  	p0 =	por $0x1, $0x1;
	[sflag:s8] =	ssyncadd.s32 $0xFFFFEC00  }
0x15: {  	[tilespmem:s10], [sflag:$0x1] =	stream.indirect.gather [hbm4b:s3+s9], $0x20, s2, s9, $0xb8;
	[tilespmem:$0x5400] =	vst v63  }
0x16: {  	s23 =	simm.s32 @!p0 $0x7  }
0x17: {  	[tilespmem:s11], [sflag:$0x2] =	stream.indirect.gather [hbm4b:s3+s9], $0x20, s9, s9, $0xb8;
	[tilespmem:$0x5400] =	vst v63  }
0x18: {  	_ =	swait.ge @!p0 [sflag:s23], $0x1000  }
0x19: {  	[sflag:s23] =	ssyncset.done @!p0 $0x0  }
0x1a: {  	s26 =	simm.s32 $0x100;
	[sflag:s23] =	ssyncadd.s32 @!p0 $0xFFFFF000  }
0x1b: {  	[tilespmem:s12], [sflag:$0x3] =	stream.indirect.gather [hbm4b:s3+s9], $0x20, s26, s9, $0xb8;
	[tilespmem:$0x5400] =	vst v63  }
0x1c: {  	_ =	swait.ge [sflag:s13], $0x1000  }
0x1d: {  	s28 =	rddreg [dreg:$0x3];
	[sflag:s13] =	ssyncset.done $0x0  }
0x1e: {  	s24 =	simm.s32 @!p0 $0x8;
	[sflag:s13] =	ssyncadd.s32 $0xFFFFF000;
	s23 =	sadd.s32 $0x0, s28  }
0x1f: {  	[hbm4b:s23+s2] =	stream.linear.scatter [tilespmem:s10], [sflag:$0x5], $0x1000, $0x38;
	[tilespmem:$0x5400] =	vst v63  }
0x20: {  	_ =	swait.ge @!p0 [sflag:s24], $0x1000  }
0x21: {  	[sflag:s24] =	ssyncset.done @!p0 $0x0  }
0x22: {  	s29 =	simm.s32 $0x180;
	[sflag:s24] =	ssyncadd.s32 @!p0 $0xFFFFF000  }
0x23: {  	[tilespmem:s14], [sflag:$0x4] =	stream.indirect.gather [hbm4b:s3+s9], $0x20, s29, s9, $0xb8;
	[tilespmem:$0x5400] =	vst v63  }
0x24: {  	_ =	swait.ge [sflag:s15], $0x1000  }
0x25: {  	s25 =	sadd.s32 $0x0, s5;
	[sflag:s15] =	ssyncset.done $0x0  }
0x26: {  	s30 =	sadd.s32 $0x200, s25;
	[sflag:s15] =	ssyncadd.s32 $0xFFFFF000  }
0x27: {  	[hbm4b:s30+s2] =	stream.linear.scatter [tilespmem:s11], [sflag:$0x6], $0x1000, $0x38;
	[tilespmem:$0x5400] =	vst v63  }
0x28: {  	p0 =	por $0x0, $0x0;
	_ =	swait.ge [sflag:s16], $0x1000  }
0x29: {  	s23 =	simm.s32 @!p0 $0x1400;
	[sflag:s16] =	ssyncset.done $0x0  }
0x2a: {  	s24 =	simm.s32 @!p0 $0x200;
	s26 =	simm.s32 @!p0 $0x80;
	[sflag:s16] =	ssyncadd.s32 $0xFFFFF000  }
0x2b: {  	[tilespmem:s23], [sflag:$0x1] =	stream.indirect.gather @!p0 [hbm4b:s3+s26], $0x20, s24, s26, $0xb8;
	[tilespmem:$0x5400] =	vst v63  }
0x2c: {  	_ =	swait.ge [sflag:s17], $0x1000  }
0x2d: {  	[sflag:s17] =	ssyncset.done $0x0  }
0x2e: {  	s31 =	sadd.s32 $0x0, s7;
	[sflag:s17] =	ssyncadd.s32 $0xFFFFF000  }
0x2f: {  	[hbm4b:s31+s2] =	stream.linear.scatter [tilespmem:s12], [sflag:$0x7], $0x1000, $0x38;
	[tilespmem:$0x5400] =	vst v63  }
0x30: {  	_ =	swait.ge [sflag:s18], $0x1000  }
0x31: {  	[sflag:s18] =	ssyncset.done $0x0  }
0x32: {  	s23 =	simm.s32 @!p0 $0x280;
	s24 =	simm.s32 @!p0 $0x2400;
	[sflag:s18] =	ssyncadd.s32 $0xFFFFF000  }
0x33: {  	[tilespmem:s24], [sflag:$0x2] =	stream.indirect.gather @!p0 [hbm4b:s3+s26], $0x20, s23, s26, $0xb8;
	[tilespmem:$0x5400] =	vst v63  }
0x34: {  	p1 =	por $0x0, $0x0;
	s23 =	simm.s32 $0x800;
	_ =	swait.ge [sflag:s19], $0x1000  }
0x35: {  	s24 =	simm.s32 $0x1000;
	s26 =	sadd.s32 $0x600, s25;
	[sflag:s19] =	ssyncset.done $0x0  }
.LBB2_2:
0x36: {  	s28 =	simm.s32 @!p1 $0x7;
	[sflag:s19] =	ssyncadd.s32 $0xFFFFF000  }
0x37: {  	[hbm4b:s26+s2] =	stream.linear.scatter [tilespmem:s14], [sflag:$0x8], $0x1000, $0x38;
	[tilespmem:$0x5400] =	vst v63  }
0x38: {  	_ =	swait.ge @!p1 [sflag:s28], $0x1000  }
0x39: {  	s26 =	sshra.s32 s23, $0x2;
	[sflag:s28] =	ssyncset.done @!p1 $0x0  }
0x3a: {  	s30 =	sadd.s32 $0x100, s26;
	[sflag:s28] =	ssyncadd.s32 @!p1 $0xFFFFF000  }
0x3b: {  	[tilespmem:s12], [sflag:$0x3] =	stream.indirect.gather [hbm4b:s3+s9], $0x20, s30, s9, $0xb8;
	[tilespmem:$0x5400] =	vst v63  }
0x3c: {  	_ =	swait.ge [sflag:s13], $0x1000  }
0x3d: {  	s31 =	rddreg [dreg:$0x3];
	[sflag:s13] =	ssyncset.done $0x0  }
0x3e: {  	s29 =	simm.s32 @!p1 $0x8;
	[sflag:s13] =	ssyncadd.s32 $0xFFFFF000;
	s28 =	sadd.s32 s23, s31  }
0x3f: {  	[hbm4b:s28+s2] =	stream.linear.scatter [tilespmem:s10], [sflag:$0x5], $0x1000, $0x38;
	[tilespmem:$0x5400] =	vst v63  }
0x40: {  	_ =	swait.ge @!p1 [sflag:s29], $0x1000  }
0x41: {  	[sflag:s29] =	ssyncset.done @!p1 $0x0  }
0x42: {  	s26 =	sadd.s32 $0x180, s26;
	[sflag:s29] =	ssyncadd.s32 @!p1 $0xFFFFF000  }
0x43: {  	[tilespmem:s14], [sflag:$0x4] =	stream.indirect.gather [hbm4b:s3+s9], $0x20, s26, s9, $0xb8;
	[tilespmem:$0x5400] =	vst v63  }
0x44: {  	_ =	swait.ge [sflag:s15], $0x1000  }
0x45: {  	s26 =	sadd.s32 s23, s5;
	[sflag:s15] =	ssyncset.done $0x0  }
0x46: {  	s29 =	sadd.s32 $0x200, s26;
	[sflag:s15] =	ssyncadd.s32 $0xFFFFF000  }
0x47: {  	[hbm4b:s29+s2] =	stream.linear.scatter [tilespmem:s11], [sflag:$0x6], $0x1000, $0x38;
	[tilespmem:$0x5400] =	vst v63  }
0x48: {  	p1 =	seq.s32 s23, $0x4800;
	_ =	swait.ge [sflag:s16], $0x1000  }
0x49: {  	s28 =	sshra.s32 @!p1 s23, $0x2;
	s31 =	simm.s32 @!p1 $0x80;
	[sflag:s16] =	ssyncset.done $0x0  }
0x4a: {  	s30 =	sadd.s32 @!p1 $0x200, s28;
	s29 =	simm.s32 @!p1 $0x1400;
	[sflag:s16] =	ssyncadd.s32 $0xFFFFF000  }
0x4b: {  	[tilespmem:s29], [sflag:$0x1] =	stream.indirect.gather @!p1 [hbm4b:s3+s31], $0x20, s30, s31, $0xb8;
	[tilespmem:$0x5400] =	vst v63  }
0x4c: {  	_ =	swait.ge [sflag:s17], $0x1000  }
0x4d: {  	s25 =	smov.u32 s24;
	[sflag:s17] =	ssyncset.done $0x0  }
0x4e: {  	s24 =	sadd.s32 $0x800, s24;
	s30 =	sadd.s32 s23, s7;
	[sflag:s17] =	ssyncadd.s32 $0xFFFFF000  }
0x4f: {  	[hbm4b:s30+s2] =	stream.linear.scatter [tilespmem:s12], [sflag:$0x7], $0x1000, $0x38;
	[tilespmem:$0x5400] =	vst v63  }
0x50: {  	p0 =	sne.s32 s24, $0x5000;
	_ =	swait.ge [sflag:s18], $0x1000  }
.Ltmp0:
0x51: {  	s28 =	sadd.s32 @!p1 $0x280, s28;
	[sflag:s18] =	ssyncset.done $0x0;
	(pc) =	sbr.rel @p0 .LBB2_2-.Ltmp0, $4  }
0x52: {  	s23 =	smov.u32 s25;
	s25 =	simm.s32 @!p1 $0x2400;
	[sflag:s18] =	ssyncadd.s32 $0xFFFFF000  }
0x53: {  	[tilespmem:s25], [sflag:$0x2] =	stream.indirect.gather @!p1 [hbm4b:s3+s31], $0x20, s28, s31, $0xb8;
	[tilespmem:$0x5400] =	vst v63  }
0x54: {  	_ =	swait.ge [sflag:s19], $0x1000  }
0x55: {  	s26 =	sadd.s32 $0x600, s26;
	p1 =	seq.s32 s23, $0x0;
	[sflag:s19] =	ssyncset.done $0x0  }
0x56: {  	s24 =	simm.s32 @!p1 $0x7;
	[sflag:s19] =	ssyncadd.s32 $0xFFFFF000  }
0x57: {  	[hbm4b:s26+s2] =	stream.linear.scatter [tilespmem:s14], [sflag:$0x8], $0x1000, $0x38;
	[tilespmem:$0x5400] =	vst v63  }
0x58: {  	_ =	swait.ge @!p1 [sflag:s24], $0x1000  }
0x59: {  	s25 =	sshra.s32 s23, $0x2;
	[sflag:s24] =	ssyncset.done @!p1 $0x0  }
0x5a: {  	s28 =	sadd.s32 $0x100, s25;
	[sflag:s24] =	ssyncadd.s32 @!p1 $0xFFFFF000  }
0x5b: {  	[tilespmem:s12], [sflag:$0x3] =	stream.indirect.gather [hbm4b:s3+s9], $0x20, s28, s9, $0xb8;
	[tilespmem:$0x5400] =	vst v63  }
0x5c: {  	_ =	swait.ge [sflag:s13], $0x1000  }
0x5d: {  	s29 =	rddreg [dreg:$0x3];
	[sflag:s13] =	ssyncset.done $0x0  }
0x5e: {  	s26 =	simm.s32 @!p1 $0x8;
	[sflag:s13] =	ssyncadd.s32 $0xFFFFF000;
	s24 =	sadd.s32 s23, s29  }
0x5f: {  	[hbm4b:s24+s2] =	stream.linear.scatter [tilespmem:s10], [sflag:$0x5], $0x1000, $0x38;
	[tilespmem:$0x5400] =	vst v63  }
0x60: {  	_ =	swait.ge @!p1 [sflag:s26], $0x1000  }
0x61: {  	[sflag:s26] =	ssyncset.done @!p1 $0x0  }
0x62: {  	s30 =	sadd.s32 $0x180, s25;
	[sflag:s26] =	ssyncadd.s32 @!p1 $0xFFFFF000  }
0x63: {  	[tilespmem:s14], [sflag:$0x4] =	stream.indirect.gather [hbm4b:s3+s9], $0x20, s30, s9, $0xb8;
	[tilespmem:$0x5400] =	vst v63  }
0x64: {  	_ =	swait.ge [sflag:s15], $0x1000  }
0x65: {  	s31 =	sadd.s32 s23, s5;
	[sflag:s15] =	ssyncset.done $0x0  }
0x66: {  	p0 =	seq.s32 s23, $0x4800;
	s29 =	sadd.s32 $0x200, s31;
	[sflag:s15] =	ssyncadd.s32 $0xFFFFF000  }
0x67: {  	[hbm4b:s29+s2] =	stream.linear.scatter [tilespmem:s11], [sflag:$0x6], $0x1000, $0x38;
	[tilespmem:$0x5400] =	vst v63  }
0x68: {  	s25 =	sshra.s32 @!p0 s23, $0x2;
	_ =	swait.ge [sflag:s16], $0x1000  }
0x69: {  	s28 =	sadd.s32 @!p0 $0x200, s25;
	[sflag:s16] =	ssyncset.done $0x0  }
0x6a: {  	s26 =	simm.s32 @!p0 $0x1400;
	s29 =	simm.s32 @!p0 $0x80;
	[sflag:s16] =	ssyncadd.s32 $0xFFFFF000  }
0x6b: {  	[tilespmem:s26], [sflag:$0x1] =	stream.indirect.gather @!p0 [hbm4b:s3+s29], $0x20, s28, s29, $0xb8;
	[tilespmem:$0x5400] =	vst v63  }
0x6c: {  	_ =	swait.ge [sflag:s17], $0x1000  }
0x6d: {  	[sflag:s17] =	ssyncset.done $0x0  }
0x6e: {  	s30 =	sadd.s32 s23, s7;
	[sflag:s17] =	ssyncadd.s32 $0xFFFFF000  }
0x6f: {  	[hbm4b:s30+s2] =	stream.linear.scatter [tilespmem:s12], [sflag:$0x7], $0x1000, $0x38;
	[tilespmem:$0x5400] =	vst v63  }
0x70: {  	_ =	swait.ge [sflag:s18], $0x1000  }
0x71: {  	[sflag:s18] =	ssyncset.done $0x0  }
0x72: {  	s23 =	sadd.s32 @!p0 $0x280, s25;
	s25 =	simm.s32 @!p0 $0x2400;
	[sflag:s18] =	ssyncadd.s32 $0xFFFFF000  }
0x73: {  	[tilespmem:s25], [sflag:$0x2] =	stream.indirect.gather @!p0 [hbm4b:s3+s29], $0x20, s23, s29, $0xb8;
	[tilespmem:$0x5400] =	vst v63  }
0x74: {  	_ =	swait.ge [sflag:s19], $0x1000  }
0x75: {  	[sflag:s19] =	ssyncset.done $0x0  }
0x76: {  	s22 =	sadd.s32 $0x1, s22;
	s31 =	sadd.s32 $0x600, s31;
	[sflag:s19] =	ssyncadd.s32 $0xFFFFF000  }
0x77: {  	[hbm4b:s31+s2] =	stream.linear.scatter [tilespmem:s14], [sflag:$0x8], $0x1000, $0x38;
	[tilespmem:$0x5400] =	vst v63  }
0x78: {  	p0 =	sne.s32 s22, s6;
	_ =	swait.ge [sflag:s20], $0x1000  }
.Ltmp1:
0x79: {  	[sflag:s20] =	ssyncset.done $0x0;
	(pc) =	sbr.rel @p0 .LBB2_1-.Ltmp1, $4  }
0x7a: {  	[sflag:s20] =	ssyncadd.s32 $0xFFFFF000  }
0x7b: {  	_ =	swait.ge [sflag:s21], $0x1000  }
0x7c: {  	[sflag:s21] =	ssyncset.done $0x0  }
0x7d: {  	[sflag:s21] =	ssyncadd.s32 $0xFFFFF000  }
0x7e: {  	_ =	sfence.sel $0x180000  }
0x7f: {  	[bflag:$0x0] =	sbarrier.arrive $0xFFFF  }
0x80: {  	p0 =	sne.s32 s0, $0x0;
	_ =	strace $0x9000004A  }
0x81: {  	s0 =	sadd.s32 @!p0 $0x100000, s1;
	[bflag:$0x2] =	sbarrier.arrive $0xFFFF  }
0x82: {  	[sflag:s0] =	ssyncadd.tile.s32 @!p0 $0x1;
	_ =	shalt  }
.Lfunc_end2:
_tile_overlayer_lowered:
.L_overlay_start_2:
0x83: {  	(tag) =	ssettag $0x2  }
0x84: {  	s0 =	rddreg [dreg:$0x0];
	s2 =	stileid.u32  }
0x85: {  	s1 =	rddreg [dreg:$0x1];
	p0 =	sne.s32 s2, $0x0  }
0x86: {  	s3 =	rddreg [dreg:$0x2];
	[bflag:$0x3] =	sbarrier.arrive $0xFFFF;
	s2 =	simm.s32 @!p0 $0x1C09  }
0x87: {  	[timem:s3], [sflag:s2] =	dma.local @!p0 [hbm:s0], s1  }
0x88: {  	s0 =	simm.s32 @!p0 $0x9  }
0x89: {  	_ =	swait.ge @!p0 [sflag:s0], s1  }
0x8a: {  	s1 =	ssub.s32 @!p0 $0x0, s1;
	[sflag:s0] =	ssyncset.done @!p0 $0x0  }
0x8b: {  	[sflag:s0] =	ssyncadd.s32 @!p0 s1  }
0x8c: {  	[bflag:$0x3] =	sbarrier.arrive $0xFFFF  }
0x8d: {  	_ =	shalt  }

</sc_bundles>
